<compile_context>
chip_gen: v7x
topology: tpu7x:2x2x1
jax: 0.10.2.dev20260603
libtpu: 0.0.44.dev20260713+nightly
codegen_flags: <defaults>
</compile_context>

<pallas_src>
import dataclasses
import functools

import jax
import jax.numpy as jnp
from jax import lax
from jax.experimental import pallas as pl
from jax.experimental.pallas import tpu as pltpu
from jax.experimental.pallas import tpu_sc as plsc

N = 10000
E = 320000
D = 128

NC = 2
NS = 16
NW = NC * NS
CHUNK = 128
NCH = 80
E_PAD = NW * NCH * CHUNK
N_PAD = 10240
RPS = N_PAD // NS

_mesh = plsc.VectorSubcoreMesh(core_axis_name="c", subcore_axis_name="s")

_sc_params = pltpu.CompilerParams()
if "needs_layout_passes" in pltpu.CompilerParams.__dataclass_fields__:
    _sc_params = dataclasses.replace(_sc_params, needs_layout_passes=False)



HR = 128
EPW = NCH * CHUNK
_VEC = 16


@functools.partial(
    pl.kernel,
    mesh=_mesh,
    out_type=[jax.ShapeDtypeStruct((NC, HR, D), jnp.float32),
              jax.ShapeDtypeStruct((NC, HR, D), jnp.float32)],
    scratch_types=[
        pltpu.VMEM((EPW,), jnp.int32),
        pltpu.VMEM((EPW,), jnp.int32),
        pltpu.VMEM((HR, D), jnp.float32),
        pltpu.VMEM((HR, D), jnp.float32),
        pltpu.VMEM((1, HR), jnp.int32),
        pltpu.VMEM_SHARED((HR, D), jnp.float32),
        pltpu.VMEM_SHARED((HR, D), jnp.float32),
    ],
    compiler_params=_sc_params,
)
def _sc_degrees(src_hbm, dst_hbm, rows_hbm, z_hbm, od_hbm, id_hbm,
                src_v, dst_v, hs_v, hd_v, rows_v, od_acc, id_acc):
    c = lax.axis_index("c")
    s = lax.axis_index("s")
    w = c * NS + s
    r0 = s * (HR // NS)
    pltpu.sync_copy(z_hbm.at[pl.ds(0, HR)], hs_v)
    pltpu.sync_copy(z_hbm.at[pl.ds(0, HR)], hd_v)
    pltpu.sync_copy(z_hbm.at[pl.ds(r0, HR // NS)], od_acc.at[pl.ds(r0, HR // NS)])
    pltpu.sync_copy(z_hbm.at[pl.ds(r0, HR // NS)], id_acc.at[pl.ds(r0, HR // NS)])
    pltpu.sync_copy(rows_hbm, rows_v)
    pltpu.sync_copy(src_hbm.at[w], src_v)
    pltpu.sync_copy(dst_hbm.at[w], dst_v)

    one = jnp.full((_VEC,), 1.0, jnp.float32)

    @pl.loop(0, EPW // _VEC)
    def _(k):
        for idx_v, h_v in ((src_v, hs_v), (dst_v, hd_v)):
            n = idx_v[pl.ds(k * _VEC, _VEC)]
            plsc.addupdate_scatter(h_v, [n >> 7, n & 127], one)

    plsc.subcore_barrier()
    pltpu.sync_copy(hs_v, od_acc.at[rows_v.at[0]], add=True)
    pltpu.sync_copy(hd_v, id_acc.at[rows_v.at[0]], add=True)
    plsc.subcore_barrier()
    pltpu.sync_copy(od_acc.at[pl.ds(r0, HR // NS)],
                    od_hbm.at[c].at[pl.ds(r0, HR // NS)])
    pltpu.sync_copy(id_acc.at[pl.ds(r0, HR // NS)],
                    id_hbm.at[c].at[pl.ds(r0, HR // NS)])


STG = 16


def _agg_pipeline(h_hbm, src_w, dst_w, acc, sidx, didx, buf_a, buf_b,
                  sem_a, sem_b, sem_i, nch):
    nstg = nch // STG
    pltpu.async_copy(src_w.at[pl.ds(0, STG)], sidx.at[0], sem_i)
    pltpu.async_copy(dst_w.at[pl.ds(0, STG)], didx.at[0], sem_i)

    @pl.loop(0, nstg)
    def _(t):
        tm = t % 2
        pltpu.make_async_copy(src_w.at[pl.ds(t * STG, STG)],
                              sidx.at[tm], sem_i).wait()
        pltpu.make_async_copy(dst_w.at[pl.ds(t * STG, STG)],
                              didx.at[tm], sem_i).wait()

        @pl.when(t + 1 < nstg)
        def _():
            tn = (t + 1) % 2
            pltpu.async_copy(src_w.at[pl.ds((t + 1) * STG, STG)],
                             sidx.at[tn], sem_i)
            pltpu.async_copy(dst_w.at[pl.ds((t + 1) * STG, STG)],
                             didx.at[tn], sem_i)

        pltpu.async_copy(h_hbm.at[sidx.at[tm, 0]], buf_a, sem_a)
        pltpu.async_copy(h_hbm.at[sidx.at[tm, 1]], buf_b, sem_b)

        @pl.loop(0, STG, step=2)
        def _(j):
            pltpu.make_async_copy(h_hbm.at[sidx.at[tm, j]], buf_a, sem_a).wait()
            pltpu.sync_copy(buf_a, acc.at[didx.at[tm, j]], add=True)

            @pl.when(j + 2 < STG)
            def _():
                pltpu.async_copy(h_hbm.at[sidx.at[tm, j + 2]], buf_a, sem_a)

            pltpu.make_async_copy(h_hbm.at[sidx.at[tm, j + 1]], buf_b,
                                  sem_b).wait()
            pltpu.sync_copy(buf_b, acc.at[didx.at[tm, j + 1]], add=True)

            @pl.when(j + 3 < STG)
            def _():
                pltpu.async_copy(h_hbm.at[sidx.at[tm, j + 3]], buf_b, sem_b)


@functools.partial(
    pl.kernel,
    mesh=_mesh,
    out_type=jax.ShapeDtypeStruct((NC, N_PAD, D), jnp.float32),
    scratch_types=[
        pltpu.VMEM((2, STG, CHUNK), jnp.int32),
        pltpu.VMEM((2, STG, CHUNK), jnp.int32),
        pltpu.VMEM((CHUNK, D), jnp.float32),
        pltpu.VMEM((CHUNK, D), jnp.float32),
        pltpu.VMEM_SHARED((N_PAD, D), jnp.float32),
        pltpu.SemaphoreType.DMA,
        pltpu.SemaphoreType.DMA,
        pltpu.SemaphoreType.DMA,
    ],
)
def _sc_aggregate(h_hbm, src_hbm, dst_hbm, z_hbm, out_hbm,
                  sidx, didx, buf_a, buf_b, acc, sem_a, sem_b, sem_i):
    c = lax.axis_index("c")
    s = lax.axis_index("s")
    w = c * NS + s
    r0 = s * RPS
    pltpu.sync_copy(z_hbm.at[pl.ds(r0, RPS)], acc.at[pl.ds(r0, RPS)])
    plsc.subcore_barrier()
    _agg_pipeline(h_hbm, src_hbm.at[w], dst_hbm.at[w], acc, sidx, didx,
                  buf_a, buf_b, sem_a, sem_b, sem_i, NCH)
    plsc.subcore_barrier()
    pltpu.sync_copy(acc.at[pl.ds(r0, RPS)], out_hbm.at[c].at[pl.ds(r0, RPS)])



_BR = 1024
_GRID = N_PAD // _BR


def _norm(ref):
    return lax.rsqrt(jnp.maximum(ref[...], 1.0))


def _scale_body(x_ref, od_ref, o_ref):
    row = pl.program_id(0) * _BR + lax.broadcasted_iota(jnp.int32, (_BR, D), 0)
    o_ref[...] = jnp.where(row < N, x_ref[...], 0.0) * _norm(od_ref)


def _mid_body(p_ref, od_ref, id_ref, w_ref, b_ref, o_ref):
    dst_n = _norm(id_ref)
    src_n = _norm(od_ref)
    agg = (p_ref[0] + p_ref[1]) * dst_n
    h = jnp.dot(agg, w_ref[...], preferred_element_type=jnp.float32)
    h = jnp.maximum(h + b_ref[...], 0.0) * src_n
    row = pl.program_id(0) * _BR + lax.broadcasted_iota(jnp.int32, (_BR, D), 0)
    o_ref[...] = jnp.where(row < N, h, 0.0)


def _final_body(p_ref, id_ref, w_ref, b_ref, o_ref):
    agg = (p_ref[0] + p_ref[1]) * _norm(id_ref)
    o_ref[...] = jnp.dot(agg, w_ref[...],
                         preferred_element_type=jnp.float32) + b_ref[...]


_deg_spec = pl.BlockSpec((_BR, 1), lambda i: (i, 0))
_part_spec = pl.BlockSpec((NC, _BR, D), lambda i: (0, i, 0))
_row_spec = pl.BlockSpec((_BR, D), lambda i: (i, 0))
_w_spec = pl.BlockSpec((D, D), lambda i: (0, 0))
_b_spec = pl.BlockSpec((1, D), lambda i: (0, 0))
_out_struct = jax.ShapeDtypeStruct((N_PAD, D), jnp.float32)

_tc_scale = pl.pallas_call(
    _scale_body, grid=(_GRID,), in_specs=[_row_spec, _deg_spec],
    out_specs=_row_spec, out_shape=_out_struct)

_tc_mid = pl.pallas_call(
    _mid_body, grid=(_GRID,),
    in_specs=[_part_spec, _deg_spec, _deg_spec, _w_spec, _b_spec],
    out_specs=_row_spec, out_shape=_out_struct)

_tc_final = pl.pallas_call(
    _final_body, grid=(_GRID,),
    in_specs=[_part_spec, _deg_spec, _w_spec, _b_spec],
    out_specs=_row_spec,
    out_shape=jax.ShapeDtypeStruct((N, D), jnp.float32))



def kernel(inputs, edge_index, W1, b1, W2, b2):
    src = edge_index[0].astype(jnp.int32)
    dst = edge_index[1].astype(jnp.int32)
    pad = N + jnp.arange(E_PAD - E, dtype=jnp.int32) % (N_PAD - N)
    src_f = jnp.concatenate([src, pad])
    dst_f = jnp.concatenate([dst, pad])
    src_p = src_f.reshape(NW, NCH, CHUNK)
    dst_p = dst_f.reshape(NW, NCH, CHUNK)

    zeros_d = jnp.zeros((N_PAD, D), jnp.float32)
    rows = jnp.arange(HR, dtype=jnp.int32).reshape(1, HR)

    od, idg = _sc_degrees(src_f.reshape(NW, EPW), dst_f.reshape(NW, EPW),
                          rows, zeros_d)
    od_n = (od[0] + od[1]).reshape(HR * D)[:N_PAD].reshape(N_PAD, 1)
    id_n = (idg[0] + idg[1]).reshape(HR * D)[:N_PAD].reshape(N_PAD, 1)

    h1 = _tc_scale(inputs, od_n)
    p1 = _sc_aggregate(h1, src_p, dst_p, zeros_d)
    h2 = _tc_mid(p1, od_n, id_n, W1, b1.reshape(1, D))
    p2 = _sc_aggregate(h2, src_p, dst_p, zeros_d)
    return _tc_final(p2, id_n, W2, b2.reshape(1, D))

# --- scband reference (transcript-rebuilt; emitter-appended) ---
"""Pipeline reference for scband-dglgraph-conv-13580686590542 (READ-ONLY COPY).

The authoritative reference and input builder live on the scoring server;
editing this copy changes nothing except your own understanding.
"""

import jax, jax.numpy as jnp
import numpy as np

N = 10000
E = 320000
D_IN = 128
D_HID = 128
D_OUT = 128


def _gcn_layer(x, src, dst, W, b):
    # DGL GraphConv with norm='both' (default):
    # h = D_dst^{-1/2} * A^T * (D_src^{-1/2} * x) @ W + b
    ones = jnp.ones((src.shape[0],), dtype=x.dtype)
    out_deg = jax.ops.segment_sum(ones, src, num_segments=N)
    in_deg = jax.ops.segment_sum(ones, dst, num_segments=N)
    src_norm = jax.lax.rsqrt(jnp.clip(out_deg, 1.0, None))
    dst_norm = jax.lax.rsqrt(jnp.clip(in_deg, 1.0, None))
    h = x * src_norm[:, None]
    # in_feats == out_feats for both layers, so DGL aggregates first, then applies W
    msg = h[src]                                   # gather over edges
    agg = jax.ops.segment_sum(msg, dst, num_segments=N)  # scatter-add
    agg = agg * dst_norm[:, None]
    return agg @ W + b


def setup_inputs(seed: int = 0) -> dict:
    key = jax.random.key(seed)
    k1, k2, k3, k4, k5, k6 = jax.random.split(key, 6)
    inputs = jax.random.normal(k1, (N, D_IN), dtype=jnp.float32)
    edge_index = jax.random.randint(k2, (2, E), 0, N).astype(jnp.int64)
    W1 = jax.random.normal(k3, (D_IN, D_HID), dtype=jnp.float32) * (1.0 / np.sqrt(D_IN))
    b1 = jnp.zeros((D_HID,), dtype=jnp.float32)
    W2 = jax.random.normal(k4, (D_HID, D_OUT), dtype=jnp.float32) * (1.0 / np.sqrt(D_HID))
    b2 = jnp.zeros((D_OUT,), dtype=jnp.float32)
    return {"inputs": inputs, "edge_index": edge_index, "W1": W1, "b1": b1, "W2": W2, "b2": b2}


def reference(inputs, edge_index, W1, b1, W2, b2):
    src = edge_index[0]
    dst = edge_index[1]
    h = _gcn_layer(inputs, src, dst, W1, b1)
    h = jax.nn.relu(h)
    h = _gcn_layer(h, src, dst, W2, b2)
    return h

if __name__ == "__main__":
    import jax
    _d = setup_inputs()
    print(jax.jit(kernel)(*tuple(_d.values())))

</pallas_src>

<mosaic_0001>
#map = affine_map<(d0, d1) -> (0, 0)>
#map1 = affine_map<(d0, d1) -> (0, 0, 0)>
module attributes {stable_mosaic.version = 14 : i64} {
  func.func @_sc_degrees(%arg0: i32, %arg1: i32, %arg2: memref<32x10240xi32, #tpu.memory_space<hbm>>, %arg3: memref<32x10240xi32, #tpu.memory_space<hbm>>, %arg4: memref<1x128xi32, #tpu.memory_space<hbm>>, %arg5: memref<10240x128xf32, #tpu.memory_space<hbm>>, %arg6: memref<2x128x128xf32, #tpu.memory_space<hbm>>, %arg7: memref<2x128x128xf32, #tpu.memory_space<hbm>>, %arg8: memref<10240xi32, #tpu.memory_space<vmem>>, %arg9: memref<10240xi32, #tpu.memory_space<vmem>>, %arg10: memref<128x128xf32, #tpu.memory_space<vmem>>, %arg11: memref<128x128xf32, #tpu.memory_space<vmem>>, %arg12: memref<1x128xi32, #tpu.memory_space<vmem>>, %arg13: memref<128x128xf32, #tpu.memory_space<vmem_shared>>, %arg14: memref<128x128xf32, #tpu.memory_space<vmem_shared>>) attributes {dimension_semantics = [#tpu.dimension_semantics<core_parallel>, #tpu.dimension_semantics<subcore_parallel>], iteration_bounds = array<i64: 2, 16>, scalar_prefetch = 0 : i64, scratch_operands = 7 : i64, tpu.core_type = #tpu.core_type<sc_vector_subcore>, window_params = [{transform_indices = #map}, {transform_indices = #map}, {transform_indices = #map}, {transform_indices = #map}, {transform_indices = #map1}, {transform_indices = #map1}]} {
    %mul3A = arith.constant 16 : i32
    %mul3A_0 = arith.muli %arg0, %mul3A : i32
    %add3A = arith.addi %mul3A_0, %arg1 : i32
    %mul3A_1 = arith.constant 8 : i32
    %mul3A_2 = arith.muli %arg1, %mul3A_1 : i32
    "tpu.region"() ({
      %run_scoped3A_10 = tpu.sem_alloc : memref<!tpu.dma_semaphore, #tpu.memory_space<semaphore_mem>>
      %dma_start3A = arith.constant 0 : i32
      %dma_start3A_11 = arith.constant 0 : i32
      %dma_start3A_12 = tpu.memref_slice %arg5[%dma_start3A, %dma_start3A_11] : memref<10240x128xf32, #tpu.memory_space<hbm>> -> memref<128x128xf32, #tpu.memory_space<hbm>>
      %dma_start3A_13 = arith.constant 0 : i32
      %dma_start3A_14 = arith.constant 0 : i32
      %dma_start3A_15 = tpu.memref_slice %arg5[%dma_start3A_13, %dma_start3A_14] : memref<10240x128xf32, #tpu.memory_space<hbm>> -> memref<128x128xf32, #tpu.memory_space<hbm>>
      tpu.enqueue_dma source(%dma_start3A_15 : memref<128x128xf32, #tpu.memory_space<hbm>>) target(%arg10 : memref<128x128xf32, #tpu.memory_space<vmem>>) target_semaphore(%run_scoped3A_10 : memref<!tpu.dma_semaphore, #tpu.memory_space<semaphore_mem>>)
      %dma_wait3A = arith.constant 0 : i32
      %dma_wait3A_16 = arith.constant 0 : i32
      %dma_wait3A_17 = tpu.memref_slice %arg5[%dma_wait3A, %dma_wait3A_16] : memref<10240x128xf32, #tpu.memory_space<hbm>> -> memref<128x128xf32, #tpu.memory_space<hbm>>
      %dma_wait3A_18 = arith.constant 0 : i32
      %dma_wait3A_19 = arith.constant 0 : i32
      %dma_wait3A_20 = tpu.memref_slice %arg5[%dma_wait3A_18, %dma_wait3A_19] : memref<10240x128xf32, #tpu.memory_space<hbm>> -> memref<128x128xf32, #tpu.memory_space<hbm>>
      tpu.wait_dma2 semaphore(%run_scoped3A_10 : memref<!tpu.dma_semaphore, #tpu.memory_space<semaphore_mem>>) src(%dma_wait3A_20 : memref<128x128xf32, #tpu.memory_space<hbm>>) dst(%arg10 : memref<128x128xf32, #tpu.memory_space<vmem>>)
      tpu.yield
    }) : () -> ()
    "tpu.region"() ({
      %run_scoped3A_10 = tpu.sem_alloc : memref<!tpu.dma_semaphore, #tpu.memory_space<semaphore_mem>>
      %dma_start3A = arith.constant 0 : i32
      %dma_start3A_11 = arith.constant 0 : i32
      %dma_start3A_12 = tpu.memref_slice %arg5[%dma_start3A, %dma_start3A_11] : memref<10240x128xf32, #tpu.memory_space<hbm>> -> memref<128x128xf32, #tpu.memory_space<hbm>>
      %dma_start3A_13 = arith.constant 0 : i32
      %dma_start3A_14 = arith.constant 0 : i32
      %dma_start3A_15 = tpu.memref_slice %arg5[%dma_start3A_13, %dma_start3A_14] : memref<10240x128xf32, #tpu.memory_space<hbm>> -> memref<128x128xf32, #tpu.memory_space<hbm>>
      tpu.enqueue_dma source(%dma_start3A_15 : memref<128x128xf32, #tpu.memory_space<hbm>>) target(%arg11 : memref<128x128xf32, #tpu.memory_space<vmem>>) target_semaphore(%run_scoped3A_10 : memref<!tpu.dma_semaphore, #tpu.memory_space<semaphore_mem>>)
      %dma_wait3A = arith.constant 0 : i32
      %dma_wait3A_16 = arith.constant 0 : i32
      %dma_wait3A_17 = tpu.memref_slice %arg5[%dma_wait3A, %dma_wait3A_16] : memref<10240x128xf32, #tpu.memory_space<hbm>> -> memref<128x128xf32, #tpu.memory_space<hbm>>
      %dma_wait3A_18 = arith.constant 0 : i32
      %dma_wait3A_19 = arith.constant 0 : i32
      %dma_wait3A_20 = tpu.memref_slice %arg5[%dma_wait3A_18, %dma_wait3A_19] : memref<10240x128xf32, #tpu.memory_space<hbm>> -> memref<128x128xf32, #tpu.memory_space<hbm>>
      tpu.wait_dma2 semaphore(%run_scoped3A_10 : memref<!tpu.dma_semaphore, #tpu.memory_space<semaphore_mem>>) src(%dma_wait3A_20 : memref<128x128xf32, #tpu.memory_space<hbm>>) dst(%arg11 : memref<128x128xf32, #tpu.memory_space<vmem>>)
      tpu.yield
    }) : () -> ()
    "tpu.region"() ({
      %run_scoped3A_10 = tpu.sem_alloc : memref<!tpu.dma_semaphore, #tpu.memory_space<semaphore_mem>>
      %dma_start3A = arith.constant 0 : i32
      %dma_start3A_11 = tpu.memref_slice %arg13[%mul3A_2, %dma_start3A] : memref<128x128xf32, #tpu.memory_space<vmem_shared>> -> memref<8x128xf32, #tpu.memory_space<vmem_shared>>
      %dma_start3A_12 = arith.constant 0 : i32
      %dma_start3A_13 = tpu.memref_slice %arg5[%mul3A_2, %dma_start3A_12] : memref<10240x128xf32, #tpu.memory_space<hbm>> -> memref<8x128xf32, #tpu.memory_space<hbm>>
      tpu.enqueue_dma source(%dma_start3A_13 : memref<8x128xf32, #tpu.memory_space<hbm>>) target(%dma_start3A_11 : memref<8x128xf32, #tpu.memory_space<vmem_shared>>) target_semaphore(%run_scoped3A_10 : memref<!tpu.dma_semaphore, #tpu.memory_space<semaphore_mem>>)
      %dma_wait3A = arith.constant 0 : i32
      %dma_wait3A_14 = tpu.memref_slice %arg13[%mul3A_2, %dma_wait3A] : memref<128x128xf32, #tpu.memory_space<vmem_shared>> -> memref<8x128xf32, #tpu.memory_space<vmem_shared>>
      %dma_wait3A_15 = arith.constant 0 : i32
      %dma_wait3A_16 = tpu.memref_slice %arg5[%mul3A_2, %dma_wait3A_15] : memref<10240x128xf32, #tpu.memory_space<hbm>> -> memref<8x128xf32, #tpu.memory_space<hbm>>
      tpu.wait_dma2 semaphore(%run_scoped3A_10 : memref<!tpu.dma_semaphore, #tpu.memory_space<semaphore_mem>>) src(%dma_wait3A_16 : memref<8x128xf32, #tpu.memory_space<hbm>>) dst(%dma_wait3A_14 : memref<8x128xf32, #tpu.memory_space<vmem_shared>>)
      tpu.yield
    }) : () -> ()
    "tpu.region"() ({
      %run_scoped3A_10 = tpu.sem_alloc : memref<!tpu.dma_semaphore, #tpu.memory_space<semaphore_mem>>
      %dma_start3A = arith.constant 0 : i32
      %dma_start3A_11 = tpu.memref_slice %arg14[%mul3A_2, %dma_start3A] : memref<128x128xf32, #tpu.memory_space<vmem_shared>> -> memref<8x128xf32, #tpu.memory_space<vmem_shared>>
      %dma_start3A_12 = arith.constant 0 : i32
      %dma_start3A_13 = tpu.memref_slice %arg5[%mul3A_2, %dma_start3A_12] : memref<10240x128xf32, #tpu.memory_space<hbm>> -> memref<8x128xf32, #tpu.memory_space<hbm>>
      tpu.enqueue_dma source(%dma_start3A_13 : memref<8x128xf32, #tpu.memory_space<hbm>>) target(%dma_start3A_11 : memref<8x128xf32, #tpu.memory_space<vmem_shared>>) target_semaphore(%run_scoped3A_10 : memref<!tpu.dma_semaphore, #tpu.memory_space<semaphore_mem>>)
      %dma_wait3A = arith.constant 0 : i32
      %dma_wait3A_14 = tpu.memref_slice %arg14[%mul3A_2, %dma_wait3A] : memref<128x128xf32, #tpu.memory_space<vmem_shared>> -> memref<8x128xf32, #tpu.memory_space<vmem_shared>>
      %dma_wait3A_15 = arith.constant 0 : i32
      %dma_wait3A_16 = tpu.memref_slice %arg5[%mul3A_2, %dma_wait3A_15] : memref<10240x128xf32, #tpu.memory_space<hbm>> -> memref<8x128xf32, #tpu.memory_space<hbm>>
      tpu.wait_dma2 semaphore(%run_scoped3A_10 : memref<!tpu.dma_semaphore, #tpu.memory_space<semaphore_mem>>) src(%dma_wait3A_16 : memref<8x128xf32, #tpu.memory_space<hbm>>) dst(%dma_wait3A_14 : memref<8x128xf32, #tpu.memory_space<vmem_shared>>)
      tpu.yield
    }) : () -> ()
    "tpu.region"() ({
      %run_scoped3A_10 = tpu.sem_alloc : memref<!tpu.dma_semaphore, #tpu.memory_space<semaphore_mem>>
      tpu.enqueue_dma source(%arg4 : memref<1x128xi32, #tpu.memory_space<hbm>>) target(%arg12 : memref<1x128xi32, #tpu.memory_space<vmem>>) target_semaphore(%run_scoped3A_10 : memref<!tpu.dma_semaphore, #tpu.memory_space<semaphore_mem>>)
      tpu.wait_dma2 semaphore(%run_scoped3A_10 : memref<!tpu.dma_semaphore, #tpu.memory_space<semaphore_mem>>) src(%arg4 : memref<1x128xi32, #tpu.memory_space<hbm>>) dst(%arg12 : memref<1x128xi32, #tpu.memory_space<vmem>>)
      tpu.yield
    }) : () -> ()
    "tpu.region"() ({
      %run_scoped3A_10 = tpu.sem_alloc : memref<!tpu.dma_semaphore, #tpu.memory_space<semaphore_mem>>
      %dma_start3A = arith.constant 0 : i32
      %dma_start3A_11 = tpu.memref_slice %arg2[%add3A, %dma_start3A] : memref<32x10240xi32, #tpu.memory_space<hbm>> -> memref<1x10240xi32, #tpu.memory_space<hbm>>
      %dma_start3A_12 = tpu.memref_squeeze %dma_start3A_11 : memref<1x10240xi32, #tpu.memory_space<hbm>> -> memref<10240xi32, #tpu.memory_space<hbm>>
      %dma_start3A_13 = arith.constant 0 : i32
      %dma_start3A_14 = tpu.memref_slice %arg2[%add3A, %dma_start3A_13] : memref<32x10240xi32, #tpu.memory_space<hbm>> -> memref<1x10240xi32, #tpu.memory_space<hbm>>
      %dma_start3A_15 = tpu.memref_squeeze %dma_start3A_14 : memref<1x10240xi32, #tpu.memory_space<hbm>> -> memref<10240xi32, #tpu.memory_space<hbm>>
      tpu.enqueue_dma source(%dma_start3A_15 : memref<10240xi32, #tpu.memory_space<hbm>>) target(%arg8 : memref<10240xi32, #tpu.memory_space<vmem>>) target_semaphore(%run_scoped3A_10 : memref<!tpu.dma_semaphore, #tpu.memory_space<semaphore_mem>>)
      %dma_wait3A = arith.constant 0 : i32
      %dma_wait3A_16 = tpu.memref_slice %arg2[%add3A, %dma_wait3A] : memref<32x10240xi32, #tpu.memory_space<hbm>> -> memref<1x10240xi32, #tpu.memory_space<hbm>>
      %dma_wait3A_17 = tpu.memref_squeeze %dma_wait3A_16 : memref<1x10240xi32, #tpu.memory_space<hbm>> -> memref<10240xi32, #tpu.memory_space<hbm>>
      %dma_wait3A_18 = arith.constant 0 : i32
      %dma_wait3A_19 = tpu.memref_slice %arg2[%add3A, %dma_wait3A_18] : memref<32x10240xi32, #tpu.memory_space<hbm>> -> memref<1x10240xi32, #tpu.memory_space<hbm>>
      %dma_wait3A_20 = tpu.memref_squeeze %dma_wait3A_19 : memref<1x10240xi32, #tpu.memory_space<hbm>> -> memref<10240xi32, #tpu.memory_space<hbm>>
      tpu.wait_dma2 semaphore(%run_scoped3A_10 : memref<!tpu.dma_semaphore, #tpu.memory_space<semaphore_mem>>) src(%dma_wait3A_20 : memref<10240xi32, #tpu.memory_space<hbm>>) dst(%arg8 : memref<10240xi32, #tpu.memory_space<vmem>>)
      tpu.yield
    }) : () -> ()
    "tpu.region"() ({
      %run_scoped3A_10 = tpu.sem_alloc : memref<!tpu.dma_semaphore, #tpu.memory_space<semaphore_mem>>
      %dma_start3A = arith.constant 0 : i32
      %dma_start3A_11 = tpu.memref_slice %arg3[%add3A, %dma_start3A] : memref<32x10240xi32, #tpu.memory_space<hbm>> -> memref<1x10240xi32, #tpu.memory_space<hbm>>
      %dma_start3A_12 = tpu.memref_squeeze %dma_start3A_11 : memref<1x10240xi32, #tpu.memory_space<hbm>> -> memref<10240xi32, #tpu.memory_space<hbm>>
      %dma_start3A_13 = arith.constant 0 : i32
      %dma_start3A_14 = tpu.memref_slice %arg3[%add3A, %dma_start3A_13] : memref<32x10240xi32, #tpu.memory_space<hbm>> -> memref<1x10240xi32, #tpu.memory_space<hbm>>
      %dma_start3A_15 = tpu.memref_squeeze %dma_start3A_14 : memref<1x10240xi32, #tpu.memory_space<hbm>> -> memref<10240xi32, #tpu.memory_space<hbm>>
      tpu.enqueue_dma source(%dma_start3A_15 : memref<10240xi32, #tpu.memory_space<hbm>>) target(%arg9 : memref<10240xi32, #tpu.memory_space<vmem>>) target_semaphore(%run_scoped3A_10 : memref<!tpu.dma_semaphore, #tpu.memory_space<semaphore_mem>>)
      %dma_wait3A = arith.constant 0 : i32
      %dma_wait3A_16 = tpu.memref_slice %arg3[%add3A, %dma_wait3A] : memref<32x10240xi32, #tpu.memory_space<hbm>> -> memref<1x10240xi32, #tpu.memory_space<hbm>>
      %dma_wait3A_17 = tpu.memref_squeeze %dma_wait3A_16 : memref<1x10240xi32, #tpu.memory_space<hbm>> -> memref<10240xi32, #tpu.memory_space<hbm>>
      %dma_wait3A_18 = arith.constant 0 : i32
      %dma_wait3A_19 = tpu.memref_slice %arg3[%add3A, %dma_wait3A_18] : memref<32x10240xi32, #tpu.memory_space<hbm>> -> memref<1x10240xi32, #tpu.memory_space<hbm>>
      %dma_wait3A_20 = tpu.memref_squeeze %dma_wait3A_19 : memref<1x10240xi32, #tpu.memory_space<hbm>> -> memref<10240xi32, #tpu.memory_space<hbm>>
      tpu.wait_dma2 semaphore(%run_scoped3A_10 : memref<!tpu.dma_semaphore, #tpu.memory_space<semaphore_mem>>) src(%dma_wait3A_20 : memref<10240xi32, #tpu.memory_space<hbm>>) dst(%arg9 : memref<10240xi32, #tpu.memory_space<vmem>>)
      tpu.yield
    }) : () -> ()
    %broadcast_in_dim3A = arith.constant 1.000000e+00 : f32
    %broadcast_in_dim3A_3 = vector.broadcast %broadcast_in_dim3A : f32 to vector<16xf32>
    %scan3A = arith.constant 0 : i32
    %scan3A_4 = arith.constant 640 : i32
    %scan3A_5 = arith.addi %scan3A, %scan3A_4 : i32
    %scan3A_6 = arith.constant 1 : i32
    scf.for %scan3A_10 = %scan3A to %scan3A_5 step %scan3A_6  : i32 {
      %mul3A_11 = arith.constant 1 : i32
      %mul3A_12 = arith.muli %scan3A_10, %mul3A_11 : i32
      %add3A_13 = arith.constant 0 : i32
      %add3A_14 = arith.addi %add3A_13, %mul3A_12 : i32
      %mul3A_15 = arith.constant 16 : i32
      %mul3A_16 = arith.muli %add3A_14, %mul3A_15 : i32
      %get3A = arith.index_cast %mul3A_16 : i32 to index
      %get3A_17 = tpu.vector_load %arg8[%get3A] {strides = array<i32>} : memref<10240xi32, #tpu.memory_space<vmem>>, vector<16xi32>,
      %shift_right_arithmetic3A = arith.constant 7 : i32
      %shift_right_arithmetic3A_18 = vector.broadcast %shift_right_arithmetic3A : i32 to vector<16xi32>
      %shift_right_arithmetic3A_19 = arith.shrsi %get3A_17, %shift_right_arithmetic3A_18 : vector<16xi32>
      %and3A = arith.constant 127 : i32
      %and3A_20 = vector.broadcast %and3A : i32 to vector<16xi32>
      %and3A_21 = arith.andi %get3A_17, %and3A_20 : vector<16xi32>
      tpu.vector_store_idx %arg10[%shift_right_arithmetic3A_19, %and3A_21], %broadcast_in_dim3A_3 {add = true} : memref<128x128xf32, #tpu.memory_space<vmem>>[vector<16xi32>, vector<16xi32>], vector<16xf32>,
      %mul3A_22 = arith.constant 16 : i32
      %mul3A_23 = arith.muli %add3A_14, %mul3A_22 : i32
      %get3A_24 = arith.index_cast %mul3A_23 : i32 to index
      %get3A_25 = tpu.vector_load %arg9[%get3A_24] {strides = array<i32>} : memref<10240xi32, #tpu.memory_space<vmem>>, vector<16xi32>,
      %shift_right_arithmetic3A_26 = arith.constant 7 : i32
      %shift_right_arithmetic3A_27 = vector.broadcast %shift_right_arithmetic3A_26 : i32 to vector<16xi32>
      %shift_right_arithmetic3A_28 = arith.shrsi %get3A_25, %shift_right_arithmetic3A_27 : vector<16xi32>
      %and3A_29 = arith.constant 127 : i32
      %and3A_30 = vector.broadcast %and3A_29 : i32 to vector<16xi32>
      %and3A_31 = arith.andi %get3A_25, %and3A_30 : vector<16xi32>
      tpu.vector_store_idx %arg11[%shift_right_arithmetic3A_28, %and3A_31], %broadcast_in_dim3A_3 {add = true} : memref<128x128xf32, #tpu.memory_space<vmem>>[vector<16xi32>, vector<16xi32>], vector<16xf32>,
    }
    %scan3A_7 = arith.constant 640 : i32
    %barrier3A = arith.constant 0 : index
    tpu.barrier barrier_id(%barrier3A)
    %run_scoped3A = arith.constant 0 : i32
    "tpu.region"() ({
      %run_scoped3A_10 = tpu.sem_alloc : memref<!tpu.dma_semaphore, #tpu.memory_space<semaphore_mem>>
      %dma_start3A = arith.constant 0 : i32
      %dma_start3A_11 = tpu.memref_slice %arg12[%run_scoped3A, %dma_start3A] : memref<1x128xi32, #tpu.memory_space<vmem>> -> memref<1x128xi32, #tpu.memory_space<vmem>>
      %dma_start3A_12 = tpu.memref_squeeze %dma_start3A_11 : memref<1x128xi32, #tpu.memory_space<vmem>> -> memref<128xi32, #tpu.memory_space<vmem>>
      %dma_start3A_13 = arith.constant 0 : i32
      %dma_start3A_14 = arith.constant 0 : i32
      %dma_start3A_15 = tpu.memref_slice %arg13[%dma_start3A_13, %dma_start3A_14] : memref<128x128xf32, #tpu.memory_space<vmem_shared>> -> memref<128x128xf32, #tpu.memory_space<vmem_shared>>
      tpu.enqueue_indirect_dma source(%arg10 : memref<128x128xf32, #tpu.memory_space<vmem>>) target(%dma_start3A_15 : memref<128x128xf32, #tpu.memory_space<vmem_shared>>) offsets(%dma_start3A_12 : memref<128xi32, #tpu.memory_space<vmem>>) semaphore(%run_scoped3A_10 : memref<!tpu.dma_semaphore, #tpu.memory_space<semaphore_mem>>) {add = true}
      %dma_wait3A = arith.constant 0 : i32
      %dma_wait3A_16 = tpu.memref_slice %arg12[%run_scoped3A, %dma_wait3A] : memref<1x128xi32, #tpu.memory_space<vmem>> -> memref<1x128xi32, #tpu.memory_space<vmem>>
      %dma_wait3A_17 = tpu.memref_squeeze %dma_wait3A_16 : memref<1x128xi32, #tpu.memory_space<vmem>> -> memref<128xi32, #tpu.memory_space<vmem>>
      %dma_wait3A_18 = arith.constant 0 : i32
      %dma_wait3A_19 = arith.constant 0 : i32
      %dma_wait3A_20 = tpu.memref_slice %arg13[%dma_wait3A_18, %dma_wait3A_19] : memref<128x128xf32, #tpu.memory_space<vmem_shared>> -> memref<128x128xf32, #tpu.memory_space<vmem_shared>>
      tpu.wait_indirect_dma semaphore(%run_scoped3A_10 : memref<!tpu.dma_semaphore, #tpu.memory_space<semaphore_mem>>) src(%arg10 : memref<128x128xf32, #tpu.memory_space<vmem>>) dst(%dma_wait3A_20 : memref<128x128xf32, #tpu.memory_space<vmem_shared>>)
      tpu.yield
    }) : () -> ()
    %run_scoped3A_8 = arith.constant 0 : i32
    "tpu.region"() ({
      %run_scoped3A_10 = tpu.sem_alloc : memref<!tpu.dma_semaphore, #tpu.memory_space<semaphore_mem>>
      %dma_start3A = arith.constant 0 : i32
      %dma_start3A_11 = tpu.memref_slice %arg12[%run_scoped3A_8, %dma_start3A] : memref<1x128xi32, #tpu.memory_space<vmem>> -> memref<1x128xi32, #tpu.memory_space<vmem>>
      %dma_start3A_12 = tpu.memref_squeeze %dma_start3A_11 : memref<1x128xi32, #tpu.memory_space<vmem>> -> memref<128xi32, #tpu.memory_space<vmem>>
      %dma_start3A_13 = arith.constant 0 : i32
      %dma_start3A_14 = arith.constant 0 : i32
      %dma_start3A_15 = tpu.memref_slice %arg14[%dma_start3A_13, %dma_start3A_14] : memref<128x128xf32, #tpu.memory_space<vmem_shared>> -> memref<128x128xf32, #tpu.memory_space<vmem_shared>>
      tpu.enqueue_indirect_dma source(%arg11 : memref<128x128xf32, #tpu.memory_space<vmem>>) target(%dma_start3A_15 : memref<128x128xf32, #tpu.memory_space<vmem_shared>>) offsets(%dma_start3A_12 : memref<128xi32, #tpu.memory_space<vmem>>) semaphore(%run_scoped3A_10 : memref<!tpu.dma_semaphore, #tpu.memory_space<semaphore_mem>>) {add = true}
      %dma_wait3A = arith.constant 0 : i32
      %dma_wait3A_16 = tpu.memref_slice %arg12[%run_scoped3A_8, %dma_wait3A] : memref<1x128xi32, #tpu.memory_space<vmem>> -> memref<1x128xi32, #tpu.memory_space<vmem>>
      %dma_wait3A_17 = tpu.memref_squeeze %dma_wait3A_16 : memref<1x128xi32, #tpu.memory_space<vmem>> -> memref<128xi32, #tpu.memory_space<vmem>>
      %dma_wait3A_18 = arith.constant 0 : i32
      %dma_wait3A_19 = arith.constant 0 : i32
      %dma_wait3A_20 = tpu.memref_slice %arg14[%dma_wait3A_18, %dma_wait3A_19] : memref<128x128xf32, #tpu.memory_space<vmem_shared>> -> memref<128x128xf32, #tpu.memory_space<vmem_shared>>
      tpu.wait_indirect_dma semaphore(%run_scoped3A_10 : memref<!tpu.dma_semaphore, #tpu.memory_space<semaphore_mem>>) src(%arg11 : memref<128x128xf32, #tpu.memory_space<vmem>>) dst(%dma_wait3A_20 : memref<128x128xf32, #tpu.memory_space<vmem_shared>>)
      tpu.yield
    }) : () -> ()
    %barrier3A_9 = arith.constant 0 : index
    tpu.barrier barrier_id(%barrier3A_9)
    "tpu.region"() ({
      %run_scoped3A_10 = tpu.sem_alloc : memref<!tpu.dma_semaphore, #tpu.memory_space<semaphore_mem>>
      %dma_start3A = arith.constant 0 : i32
      %dma_start3A_11 = arith.constant 0 : i32
      %dma_start3A_12 = tpu.memref_slice %arg6[%arg0, %dma_start3A, %dma_start3A_11] : memref<2x128x128xf32, #tpu.memory_space<hbm>> -> memref<1x128x128xf32, #tpu.memory_space<hbm>>
      %dma_start3A_13 = tpu.memref_squeeze %dma_start3A_12 : memref<1x128x128xf32, #tpu.memory_space<hbm>> -> memref<128x128xf32, #tpu.memory_space<hbm>>
      %dma_start3A_14 = arith.constant 0 : i32
      %dma_start3A_15 = tpu.memref_slice %dma_start3A_13[%mul3A_2, %dma_start3A_14] : memref<128x128xf32, #tpu.memory_space<hbm>> -> memref<8x128xf32, #tpu.memory_space<hbm>>
      %dma_start3A_16 = arith.constant 0 : i32
      %dma_start3A_17 = tpu.memref_slice %arg13[%mul3A_2, %dma_start3A_16] : memref<128x128xf32, #tpu.memory_space<vmem_shared>> -> memref<8x128xf32, #tpu.memory_space<vmem_shared>>
      tpu.enqueue_dma source(%dma_start3A_17 : memref<8x128xf32, #tpu.memory_space<vmem_shared>>) target(%dma_start3A_15 : memref<8x128xf32, #tpu.memory_space<hbm>>) target_semaphore(%run_scoped3A_10 : memref<!tpu.dma_semaphore, #tpu.memory_space<semaphore_mem>>)
      %dma_wait3A = arith.constant 0 : i32
      %dma_wait3A_18 = arith.constant 0 : i32
      %dma_wait3A_19 = tpu.memref_slice %arg6[%arg0, %dma_wait3A, %dma_wait3A_18] : memref<2x128x128xf32, #tpu.memory_space<hbm>> -> memref<1x128x128xf32, #tpu.memory_space<hbm>>
      %dma_wait3A_20 = tpu.memref_squeeze %dma_wait3A_19 : memref<1x128x128xf32, #tpu.memory_space<hbm>> -> memref<128x128xf32, #tpu.memory_space<hbm>>
      %dma_wait3A_21 = arith.constant 0 : i32
      %dma_wait3A_22 = tpu.memref_slice %dma_wait3A_20[%mul3A_2, %dma_wait3A_21] : memref<128x128xf32, #tpu.memory_space<hbm>> -> memref<8x128xf32, #tpu.memory_space<hbm>>
      %dma_wait3A_23 = arith.constant 0 : i32
      %dma_wait3A_24 = tpu.memref_slice %arg13[%mul3A_2, %dma_wait3A_23] : memref<128x128xf32, #tpu.memory_space<vmem_shared>> -> memref<8x128xf32, #tpu.memory_space<vmem_shared>>
      tpu.wait_dma2 semaphore(%run_scoped3A_10 : memref<!tpu.dma_semaphore, #tpu.memory_space<semaphore_mem>>) src(%dma_wait3A_24 : memref<8x128xf32, #tpu.memory_space<vmem_shared>>) dst(%dma_wait3A_22 : memref<8x128xf32, #tpu.memory_space<hbm>>)
      tpu.yield
    }) : () -> ()
    "tpu.region"() ({
      %run_scoped3A_10 = tpu.sem_alloc : memref<!tpu.dma_semaphore, #tpu.memory_space<semaphore_mem>>
      %dma_start3A = arith.constant 0 : i32
      %dma_start3A_11 = arith.constant 0 : i32
      %dma_start3A_12 = tpu.memref_slice %arg7[%arg0, %dma_start3A, %dma_start3A_11] : memref<2x128x128xf32, #tpu.memory_space<hbm>> -> memref<1x128x128xf32, #tpu.memory_space<hbm>>
      %dma_start3A_13 = tpu.memref_squeeze %dma_start3A_12 : memref<1x128x128xf32, #tpu.memory_space<hbm>> -> memref<128x128xf32, #tpu.memory_space<hbm>>
      %dma_start3A_14 = arith.constant 0 : i32
      %dma_start3A_15 = tpu.memref_slice %dma_start3A_13[%mul3A_2, %dma_start3A_14] : memref<128x128xf32, #tpu.memory_space<hbm>> -> memref<8x128xf32, #tpu.memory_space<hbm>>
      %dma_start3A_16 = arith.constant 0 : i32
      %dma_start3A_17 = tpu.memref_slice %arg14[%mul3A_2, %dma_start3A_16] : memref<128x128xf32, #tpu.memory_space<vmem_shared>> -> memref<8x128xf32, #tpu.memory_space<vmem_shared>>
      tpu.enqueue_dma source(%dma_start3A_17 : memref<8x128xf32, #tpu.memory_space<vmem_shared>>) target(%dma_start3A_15 : memref<8x128xf32, #tpu.memory_space<hbm>>) target_semaphore(%run_scoped3A_10 : memref<!tpu.dma_semaphore, #tpu.memory_space<semaphore_mem>>)
      %dma_wait3A = arith.constant 0 : i32
      %dma_wait3A_18 = arith.constant 0 : i32
      %dma_wait3A_19 = tpu.memref_slice %arg7[%arg0, %dma_wait3A, %dma_wait3A_18] : memref<2x128x128xf32, #tpu.memory_space<hbm>> -> memref<1x128x128xf32, #tpu.memory_space<hbm>>
      %dma_wait3A_20 = tpu.memref_squeeze %dma_wait3A_19 : memref<1x128x128xf32, #tpu.memory_space<hbm>> -> memref<128x128xf32, #tpu.memory_space<hbm>>
      %dma_wait3A_21 = arith.constant 0 : i32
      %dma_wait3A_22 = tpu.memref_slice %dma_wait3A_20[%mul3A_2, %dma_wait3A_21] : memref<128x128xf32, #tpu.memory_space<hbm>> -> memref<8x128xf32, #tpu.memory_space<hbm>>
      %dma_wait3A_23 = arith.constant 0 : i32
      %dma_wait3A_24 = tpu.memref_slice %arg14[%mul3A_2, %dma_wait3A_23] : memref<128x128xf32, #tpu.memory_space<vmem_shared>> -> memref<8x128xf32, #tpu.memory_space<vmem_shared>>
      tpu.wait_dma2 semaphore(%run_scoped3A_10 : memref<!tpu.dma_semaphore, #tpu.memory_space<semaphore_mem>>) src(%dma_wait3A_24 : memref<8x128xf32, #tpu.memory_space<vmem_shared>>) dst(%dma_wait3A_22 : memref<8x128xf32, #tpu.memory_space<hbm>>)
      tpu.yield
    }) : () -> ()
    return
  }
}

#map = affine_map<(d0, d1) -> (0, 0)>
#map1 = affine_map<(d0, d1) -> (0, 0, 0)>
module attributes {stable_mosaic.version = 14 : i64} {
  func.func @_sc_aggregate(%arg0: i32, %arg1: i32, %arg2: memref<10240x128xf32, #tpu.memory_space<hbm>>, %arg3: memref<32x80x128xi32, #tpu.memory_space<hbm>>, %arg4: memref<32x80x128xi32, #tpu.memory_space<hbm>>, %arg5: memref<10240x128xf32, #tpu.memory_space<hbm>>, %arg6: memref<2x10240x128xf32, #tpu.memory_space<hbm>>, %arg7: memref<2x16x128xi32, #tpu.memory_space<vmem>>, %arg8: memref<2x16x128xi32, #tpu.memory_space<vmem>>, %arg9: memref<128x128xf32, #tpu.memory_space<vmem>>, %arg10: memref<128x128xf32, #tpu.memory_space<vmem>>, %arg11: memref<10240x128xf32, #tpu.memory_space<vmem_shared>>, %arg12: memref<!tpu.dma_semaphore, #tpu.memory_space<semaphore_mem>>, %arg13: memref<!tpu.dma_semaphore, #tpu.memory_space<semaphore_mem>>, %arg14: memref<!tpu.dma_semaphore, #tpu.memory_space<semaphore_mem>>) attributes {dimension_semantics = [#tpu.dimension_semantics<core_parallel>, #tpu.dimension_semantics<subcore_parallel>], iteration_bounds = array<i64: 2, 16>, scalar_prefetch = 0 : i64, scratch_operands = 8 : i64, tpu.core_type = #tpu.core_type<sc_vector_subcore>, window_params = [{transform_indices = #map}, {transform_indices = #map1}, {transform_indices = #map1}, {transform_indices = #map}, {transform_indices = #map1}]} {
    %mul3A = arith.constant 16 : i32
    %mul3A_0 = arith.muli %arg0, %mul3A : i32
    %add3A = arith.addi %mul3A_0, %arg1 : i32
    %mul3A_1 = arith.constant 640 : i32
    %mul3A_2 = arith.muli %arg1, %mul3A_1 : i32
    "tpu.region"() ({
      %run_scoped3A = tpu.sem_alloc : memref<!tpu.dma_semaphore, #tpu.memory_space<semaphore_mem>>
      %dma_start3A_53 = arith.constant 0 : i32
      %dma_start3A_54 = tpu.memref_slice %arg11[%mul3A_2, %dma_start3A_53] : memref<10240x128xf32, #tpu.memory_space<vmem_shared>> -> memref<640x128xf32, #tpu.memory_space<vmem_shared>>
      %dma_start3A_55 = arith.constant 0 : i32
      %dma_start3A_56 = tpu.memref_slice %arg5[%mul3A_2, %dma_start3A_55] : memref<10240x128xf32, #tpu.memory_space<hbm>> -> memref<640x128xf32, #tpu.memory_space<hbm>>
      tpu.enqueue_dma source(%dma_start3A_56 : memref<640x128xf32, #tpu.memory_space<hbm>>) target(%dma_start3A_54 : memref<640x128xf32, #tpu.memory_space<vmem_shared>>) target_semaphore(%run_scoped3A : memref<!tpu.dma_semaphore, #tpu.memory_space<semaphore_mem>>)
      %dma_wait3A = arith.constant 0 : i32
      %dma_wait3A_57 = tpu.memref_slice %arg11[%mul3A_2, %dma_wait3A] : memref<10240x128xf32, #tpu.memory_space<vmem_shared>> -> memref<640x128xf32, #tpu.memory_space<vmem_shared>>
      %dma_wait3A_58 = arith.constant 0 : i32
      %dma_wait3A_59 = tpu.memref_slice %arg5[%mul3A_2, %dma_wait3A_58] : memref<10240x128xf32, #tpu.memory_space<hbm>> -> memref<640x128xf32, #tpu.memory_space<hbm>>
      tpu.wait_dma2 semaphore(%run_scoped3A : memref<!tpu.dma_semaphore, #tpu.memory_space<semaphore_mem>>) src(%dma_wait3A_59 : memref<640x128xf32, #tpu.memory_space<hbm>>) dst(%dma_wait3A_57 : memref<640x128xf32, #tpu.memory_space<vmem_shared>>)
      tpu.yield
    }) : () -> ()
    %barrier3A = arith.constant 0 : index
    tpu.barrier barrier_id(%barrier3A)
    %dma_start3A = arith.constant 0 : i32
    %dma_start3A_3 = arith.constant 0 : i32
    %dma_start3A_4 = arith.constant 0 : i32
    %dma_start3A_5 = tpu.memref_slice %arg7[%dma_start3A, %dma_start3A_3, %dma_start3A_4] : memref<2x16x128xi32, #tpu.memory_space<vmem>> -> memref<1x16x128xi32, #tpu.memory_space<vmem>>
    %dma_start3A_6 = tpu.memref_squeeze %dma_start3A_5 : memref<1x16x128xi32, #tpu.memory_space<vmem>> -> memref<16x128xi32, #tpu.memory_space<vmem>>
    %dma_start3A_7 = arith.constant 0 : i32
    %dma_start3A_8 = arith.constant 0 : i32
    %dma_start3A_9 = tpu.memref_slice %arg3[%add3A, %dma_start3A_7, %dma_start3A_8] : memref<32x80x128xi32, #tpu.memory_space<hbm>> -> memref<1x80x128xi32, #tpu.memory_space<hbm>>
    %dma_start3A_10 = tpu.memref_squeeze %dma_start3A_9 : memref<1x80x128xi32, #tpu.memory_space<hbm>> -> memref<80x128xi32, #tpu.memory_space<hbm>>
    %dma_start3A_11 = arith.constant 0 : i32
    %dma_start3A_12 = arith.constant 0 : i32
    %dma_start3A_13 = tpu.memref_slice %dma_start3A_10[%dma_start3A_11, %dma_start3A_12] : memref<80x128xi32, #tpu.memory_space<hbm>> -> memref<16x128xi32, #tpu.memory_space<hbm>>
    %dma_start3A_14 = arith.constant 0 : i32
    %dma_start3A_15 = arith.constant 0 : i32
    %dma_start3A_16 = tpu.memref_slice %arg7[%dma_start3A, %dma_start3A_14, %dma_start3A_15] : memref<2x16x128xi32, #tpu.memory_space<vmem>> -> memref<1x16x128xi32, #tpu.memory_space<vmem>>
    %dma_start3A_17 = tpu.memref_squeeze %dma_start3A_16 : memref<1x16x128xi32, #tpu.memory_space<vmem>> -> memref<16x128xi32, #tpu.memory_space<vmem>>
    %dma_start3A_18 = arith.constant 0 : i32
    %dma_start3A_19 = arith.constant 0 : i32
    %dma_start3A_20 = tpu.memref_slice %arg3[%add3A, %dma_start3A_18, %dma_start3A_19] : memref<32x80x128xi32, #tpu.memory_space<hbm>> -> memref<1x80x128xi32, #tpu.memory_space<hbm>>
    %dma_start3A_21 = tpu.memref_squeeze %dma_start3A_20 : memref<1x80x128xi32, #tpu.memory_space<hbm>> -> memref<80x128xi32, #tpu.memory_space<hbm>>
    %dma_start3A_22 = arith.constant 0 : i32
    %dma_start3A_23 = arith.constant 0 : i32
    %dma_start3A_24 = tpu.memref_slice %dma_start3A_21[%dma_start3A_22, %dma_start3A_23] : memref<80x128xi32, #tpu.memory_space<hbm>> -> memref<16x128xi32, #tpu.memory_space<hbm>>
    tpu.enqueue_dma source(%dma_start3A_24 : memref<16x128xi32, #tpu.memory_space<hbm>>) target(%dma_start3A_17 : memref<16x128xi32, #tpu.memory_space<vmem>>) target_semaphore(%arg14 : memref<!tpu.dma_semaphore, #tpu.memory_space<semaphore_mem>>)
    %dma_start3A_25 = arith.constant 0 : i32
    %dma_start3A_26 = arith.constant 0 : i32
    %dma_start3A_27 = arith.constant 0 : i32
    %dma_start3A_28 = tpu.memref_slice %arg8[%dma_start3A_25, %dma_start3A_26, %dma_start3A_27] : memref<2x16x128xi32, #tpu.memory_space<vmem>> -> memref<1x16x128xi32, #tpu.memory_space<vmem>>
    %dma_start3A_29 = tpu.memref_squeeze %dma_start3A_28 : memref<1x16x128xi32, #tpu.memory_space<vmem>> -> memref<16x128xi32, #tpu.memory_space<vmem>>
    %dma_start3A_30 = arith.constant 0 : i32
    %dma_start3A_31 = arith.constant 0 : i32
    %dma_start3A_32 = tpu.memref_slice %arg4[%add3A, %dma_start3A_30, %dma_start3A_31] : memref<32x80x128xi32, #tpu.memory_space<hbm>> -> memref<1x80x128xi32, #tpu.memory_space<hbm>>
    %dma_start3A_33 = tpu.memref_squeeze %dma_start3A_32 : memref<1x80x128xi32, #tpu.memory_space<hbm>> -> memref<80x128xi32, #tpu.memory_space<hbm>>
    %dma_start3A_34 = arith.constant 0 : i32
    %dma_start3A_35 = arith.constant 0 : i32
    %dma_start3A_36 = tpu.memref_slice %dma_start3A_33[%dma_start3A_34, %dma_start3A_35] : memref<80x128xi32, #tpu.memory_space<hbm>> -> memref<16x128xi32, #tpu.memory_space<hbm>>
    %dma_start3A_37 = arith.constant 0 : i32
    %dma_start3A_38 = arith.constant 0 : i32
    %dma_start3A_39 = tpu.memref_slice %arg8[%dma_start3A_25, %dma_start3A_37, %dma_start3A_38] : memref<2x16x128xi32, #tpu.memory_space<vmem>> -> memref<1x16x128xi32, #tpu.memory_space<vmem>>
    %dma_start3A_40 = tpu.memref_squeeze %dma_start3A_39 : memref<1x16x128xi32, #tpu.memory_space<vmem>> -> memref<16x128xi32, #tpu.memory_space<vmem>>
    %dma_start3A_41 = arith.constant 0 : i32
    %dma_start3A_42 = arith.constant 0 : i32
    %dma_start3A_43 = tpu.memref_slice %arg4[%add3A, %dma_start3A_41, %dma_start3A_42] : memref<32x80x128xi32, #tpu.memory_space<hbm>> -> memref<1x80x128xi32, #tpu.memory_space<hbm>>
    %dma_start3A_44 = tpu.memref_squeeze %dma_start3A_43 : memref<1x80x128xi32, #tpu.memory_space<hbm>> -> memref<80x128xi32, #tpu.memory_space<hbm>>
    %dma_start3A_45 = arith.constant 0 : i32
    %dma_start3A_46 = arith.constant 0 : i32
    %dma_start3A_47 = tpu.memref_slice %dma_start3A_44[%dma_start3A_45, %dma_start3A_46] : memref<80x128xi32, #tpu.memory_space<hbm>> -> memref<16x128xi32, #tpu.memory_space<hbm>>
    tpu.enqueue_dma source(%dma_start3A_47 : memref<16x128xi32, #tpu.memory_space<hbm>>) target(%dma_start3A_40 : memref<16x128xi32, #tpu.memory_space<vmem>>) target_semaphore(%arg14 : memref<!tpu.dma_semaphore, #tpu.memory_space<semaphore_mem>>)
    %scan3A = arith.constant 0 : i32
    %scan3A_48 = arith.constant 5 : i32
    %scan3A_49 = arith.addi %scan3A, %scan3A_48 : i32
    %scan3A_50 = arith.constant 1 : i32
    scf.for %scan3A_53 = %scan3A to %scan3A_49 step %scan3A_50  : i32 {
      %mul3A_54 = arith.constant 1 : i32
      %mul3A_55 = arith.muli %scan3A_53, %mul3A_54 : i32
      %add3A_56 = arith.constant 0 : i32
      %add3A_57 = arith.addi %add3A_56, %mul3A_55 : i32
      %jit3A = arith.constant 2 : i32
      %eq3A = arith.constant 0 : i32
      %eq3A_58 = arith.cmpi eq, %jit3A, %eq3A : i32
      %jit3A_59 = arith.constant 1 : i32
      %select_n3A = arith.select %eq3A_58, %jit3A_59, %jit3A : i32
      %rem3A = arith.remsi %add3A_57, %select_n3A : i32
      %ne3A = arith.constant 0 : i32
      %ne3A_60 = arith.cmpi ne, %rem3A, %ne3A : i32
      %lt3A = arith.constant 0 : i32
      %lt3A_61 = arith.cmpi slt, %rem3A, %lt3A : i32
      %lt3A_62 = arith.constant 0 : i32
      %lt3A_63 = arith.cmpi slt, %select_n3A, %lt3A_62 : i32
      %ne3A_64 = arith.xori %lt3A_61, %lt3A_63 : i1
      %and3A = arith.andi %ne3A_64, %ne3A_60 : i1
      %add3A_65 = arith.addi %rem3A, %select_n3A : i32
      %select_n3A_66 = arith.select %and3A, %add3A_65, %rem3A : i32
      %mul3A_67 = arith.constant 16 : i32
      %mul3A_68 = arith.muli %add3A_57, %mul3A_67 : i32
      %dma_wait3A = arith.constant 0 : i32
      %dma_wait3A_69 = arith.constant 0 : i32
      %dma_wait3A_70 = tpu.memref_slice %arg7[%select_n3A_66, %dma_wait3A, %dma_wait3A_69] : memref<2x16x128xi32, #tpu.memory_space<vmem>> -> memref<1x16x128xi32, #tpu.memory_space<vmem>>
      %dma_wait3A_71 = tpu.memref_squeeze %dma_wait3A_70 : memref<1x16x128xi32, #tpu.memory_space<vmem>> -> memref<16x128xi32, #tpu.memory_space<vmem>>
      %dma_wait3A_72 = arith.constant 0 : i32
      %dma_wait3A_73 = arith.constant 0 : i32
      %dma_wait3A_74 = tpu.memref_slice %arg3[%add3A, %dma_wait3A_72, %dma_wait3A_73] : memref<32x80x128xi32, #tpu.memory_space<hbm>> -> memref<1x80x128xi32, #tpu.memory_space<hbm>>
      %dma_wait3A_75 = tpu.memref_squeeze %dma_wait3A_74 : memref<1x80x128xi32, #tpu.memory_space<hbm>> -> memref<80x128xi32, #tpu.memory_space<hbm>>
      %dma_wait3A_76 = arith.constant 0 : i32
      %dma_wait3A_77 = tpu.memref_slice %dma_wait3A_75[%mul3A_68, %dma_wait3A_76] : memref<80x128xi32, #tpu.memory_space<hbm>> -> memref<16x128xi32, #tpu.memory_space<hbm>>
      %dma_wait3A_78 = arith.constant 0 : i32
      %dma_wait3A_79 = arith.constant 0 : i32
      %dma_wait3A_80 = tpu.memref_slice %arg7[%select_n3A_66, %dma_wait3A_78, %dma_wait3A_79] : memref<2x16x128xi32, #tpu.memory_space<vmem>> -> memref<1x16x128xi32, #tpu.memory_space<vmem>>
      %dma_wait3A_81 = tpu.memref_squeeze %dma_wait3A_80 : memref<1x16x128xi32, #tpu.memory_space<vmem>> -> memref<16x128xi32, #tpu.memory_space<vmem>>
      %dma_wait3A_82 = arith.constant 0 : i32
      %dma_wait3A_83 = arith.constant 0 : i32
      %dma_wait3A_84 = tpu.memref_slice %arg3[%add3A, %dma_wait3A_82, %dma_wait3A_83] : memref<32x80x128xi32, #tpu.memory_space<hbm>> -> memref<1x80x128xi32, #tpu.memory_space<hbm>>
      %dma_wait3A_85 = tpu.memref_squeeze %dma_wait3A_84 : memref<1x80x128xi32, #tpu.memory_space<hbm>> -> memref<80x128xi32, #tpu.memory_space<hbm>>
      %dma_wait3A_86 = arith.constant 0 : i32
      %dma_wait3A_87 = tpu.memref_slice %dma_wait3A_85[%mul3A_68, %dma_wait3A_86] : memref<80x128xi32, #tpu.memory_space<hbm>> -> memref<16x128xi32, #tpu.memory_space<hbm>>
      tpu.wait_dma2 semaphore(%arg14 : memref<!tpu.dma_semaphore, #tpu.memory_space<semaphore_mem>>) src(%dma_wait3A_87 : memref<16x128xi32, #tpu.memory_space<hbm>>) dst(%dma_wait3A_81 : memref<16x128xi32, #tpu.memory_space<vmem>>)
      %mul3A_88 = arith.constant 16 : i32
      %mul3A_89 = arith.muli %add3A_57, %mul3A_88 : i32
      %dma_wait3A_90 = arith.constant 0 : i32
      %dma_wait3A_91 = arith.constant 0 : i32
      %dma_wait3A_92 = tpu.memref_slice %arg8[%select_n3A_66, %dma_wait3A_90, %dma_wait3A_91] : memref<2x16x128xi32, #tpu.memory_space<vmem>> -> memref<1x16x128xi32, #tpu.memory_space<vmem>>
      %dma_wait3A_93 = tpu.memref_squeeze %dma_wait3A_92 : memref<1x16x128xi32, #tpu.memory_space<vmem>> -> memref<16x128xi32, #tpu.memory_space<vmem>>
      %dma_wait3A_94 = arith.constant 0 : i32
      %dma_wait3A_95 = arith.constant 0 : i32
      %dma_wait3A_96 = tpu.memref_slice %arg4[%add3A, %dma_wait3A_94, %dma_wait3A_95] : memref<32x80x128xi32, #tpu.memory_space<hbm>> -> memref<1x80x128xi32, #tpu.memory_space<hbm>>
      %dma_wait3A_97 = tpu.memref_squeeze %dma_wait3A_96 : memref<1x80x128xi32, #tpu.memory_space<hbm>> -> memref<80x128xi32, #tpu.memory_space<hbm>>
      %dma_wait3A_98 = arith.constant 0 : i32
      %dma_wait3A_99 = tpu.memref_slice %dma_wait3A_97[%mul3A_89, %dma_wait3A_98] : memref<80x128xi32, #tpu.memory_space<hbm>> -> memref<16x128xi32, #tpu.memory_space<hbm>>
      %dma_wait3A_100 = arith.constant 0 : i32
      %dma_wait3A_101 = arith.constant 0 : i32
      %dma_wait3A_102 = tpu.memref_slice %arg8[%select_n3A_66, %dma_wait3A_100, %dma_wait3A_101] : memref<2x16x128xi32, #tpu.memory_space<vmem>> -> memref<1x16x128xi32, #tpu.memory_space<vmem>>
      %dma_wait3A_103 = tpu.memref_squeeze %dma_wait3A_102 : memref<1x16x128xi32, #tpu.memory_space<vmem>> -> memref<16x128xi32, #tpu.memory_space<vmem>>
      %dma_wait3A_104 = arith.constant 0 : i32
      %dma_wait3A_105 = arith.constant 0 : i32
      %dma_wait3A_106 = tpu.memref_slice %arg4[%add3A, %dma_wait3A_104, %dma_wait3A_105] : memref<32x80x128xi32, #tpu.memory_space<hbm>> -> memref<1x80x128xi32, #tpu.memory_space<hbm>>
      %dma_wait3A_107 = tpu.memref_squeeze %dma_wait3A_106 : memref<1x80x128xi32, #tpu.memory_space<hbm>> -> memref<80x128xi32, #tpu.memory_space<hbm>>
      %dma_wait3A_108 = arith.constant 0 : i32
      %dma_wait3A_109 = tpu.memref_slice %dma_wait3A_107[%mul3A_89, %dma_wait3A_108] : memref<80x128xi32, #tpu.memory_space<hbm>> -> memref<16x128xi32, #tpu.memory_space<hbm>>
      tpu.wait_dma2 semaphore(%arg14 : memref<!tpu.dma_semaphore, #tpu.memory_space<semaphore_mem>>) src(%dma_wait3A_109 : memref<16x128xi32, #tpu.memory_space<hbm>>) dst(%dma_wait3A_103 : memref<16x128xi32, #tpu.memory_space<vmem>>)
      %add3A_110 = arith.constant 1 : i32
      %add3A_111 = arith.addi %add3A_57, %add3A_110 : i32
      %lt3A_112 = arith.constant 5 : i32
      %lt3A_113 = arith.cmpi slt, %add3A_111, %lt3A_112 : i32
      %convert_element_type3A = arith.extui %lt3A_113 : i1 to i32
      %cond3A = arith.constant 0 : i32
      %cond3A_114 = arith.cmpi ne, %convert_element_type3A, %cond3A : i32
      scf.if %cond3A_114 {
        %add3A_134 = arith.constant 1 : i32
        %add3A_135 = arith.addi %add3A_57, %add3A_134 : i32
        %jit3A_136 = arith.constant 2 : i32
        %eq3A_137 = arith.constant 0 : i32
        %eq3A_138 = arith.cmpi eq, %jit3A_136, %eq3A_137 : i32
        %jit3A_139 = arith.constant 1 : i32
        %select_n3A_140 = arith.select %eq3A_138, %jit3A_139, %jit3A_136 : i32
        %rem3A_141 = arith.remsi %add3A_135, %select_n3A_140 : i32
        %ne3A_142 = arith.constant 0 : i32
        %ne3A_143 = arith.cmpi ne, %rem3A_141, %ne3A_142 : i32
        %lt3A_144 = arith.constant 0 : i32
        %lt3A_145 = arith.cmpi slt, %rem3A_141, %lt3A_144 : i32
        %lt3A_146 = arith.constant 0 : i32
        %lt3A_147 = arith.cmpi slt, %select_n3A_140, %lt3A_146 : i32
        %ne3A_148 = arith.xori %lt3A_145, %lt3A_147 : i1
        %and3A_149 = arith.andi %ne3A_148, %ne3A_143 : i1
        %add3A_150 = arith.addi %rem3A_141, %select_n3A_140 : i32
        %select_n3A_151 = arith.select %and3A_149, %add3A_150, %rem3A_141 : i32
        %add3A_152 = arith.constant 1 : i32
        %add3A_153 = arith.addi %add3A_57, %add3A_152 : i32
        %mul3A_154 = arith.constant 16 : i32
        %mul3A_155 = arith.muli %add3A_153, %mul3A_154 : i32
        %dma_start3A_156 = arith.constant 0 : i32
        %dma_start3A_157 = arith.constant 0 : i32
        %dma_start3A_158 = tpu.memref_slice %arg7[%select_n3A_151, %dma_start3A_156, %dma_start3A_157] : memref<2x16x128xi32, #tpu.memory_space<vmem>> -> memref<1x16x128xi32, #tpu.memory_space<vmem>>
        %dma_start3A_159 = tpu.memref_squeeze %dma_start3A_158 : memref<1x16x128xi32, #tpu.memory_space<vmem>> -> memref<16x128xi32, #tpu.memory_space<vmem>>
        %dma_start3A_160 = arith.constant 0 : i32
        %dma_start3A_161 = arith.constant 0 : i32
        %dma_start3A_162 = tpu.memref_slice %arg3[%add3A, %dma_start3A_160, %dma_start3A_161] : memref<32x80x128xi32, #tpu.memory_space<hbm>> -> memref<1x80x128xi32, #tpu.memory_space<hbm>>
        %dma_start3A_163 = tpu.memref_squeeze %dma_start3A_162 : memref<1x80x128xi32, #tpu.memory_space<hbm>> -> memref<80x128xi32, #tpu.memory_space<hbm>>
        %dma_start3A_164 = arith.constant 0 : i32
        %dma_start3A_165 = tpu.memref_slice %dma_start3A_163[%mul3A_155, %dma_start3A_164] : memref<80x128xi32, #tpu.memory_space<hbm>> -> memref<16x128xi32, #tpu.memory_space<hbm>>
        %dma_start3A_166 = arith.constant 0 : i32
        %dma_start3A_167 = arith.constant 0 : i32
        %dma_start3A_168 = tpu.memref_slice %arg7[%select_n3A_151, %dma_start3A_166, %dma_start3A_167] : memref<2x16x128xi32, #tpu.memory_space<vmem>> -> memref<1x16x128xi32, #tpu.memory_space<vmem>>
        %dma_start3A_169 = tpu.memref_squeeze %dma_start3A_168 : memref<1x16x128xi32, #tpu.memory_space<vmem>> -> memref<16x128xi32, #tpu.memory_space<vmem>>
        %dma_start3A_170 = arith.constant 0 : i32
        %dma_start3A_171 = arith.constant 0 : i32
        %dma_start3A_172 = tpu.memref_slice %arg3[%add3A, %dma_start3A_170, %dma_start3A_171] : memref<32x80x128xi32, #tpu.memory_space<hbm>> -> memref<1x80x128xi32, #tpu.memory_space<hbm>>
        %dma_start3A_173 = tpu.memref_squeeze %dma_start3A_172 : memref<1x80x128xi32, #tpu.memory_space<hbm>> -> memref<80x128xi32, #tpu.memory_space<hbm>>
        %dma_start3A_174 = arith.constant 0 : i32
        %dma_start3A_175 = tpu.memref_slice %dma_start3A_173[%mul3A_155, %dma_start3A_174] : memref<80x128xi32, #tpu.memory_space<hbm>> -> memref<16x128xi32, #tpu.memory_space<hbm>>
        tpu.enqueue_dma source(%dma_start3A_175 : memref<16x128xi32, #tpu.memory_space<hbm>>) target(%dma_start3A_169 : memref<16x128xi32, #tpu.memory_space<vmem>>) target_semaphore(%arg14 : memref<!tpu.dma_semaphore, #tpu.memory_space<semaphore_mem>>)
        %add3A_176 = arith.constant 1 : i32
        %add3A_177 = arith.addi %add3A_57, %add3A_176 : i32
        %mul3A_178 = arith.constant 16 : i32
        %mul3A_179 = arith.muli %add3A_177, %mul3A_178 : i32
        %dma_start3A_180 = arith.constant 0 : i32
        %dma_start3A_181 = arith.constant 0 : i32
        %dma_start3A_182 = tpu.memref_slice %arg8[%select_n3A_151, %dma_start3A_180, %dma_start3A_181] : memref<2x16x128xi32, #tpu.memory_space<vmem>> -> memref<1x16x128xi32, #tpu.memory_space<vmem>>
        %dma_start3A_183 = tpu.memref_squeeze %dma_start3A_182 : memref<1x16x128xi32, #tpu.memory_space<vmem>> -> memref<16x128xi32, #tpu.memory_space<vmem>>
        %dma_start3A_184 = arith.constant 0 : i32
        %dma_start3A_185 = arith.constant 0 : i32
        %dma_start3A_186 = tpu.memref_slice %arg4[%add3A, %dma_start3A_184, %dma_start3A_185] : memref<32x80x128xi32, #tpu.memory_space<hbm>> -> memref<1x80x128xi32, #tpu.memory_space<hbm>>
        %dma_start3A_187 = tpu.memref_squeeze %dma_start3A_186 : memref<1x80x128xi32, #tpu.memory_space<hbm>> -> memref<80x128xi32, #tpu.memory_space<hbm>>
        %dma_start3A_188 = arith.constant 0 : i32
        %dma_start3A_189 = tpu.memref_slice %dma_start3A_187[%mul3A_179, %dma_start3A_188] : memref<80x128xi32, #tpu.memory_space<hbm>> -> memref<16x128xi32, #tpu.memory_space<hbm>>
        %dma_start3A_190 = arith.constant 0 : i32
        %dma_start3A_191 = arith.constant 0 : i32
        %dma_start3A_192 = tpu.memref_slice %arg8[%select_n3A_151, %dma_start3A_190, %dma_start3A_191] : memref<2x16x128xi32, #tpu.memory_space<vmem>> -> memref<1x16x128xi32, #tpu.memory_space<vmem>>
        %dma_start3A_193 = tpu.memref_squeeze %dma_start3A_192 : memref<1x16x128xi32, #tpu.memory_space<vmem>> -> memref<16x128xi32, #tpu.memory_space<vmem>>
        %dma_start3A_194 = arith.constant 0 : i32
        %dma_start3A_195 = arith.constant 0 : i32
        %dma_start3A_196 = tpu.memref_slice %arg4[%add3A, %dma_start3A_194, %dma_start3A_195] : memref<32x80x128xi32, #tpu.memory_space<hbm>> -> memref<1x80x128xi32, #tpu.memory_space<hbm>>
        %dma_start3A_197 = tpu.memref_squeeze %dma_start3A_196 : memref<1x80x128xi32, #tpu.memory_space<hbm>> -> memref<80x128xi32, #tpu.memory_space<hbm>>
        %dma_start3A_198 = arith.constant 0 : i32
        %dma_start3A_199 = tpu.memref_slice %dma_start3A_197[%mul3A_179, %dma_start3A_198] : memref<80x128xi32, #tpu.memory_space<hbm>> -> memref<16x128xi32, #tpu.memory_space<hbm>>
        tpu.enqueue_dma source(%dma_start3A_199 : memref<16x128xi32, #tpu.memory_space<hbm>>) target(%dma_start3A_193 : memref<16x128xi32, #tpu.memory_space<vmem>>) target_semaphore(%arg14 : memref<!tpu.dma_semaphore, #tpu.memory_space<semaphore_mem>>)
      } else {
      }
      %dma_start3A_115 = arith.constant 0 : i32
      %dma_start3A_116 = arith.constant 0 : i32
      %dma_start3A_117 = tpu.memref_slice %arg7[%select_n3A_66, %dma_start3A_115, %dma_start3A_116] : memref<2x16x128xi32, #tpu.memory_space<vmem>> -> memref<1x1x128xi32, #tpu.memory_space<vmem>>
      %dma_start3A_118 = tpu.memref_squeeze %dma_start3A_117 : memref<1x1x128xi32, #tpu.memory_space<vmem>> -> memref<128xi32, #tpu.memory_space<vmem>>
      %dma_start3A_119 = arith.constant 0 : i32
      %dma_start3A_120 = arith.constant 0 : i32
      %dma_start3A_121 = tpu.memref_slice %arg2[%dma_start3A_119, %dma_start3A_120] : memref<10240x128xf32, #tpu.memory_space<hbm>> -> memref<10240x128xf32, #tpu.memory_space<hbm>>
      tpu.enqueue_indirect_dma source(%dma_start3A_121 : memref<10240x128xf32, #tpu.memory_space<hbm>>) target(%arg9 : memref<128x128xf32, #tpu.memory_space<vmem>>) offsets(%dma_start3A_118 : memref<128xi32, #tpu.memory_space<vmem>>) semaphore(%arg12 : memref<!tpu.dma_semaphore, #tpu.memory_space<semaphore_mem>>)
      %dma_start3A_122 = arith.constant 1 : i32
      %dma_start3A_123 = arith.constant 0 : i32
      %dma_start3A_124 = tpu.memref_slice %arg7[%select_n3A_66, %dma_start3A_122, %dma_start3A_123] : memref<2x16x128xi32, #tpu.memory_space<vmem>> -> memref<1x1x128xi32, #tpu.memory_space<vmem>>
      %dma_start3A_125 = tpu.memref_squeeze %dma_start3A_124 : memref<1x1x128xi32, #tpu.memory_space<vmem>> -> memref<128xi32, #tpu.memory_space<vmem>>
      %dma_start3A_126 = arith.constant 0 : i32
      %dma_start3A_127 = arith.constant 0 : i32
      %dma_start3A_128 = tpu.memref_slice %arg2[%dma_start3A_126, %dma_start3A_127] : memref<10240x128xf32, #tpu.memory_space<hbm>> -> memref<10240x128xf32, #tpu.memory_space<hbm>>
      tpu.enqueue_indirect_dma source(%dma_start3A_128 : memref<10240x128xf32, #tpu.memory_space<hbm>>) target(%arg10 : memref<128x128xf32, #tpu.memory_space<vmem>>) offsets(%dma_start3A_125 : memref<128xi32, #tpu.memory_space<vmem>>) semaphore(%arg13 : memref<!tpu.dma_semaphore, #tpu.memory_space<semaphore_mem>>)
      %scan3A_129 = arith.constant 0 : i32
      %scan3A_130 = arith.constant 8 : i32
      %scan3A_131 = arith.addi %scan3A_129, %scan3A_130 : i32
      %scan3A_132 = arith.constant 1 : i32
      scf.for %scan3A_134 = %scan3A_129 to %scan3A_131 step %scan3A_132  : i32 {
        %mul3A_135 = arith.constant 2 : i32
        %mul3A_136 = arith.muli %scan3A_134, %mul3A_135 : i32
        %add3A_137 = arith.constant 0 : i32
        %add3A_138 = arith.addi %add3A_137, %mul3A_136 : i32
        %dma_wait3A_139 = arith.constant 0 : i32
        %dma_wait3A_140 = tpu.memref_slice %arg7[%select_n3A_66, %add3A_138, %dma_wait3A_139] : memref<2x16x128xi32, #tpu.memory_space<vmem>> -> memref<1x1x128xi32, #tpu.memory_space<vmem>>
        %dma_wait3A_141 = tpu.memref_squeeze %dma_wait3A_140 : memref<1x1x128xi32, #tpu.memory_space<vmem>> -> memref<128xi32, #tpu.memory_space<vmem>>
        %dma_wait3A_142 = arith.constant 0 : i32
        %dma_wait3A_143 = arith.constant 0 : i32
        %dma_wait3A_144 = tpu.memref_slice %arg2[%dma_wait3A_142, %dma_wait3A_143] : memref<10240x128xf32, #tpu.memory_space<hbm>> -> memref<10240x128xf32, #tpu.memory_space<hbm>>
        tpu.wait_indirect_dma semaphore(%arg12 : memref<!tpu.dma_semaphore, #tpu.memory_space<semaphore_mem>>) src(%dma_wait3A_144 : memref<10240x128xf32, #tpu.memory_space<hbm>>) dst(%arg9 : memref<128x128xf32, #tpu.memory_space<vmem>>)
        "tpu.region"() ({
          %run_scoped3A = tpu.sem_alloc : memref<!tpu.dma_semaphore, #tpu.memory_space<semaphore_mem>>
          %dma_start3A_169 = arith.constant 0 : i32
          %dma_start3A_170 = tpu.memref_slice %arg8[%select_n3A_66, %add3A_138, %dma_start3A_169] : memref<2x16x128xi32, #tpu.memory_space<vmem>> -> memref<1x1x128xi32, #tpu.memory_space<vmem>>
          %dma_start3A_171 = tpu.memref_squeeze %dma_start3A_170 : memref<1x1x128xi32, #tpu.memory_space<vmem>> -> memref<128xi32, #tpu.memory_space<vmem>>
          %dma_start3A_172 = arith.constant 0 : i32
          %dma_start3A_173 = arith.constant 0 : i32
          %dma_start3A_174 = tpu.memref_slice %arg11[%dma_start3A_172, %dma_start3A_173] : memref<10240x128xf32, #tpu.memory_space<vmem_shared>> -> memref<10240x128xf32, #tpu.memory_space<vmem_shared>>
          tpu.enqueue_indirect_dma source(%arg9 : memref<128x128xf32, #tpu.memory_space<vmem>>) target(%dma_start3A_174 : memref<10240x128xf32, #tpu.memory_space<vmem_shared>>) offsets(%dma_start3A_171 : memref<128xi32, #tpu.memory_space<vmem>>) semaphore(%run_scoped3A : memref<!tpu.dma_semaphore, #tpu.memory_space<semaphore_mem>>) {add = true}
          %dma_wait3A_175 = arith.constant 0 : i32
          %dma_wait3A_176 = tpu.memref_slice %arg8[%select_n3A_66, %add3A_138, %dma_wait3A_175] : memref<2x16x128xi32, #tpu.memory_space<vmem>> -> memref<1x1x128xi32, #tpu.memory_space<vmem>>
          %dma_wait3A_177 = tpu.memref_squeeze %dma_wait3A_176 : memref<1x1x128xi32, #tpu.memory_space<vmem>> -> memref<128xi32, #tpu.memory_space<vmem>>
          %dma_wait3A_178 = arith.constant 0 : i32
          %dma_wait3A_179 = arith.constant 0 : i32
          %dma_wait3A_180 = tpu.memref_slice %arg11[%dma_wait3A_178, %dma_wait3A_179] : memref<10240x128xf32, #tpu.memory_space<vmem_shared>> -> memref<10240x128xf32, #tpu.memory_space<vmem_shared>>
          tpu.wait_indirect_dma semaphore(%run_scoped3A : memref<!tpu.dma_semaphore, #tpu.memory_space<semaphore_mem>>) src(%arg9 : memref<128x128xf32, #tpu.memory_space<vmem>>) dst(%dma_wait3A_180 : memref<10240x128xf32, #tpu.memory_space<vmem_shared>>)
          tpu.yield
        }) : () -> ()
        %add3A_145 = arith.constant 2 : i32
        %add3A_146 = arith.addi %add3A_138, %add3A_145 : i32
        %lt3A_147 = arith.constant 16 : i32
        %lt3A_148 = arith.cmpi slt, %add3A_146, %lt3A_147 : i32
        %convert_element_type3A_149 = arith.extui %lt3A_148 : i1 to i32
        %cond3A_150 = arith.constant 0 : i32
        %cond3A_151 = arith.cmpi ne, %convert_element_type3A_149, %cond3A_150 : i32
        scf.if %cond3A_151 {
          %add3A_169 = arith.constant 2 : i32
          %add3A_170 = arith.addi %add3A_138, %add3A_169 : i32
          %dma_start3A_171 = arith.constant 0 : i32
          %dma_start3A_172 = tpu.memref_slice %arg7[%select_n3A_66, %add3A_170, %dma_start3A_171] : memref<2x16x128xi32, #tpu.memory_space<vmem>> -> memref<1x1x128xi32, #tpu.memory_space<vmem>>
          %dma_start3A_173 = tpu.memref_squeeze %dma_start3A_172 : memref<1x1x128xi32, #tpu.memory_space<vmem>> -> memref<128xi32, #tpu.memory_space<vmem>>
          %dma_start3A_174 = arith.constant 0 : i32
          %dma_start3A_175 = arith.constant 0 : i32
          %dma_start3A_176 = tpu.memref_slice %arg2[%dma_start3A_174, %dma_start3A_175] : memref<10240x128xf32, #tpu.memory_space<hbm>> -> memref<10240x128xf32, #tpu.memory_space<hbm>>
          tpu.enqueue_indirect_dma source(%dma_start3A_176 : memref<10240x128xf32, #tpu.memory_space<hbm>>) target(%arg9 : memref<128x128xf32, #tpu.memory_space<vmem>>) offsets(%dma_start3A_173 : memref<128xi32, #tpu.memory_space<vmem>>) semaphore(%arg12 : memref<!tpu.dma_semaphore, #tpu.memory_space<semaphore_mem>>)
        } else {
        }
        %add3A_152 = arith.constant 1 : i32
        %add3A_153 = arith.addi %add3A_138, %add3A_152 : i32
        %dma_wait3A_154 = arith.constant 0 : i32
        %dma_wait3A_155 = tpu.memref_slice %arg7[%select_n3A_66, %add3A_153, %dma_wait3A_154] : memref<2x16x128xi32, #tpu.memory_space<vmem>> -> memref<1x1x128xi32, #tpu.memory_space<vmem>>
        %dma_wait3A_156 = tpu.memref_squeeze %dma_wait3A_155 : memref<1x1x128xi32, #tpu.memory_space<vmem>> -> memref<128xi32, #tpu.memory_space<vmem>>
        %dma_wait3A_157 = arith.constant 0 : i32
        %dma_wait3A_158 = arith.constant 0 : i32
        %dma_wait3A_159 = tpu.memref_slice %arg2[%dma_wait3A_157, %dma_wait3A_158] : memref<10240x128xf32, #tpu.memory_space<hbm>> -> memref<10240x128xf32, #tpu.memory_space<hbm>>
        tpu.wait_indirect_dma semaphore(%arg13 : memref<!tpu.dma_semaphore, #tpu.memory_space<semaphore_mem>>) src(%dma_wait3A_159 : memref<10240x128xf32, #tpu.memory_space<hbm>>) dst(%arg10 : memref<128x128xf32, #tpu.memory_space<vmem>>)
        %add3A_160 = arith.constant 1 : i32
        %add3A_161 = arith.addi %add3A_138, %add3A_160 : i32
        "tpu.region"() ({
          %run_scoped3A = tpu.sem_alloc : memref<!tpu.dma_semaphore, #tpu.memory_space<semaphore_mem>>
          %dma_start3A_169 = arith.constant 0 : i32
          %dma_start3A_170 = tpu.memref_slice %arg8[%select_n3A_66, %add3A_161, %dma_start3A_169] : memref<2x16x128xi32, #tpu.memory_space<vmem>> -> memref<1x1x128xi32, #tpu.memory_space<vmem>>
          %dma_start3A_171 = tpu.memref_squeeze %dma_start3A_170 : memref<1x1x128xi32, #tpu.memory_space<vmem>> -> memref<128xi32, #tpu.memory_space<vmem>>
          %dma_start3A_172 = arith.constant 0 : i32
          %dma_start3A_173 = arith.constant 0 : i32
          %dma_start3A_174 = tpu.memref_slice %arg11[%dma_start3A_172, %dma_start3A_173] : memref<10240x128xf32, #tpu.memory_space<vmem_shared>> -> memref<10240x128xf32, #tpu.memory_space<vmem_shared>>
          tpu.enqueue_indirect_dma source(%arg10 : memref<128x128xf32, #tpu.memory_space<vmem>>) target(%dma_start3A_174 : memref<10240x128xf32, #tpu.memory_space<vmem_shared>>) offsets(%dma_start3A_171 : memref<128xi32, #tpu.memory_space<vmem>>) semaphore(%run_scoped3A : memref<!tpu.dma_semaphore, #tpu.memory_space<semaphore_mem>>) {add = true}
          %dma_wait3A_175 = arith.constant 0 : i32
          %dma_wait3A_176 = tpu.memref_slice %arg8[%select_n3A_66, %add3A_161, %dma_wait3A_175] : memref<2x16x128xi32, #tpu.memory_space<vmem>> -> memref<1x1x128xi32, #tpu.memory_space<vmem>>
          %dma_wait3A_177 = tpu.memref_squeeze %dma_wait3A_176 : memref<1x1x128xi32, #tpu.memory_space<vmem>> -> memref<128xi32, #tpu.memory_space<vmem>>
          %dma_wait3A_178 = arith.constant 0 : i32
          %dma_wait3A_179 = arith.constant 0 : i32
          %dma_wait3A_180 = tpu.memref_slice %arg11[%dma_wait3A_178, %dma_wait3A_179] : memref<10240x128xf32, #tpu.memory_space<vmem_shared>> -> memref<10240x128xf32, #tpu.memory_space<vmem_shared>>
          tpu.wait_indirect_dma semaphore(%run_scoped3A : memref<!tpu.dma_semaphore, #tpu.memory_space<semaphore_mem>>) src(%arg10 : memref<128x128xf32, #tpu.memory_space<vmem>>) dst(%dma_wait3A_180 : memref<10240x128xf32, #tpu.memory_space<vmem_shared>>)
          tpu.yield
        }) : () -> ()
        %add3A_162 = arith.constant 3 : i32
        %add3A_163 = arith.addi %add3A_138, %add3A_162 : i32
        %lt3A_164 = arith.constant 16 : i32
        %lt3A_165 = arith.cmpi slt, %add3A_163, %lt3A_164 : i32
        %convert_element_type3A_166 = arith.extui %lt3A_165 : i1 to i32
        %cond3A_167 = arith.constant 0 : i32
        %cond3A_168 = arith.cmpi ne, %convert_element_type3A_166, %cond3A_167 : i32
        scf.if %cond3A_168 {
          %add3A_169 = arith.constant 3 : i32
          %add3A_170 = arith.addi %add3A_138, %add3A_169 : i32
          %dma_start3A_171 = arith.constant 0 : i32
          %dma_start3A_172 = tpu.memref_slice %arg7[%select_n3A_66, %add3A_170, %dma_start3A_171] : memref<2x16x128xi32, #tpu.memory_space<vmem>> -> memref<1x1x128xi32, #tpu.memory_space<vmem>>
          %dma_start3A_173 = tpu.memref_squeeze %dma_start3A_172 : memref<1x1x128xi32, #tpu.memory_space<vmem>> -> memref<128xi32, #tpu.memory_space<vmem>>
          %dma_start3A_174 = arith.constant 0 : i32
          %dma_start3A_175 = arith.constant 0 : i32
          %dma_start3A_176 = tpu.memref_slice %arg2[%dma_start3A_174, %dma_start3A_175] : memref<10240x128xf32, #tpu.memory_space<hbm>> -> memref<10240x128xf32, #tpu.memory_space<hbm>>
          tpu.enqueue_indirect_dma source(%dma_start3A_176 : memref<10240x128xf32, #tpu.memory_space<hbm>>) target(%arg10 : memref<128x128xf32, #tpu.memory_space<vmem>>) offsets(%dma_start3A_173 : memref<128xi32, #tpu.memory_space<vmem>>) semaphore(%arg13 : memref<!tpu.dma_semaphore, #tpu.memory_space<semaphore_mem>>)
        } else {
        }
      }
      %scan3A_133 = arith.constant 8 : i32
    }
    %scan3A_51 = arith.constant 5 : i32
    %barrier3A_52 = arith.constant 0 : index
    tpu.barrier barrier_id(%barrier3A_52)
    "tpu.region"() ({
      %run_scoped3A = tpu.sem_alloc : memref<!tpu.dma_semaphore, #tpu.memory_space<semaphore_mem>>
      %dma_start3A_53 = arith.constant 0 : i32
      %dma_start3A_54 = arith.constant 0 : i32
      %dma_start3A_55 = tpu.memref_slice %arg6[%arg0, %dma_start3A_53, %dma_start3A_54] : memref<2x10240x128xf32, #tpu.memory_space<hbm>> -> memref<1x10240x128xf32, #tpu.memory_space<hbm>>
      %dma_start3A_56 = tpu.memref_squeeze %dma_start3A_55 : memref<1x10240x128xf32, #tpu.memory_space<hbm>> -> memref<10240x128xf32, #tpu.memory_space<hbm>>
      %dma_start3A_57 = arith.constant 0 : i32
      %dma_start3A_58 = tpu.memref_slice %dma_start3A_56[%mul3A_2, %dma_start3A_57] : memref<10240x128xf32, #tpu.memory_space<hbm>> -> memref<640x128xf32, #tpu.memory_space<hbm>>
      %dma_start3A_59 = arith.constant 0 : i32
      %dma_start3A_60 = tpu.memref_slice %arg11[%mul3A_2, %dma_start3A_59] : memref<10240x128xf32, #tpu.memory_space<vmem_shared>> -> memref<640x128xf32, #tpu.memory_space<vmem_shared>>
      tpu.enqueue_dma source(%dma_start3A_60 : memref<640x128xf32, #tpu.memory_space<vmem_shared>>) target(%dma_start3A_58 : memref<640x128xf32, #tpu.memory_space<hbm>>) target_semaphore(%run_scoped3A : memref<!tpu.dma_semaphore, #tpu.memory_space<semaphore_mem>>)
      %dma_wait3A = arith.constant 0 : i32
      %dma_wait3A_61 = arith.constant 0 : i32
      %dma_wait3A_62 = tpu.memref_slice %arg6[%arg0, %dma_wait3A, %dma_wait3A_61] : memref<2x10240x128xf32, #tpu.memory_space<hbm>> -> memref<1x10240x128xf32, #tpu.memory_space<hbm>>
      %dma_wait3A_63 = tpu.memref_squeeze %dma_wait3A_62 : memref<1x10240x128xf32, #tpu.memory_space<hbm>> -> memref<10240x128xf32, #tpu.memory_space<hbm>>
      %dma_wait3A_64 = arith.constant 0 : i32
      %dma_wait3A_65 = tpu.memref_slice %dma_wait3A_63[%mul3A_2, %dma_wait3A_64] : memref<10240x128xf32, #tpu.memory_space<hbm>> -> memref<640x128xf32, #tpu.memory_space<hbm>>
      %dma_wait3A_66 = arith.constant 0 : i32
      %dma_wait3A_67 = tpu.memref_slice %arg11[%mul3A_2, %dma_wait3A_66] : memref<10240x128xf32, #tpu.memory_space<vmem_shared>> -> memref<640x128xf32, #tpu.memory_space<vmem_shared>>
      tpu.wait_dma2 semaphore(%run_scoped3A : memref<!tpu.dma_semaphore, #tpu.memory_space<semaphore_mem>>) src(%dma_wait3A_67 : memref<640x128xf32, #tpu.memory_space<vmem_shared>>) dst(%dma_wait3A_65 : memref<640x128xf32, #tpu.memory_space<hbm>>)
      tpu.yield
    }) : () -> ()
    return
  }
}

#map = affine_map<(d0, d1) -> (0, 0)>
#map1 = affine_map<(d0, d1) -> (0, 0, 0)>
module attributes {stable_mosaic.version = 14 : i64} {
  func.func @_sc_aggregate(%arg0: i32, %arg1: i32, %arg2: memref<10240x128xf32, #tpu.memory_space<hbm>>, %arg3: memref<32x80x128xi32, #tpu.memory_space<hbm>>, %arg4: memref<32x80x128xi32, #tpu.memory_space<hbm>>, %arg5: memref<10240x128xf32, #tpu.memory_space<hbm>>, %arg6: memref<2x10240x128xf32, #tpu.memory_space<hbm>>, %arg7: memref<2x16x128xi32, #tpu.memory_space<vmem>>, %arg8: memref<2x16x128xi32, #tpu.memory_space<vmem>>, %arg9: memref<128x128xf32, #tpu.memory_space<vmem>>, %arg10: memref<128x128xf32, #tpu.memory_space<vmem>>, %arg11: memref<10240x128xf32, #tpu.memory_space<vmem_shared>>, %arg12: memref<!tpu.dma_semaphore, #tpu.memory_space<semaphore_mem>>, %arg13: memref<!tpu.dma_semaphore, #tpu.memory_space<semaphore_mem>>, %arg14: memref<!tpu.dma_semaphore, #tpu.memory_space<semaphore_mem>>) attributes {dimension_semantics = [#tpu.dimension_semantics<core_parallel>, #tpu.dimension_semantics<subcore_parallel>], iteration_bounds = array<i64: 2, 16>, scalar_prefetch = 0 : i64, scratch_operands = 8 : i64, tpu.core_type = #tpu.core_type<sc_vector_subcore>, window_params = [{transform_indices = #map}, {transform_indices = #map1}, {transform_indices = #map1}, {transform_indices = #map}, {transform_indices = #map1}]} {
    %mul3A = arith.constant 16 : i32
    %mul3A_0 = arith.muli %arg0, %mul3A : i32
    %add3A = arith.addi %mul3A_0, %arg1 : i32
    %mul3A_1 = arith.constant 640 : i32
    %mul3A_2 = arith.muli %arg1, %mul3A_1 : i32
    "tpu.region"() ({
      %run_scoped3A = tpu.sem_alloc : memref<!tpu.dma_semaphore, #tpu.memory_space<semaphore_mem>>
      %dma_start3A_53 = arith.constant 0 : i32
      %dma_start3A_54 = tpu.memref_slice %arg11[%mul3A_2, %dma_start3A_53] : memref<10240x128xf32, #tpu.memory_space<vmem_shared>> -> memref<640x128xf32, #tpu.memory_space<vmem_shared>>
      %dma_start3A_55 = arith.constant 0 : i32
      %dma_start3A_56 = tpu.memref_slice %arg5[%mul3A_2, %dma_start3A_55] : memref<10240x128xf32, #tpu.memory_space<hbm>> -> memref<640x128xf32, #tpu.memory_space<hbm>>
      tpu.enqueue_dma source(%dma_start3A_56 : memref<640x128xf32, #tpu.memory_space<hbm>>) target(%dma_start3A_54 : memref<640x128xf32, #tpu.memory_space<vmem_shared>>) target_semaphore(%run_scoped3A : memref<!tpu.dma_semaphore, #tpu.memory_space<semaphore_mem>>)
      %dma_wait3A = arith.constant 0 : i32
      %dma_wait3A_57 = tpu.memref_slice %arg11[%mul3A_2, %dma_wait3A] : memref<10240x128xf32, #tpu.memory_space<vmem_shared>> -> memref<640x128xf32, #tpu.memory_space<vmem_shared>>
      %dma_wait3A_58 = arith.constant 0 : i32
      %dma_wait3A_59 = tpu.memref_slice %arg5[%mul3A_2, %dma_wait3A_58] : memref<10240x128xf32, #tpu.memory_space<hbm>> -> memref<640x128xf32, #tpu.memory_space<hbm>>
      tpu.wait_dma2 semaphore(%run_scoped3A : memref<!tpu.dma_semaphore, #tpu.memory_space<semaphore_mem>>) src(%dma_wait3A_59 : memref<640x128xf32, #tpu.memory_space<hbm>>) dst(%dma_wait3A_57 : memref<640x128xf32, #tpu.memory_space<vmem_shared>>)
      tpu.yield
    }) : () -> ()
    %barrier3A = arith.constant 0 : index
    tpu.barrier barrier_id(%barrier3A)
    %dma_start3A = arith.constant 0 : i32
    %dma_start3A_3 = arith.constant 0 : i32
    %dma_start3A_4 = arith.constant 0 : i32
    %dma_start3A_5 = tpu.memref_slice %arg7[%dma_start3A, %dma_start3A_3, %dma_start3A_4] : memref<2x16x128xi32, #tpu.memory_space<vmem>> -> memref<1x16x128xi32, #tpu.memory_space<vmem>>
    %dma_start3A_6 = tpu.memref_squeeze %dma_start3A_5 : memref<1x16x128xi32, #tpu.memory_space<vmem>> -> memref<16x128xi32, #tpu.memory_space<vmem>>
    %dma_start3A_7 = arith.constant 0 : i32
    %dma_start3A_8 = arith.constant 0 : i32
    %dma_start3A_9 = tpu.memref_slice %arg3[%add3A, %dma_start3A_7, %dma_start3A_8] : memref<32x80x128xi32, #tpu.memory_space<hbm>> -> memref<1x80x128xi32, #tpu.memory_space<hbm>>
    %dma_start3A_10 = tpu.memref_squeeze %dma_start3A_9 : memref<1x80x128xi32, #tpu.memory_space<hbm>> -> memref<80x128xi32, #tpu.memory_space<hbm>>
    %dma_start3A_11 = arith.constant 0 : i32
    %dma_start3A_12 = arith.constant 0 : i32
    %dma_start3A_13 = tpu.memref_slice %dma_start3A_10[%dma_start3A_11, %dma_start3A_12] : memref<80x128xi32, #tpu.memory_space<hbm>> -> memref<16x128xi32, #tpu.memory_space<hbm>>
    %dma_start3A_14 = arith.constant 0 : i32
    %dma_start3A_15 = arith.constant 0 : i32
    %dma_start3A_16 = tpu.memref_slice %arg7[%dma_start3A, %dma_start3A_14, %dma_start3A_15] : memref<2x16x128xi32, #tpu.memory_space<vmem>> -> memref<1x16x128xi32, #tpu.memory_space<vmem>>
    %dma_start3A_17 = tpu.memref_squeeze %dma_start3A_16 : memref<1x16x128xi32, #tpu.memory_space<vmem>> -> memref<16x128xi32, #tpu.memory_space<vmem>>
    %dma_start3A_18 = arith.constant 0 : i32
    %dma_start3A_19 = arith.constant 0 : i32
    %dma_start3A_20 = tpu.memref_slice %arg3[%add3A, %dma_start3A_18, %dma_start3A_19] : memref<32x80x128xi32, #tpu.memory_space<hbm>> -> memref<1x80x128xi32, #tpu.memory_space<hbm>>
    %dma_start3A_21 = tpu.memref_squeeze %dma_start3A_20 : memref<1x80x128xi32, #tpu.memory_space<hbm>> -> memref<80x128xi32, #tpu.memory_space<hbm>>
    %dma_start3A_22 = arith.constant 0 : i32
    %dma_start3A_23 = arith.constant 0 : i32
    %dma_start3A_24 = tpu.memref_slice %dma_start3A_21[%dma_start3A_22, %dma_start3A_23] : memref<80x128xi32, #tpu.memory_space<hbm>> -> memref<16x128xi32, #tpu.memory_space<hbm>>
    tpu.enqueue_dma source(%dma_start3A_24 : memref<16x128xi32, #tpu.memory_space<hbm>>) target(%dma_start3A_17 : memref<16x128xi32, #tpu.memory_space<vmem>>) target_semaphore(%arg14 : memref<!tpu.dma_semaphore, #tpu.memory_space<semaphore_mem>>)
    %dma_start3A_25 = arith.constant 0 : i32
    %dma_start3A_26 = arith.constant 0 : i32
    %dma_start3A_27 = arith.constant 0 : i32
    %dma_start3A_28 = tpu.memref_slice %arg8[%dma_start3A_25, %dma_start3A_26, %dma_start3A_27] : memref<2x16x128xi32, #tpu.memory_space<vmem>> -> memref<1x16x128xi32, #tpu.memory_space<vmem>>
    %dma_start3A_29 = tpu.memref_squeeze %dma_start3A_28 : memref<1x16x128xi32, #tpu.memory_space<vmem>> -> memref<16x128xi32, #tpu.memory_space<vmem>>
    %dma_start3A_30 = arith.constant 0 : i32
    %dma_start3A_31 = arith.constant 0 : i32
    %dma_start3A_32 = tpu.memref_slice %arg4[%add3A, %dma_start3A_30, %dma_start3A_31] : memref<32x80x128xi32, #tpu.memory_space<hbm>> -> memref<1x80x128xi32, #tpu.memory_space<hbm>>
    %dma_start3A_33 = tpu.memref_squeeze %dma_start3A_32 : memref<1x80x128xi32, #tpu.memory_space<hbm>> -> memref<80x128xi32, #tpu.memory_space<hbm>>
    %dma_start3A_34 = arith.constant 0 : i32
    %dma_start3A_35 = arith.constant 0 : i32
    %dma_start3A_36 = tpu.memref_slice %dma_start3A_33[%dma_start3A_34, %dma_start3A_35] : memref<80x128xi32, #tpu.memory_space<hbm>> -> memref<16x128xi32, #tpu.memory_space<hbm>>
    %dma_start3A_37 = arith.constant 0 : i32
    %dma_start3A_38 = arith.constant 0 : i32
    %dma_start3A_39 = tpu.memref_slice %arg8[%dma_start3A_25, %dma_start3A_37, %dma_start3A_38] : memref<2x16x128xi32, #tpu.memory_space<vmem>> -> memref<1x16x128xi32, #tpu.memory_space<vmem>>
    %dma_start3A_40 = tpu.memref_squeeze %dma_start3A_39 : memref<1x16x128xi32, #tpu.memory_space<vmem>> -> memref<16x128xi32, #tpu.memory_space<vmem>>
    %dma_start3A_41 = arith.constant 0 : i32
    %dma_start3A_42 = arith.constant 0 : i32
    %dma_start3A_43 = tpu.memref_slice %arg4[%add3A, %dma_start3A_41, %dma_start3A_42] : memref<32x80x128xi32, #tpu.memory_space<hbm>> -> memref<1x80x128xi32, #tpu.memory_space<hbm>>
    %dma_start3A_44 = tpu.memref_squeeze %dma_start3A_43 : memref<1x80x128xi32, #tpu.memory_space<hbm>> -> memref<80x128xi32, #tpu.memory_space<hbm>>
    %dma_start3A_45 = arith.constant 0 : i32
    %dma_start3A_46 = arith.constant 0 : i32
    %dma_start3A_47 = tpu.memref_slice %dma_start3A_44[%dma_start3A_45, %dma_start3A_46] : memref<80x128xi32, #tpu.memory_space<hbm>> -> memref<16x128xi32, #tpu.memory_space<hbm>>
    tpu.enqueue_dma source(%dma_start3A_47 : memref<16x128xi32, #tpu.memory_space<hbm>>) target(%dma_start3A_40 : memref<16x128xi32, #tpu.memory_space<vmem>>) target_semaphore(%arg14 : memref<!tpu.dma_semaphore, #tpu.memory_space<semaphore_mem>>)
    %scan3A = arith.constant 0 : i32
    %scan3A_48 = arith.constant 5 : i32
    %scan3A_49 = arith.addi %scan3A, %scan3A_48 : i32
    %scan3A_50 = arith.constant 1 : i32
    scf.for %scan3A_53 = %scan3A to %scan3A_49 step %scan3A_50  : i32 {
      %mul3A_54 = arith.constant 1 : i32
      %mul3A_55 = arith.muli %scan3A_53, %mul3A_54 : i32
      %add3A_56 = arith.constant 0 : i32
      %add3A_57 = arith.addi %add3A_56, %mul3A_55 : i32
      %jit3A = arith.constant 2 : i32
      %eq3A = arith.constant 0 : i32
      %eq3A_58 = arith.cmpi eq, %jit3A, %eq3A : i32
      %jit3A_59 = arith.constant 1 : i32
      %select_n3A = arith.select %eq3A_58, %jit3A_59, %jit3A : i32
      %rem3A = arith.remsi %add3A_57, %select_n3A : i32
      %ne3A = arith.constant 0 : i32
      %ne3A_60 = arith.cmpi ne, %rem3A, %ne3A : i32
      %lt3A = arith.constant 0 : i32
      %lt3A_61 = arith.cmpi slt, %rem3A, %lt3A : i32
      %lt3A_62 = arith.constant 0 : i32
      %lt3A_63 = arith.cmpi slt, %select_n3A, %lt3A_62 : i32
      %ne3A_64 = arith.xori %lt3A_61, %lt3A_63 : i1
      %and3A = arith.andi %ne3A_64, %ne3A_60 : i1
      %add3A_65 = arith.addi %rem3A, %select_n3A : i32
      %select_n3A_66 = arith.select %and3A, %add3A_65, %rem3A : i32
      %mul3A_67 = arith.constant 16 : i32
      %mul3A_68 = arith.muli %add3A_57, %mul3A_67 : i32
      %dma_wait3A = arith.constant 0 : i32
      %dma_wait3A_69 = arith.constant 0 : i32
      %dma_wait3A_70 = tpu.memref_slice %arg7[%select_n3A_66, %dma_wait3A, %dma_wait3A_69] : memref<2x16x128xi32, #tpu.memory_space<vmem>> -> memref<1x16x128xi32, #tpu.memory_space<vmem>>
      %dma_wait3A_71 = tpu.memref_squeeze %dma_wait3A_70 : memref<1x16x128xi32, #tpu.memory_space<vmem>> -> memref<16x128xi32, #tpu.memory_space<vmem>>
      %dma_wait3A_72 = arith.constant 0 : i32
      %dma_wait3A_73 = arith.constant 0 : i32
      %dma_wait3A_74 = tpu.memref_slice %arg3[%add3A, %dma_wait3A_72, %dma_wait3A_73] : memref<32x80x128xi32, #tpu.memory_space<hbm>> -> memref<1x80x128xi32, #tpu.memory_space<hbm>>
      %dma_wait3A_75 = tpu.memref_squeeze %dma_wait3A_74 : memref<1x80x128xi32, #tpu.memory_space<hbm>> -> memref<80x128xi32, #tpu.memory_space<hbm>>
      %dma_wait3A_76 = arith.constant 0 : i32
      %dma_wait3A_77 = tpu.memref_slice %dma_wait3A_75[%mul3A_68, %dma_wait3A_76] : memref<80x128xi32, #tpu.memory_space<hbm>> -> memref<16x128xi32, #tpu.memory_space<hbm>>
      %dma_wait3A_78 = arith.constant 0 : i32
      %dma_wait3A_79 = arith.constant 0 : i32
      %dma_wait3A_80 = tpu.memref_slice %arg7[%select_n3A_66, %dma_wait3A_78, %dma_wait3A_79] : memref<2x16x128xi32, #tpu.memory_space<vmem>> -> memref<1x16x128xi32, #tpu.memory_space<vmem>>
      %dma_wait3A_81 = tpu.memref_squeeze %dma_wait3A_80 : memref<1x16x128xi32, #tpu.memory_space<vmem>> -> memref<16x128xi32, #tpu.memory_space<vmem>>
      %dma_wait3A_82 = arith.constant 0 : i32
      %dma_wait3A_83 = arith.constant 0 : i32
      %dma_wait3A_84 = tpu.memref_slice %arg3[%add3A, %dma_wait3A_82, %dma_wait3A_83] : memref<32x80x128xi32, #tpu.memory_space<hbm>> -> memref<1x80x128xi32, #tpu.memory_space<hbm>>
      %dma_wait3A_85 = tpu.memref_squeeze %dma_wait3A_84 : memref<1x80x128xi32, #tpu.memory_space<hbm>> -> memref<80x128xi32, #tpu.memory_space<hbm>>
      %dma_wait3A_86 = arith.constant 0 : i32
      %dma_wait3A_87 = tpu.memref_slice %dma_wait3A_85[%mul3A_68, %dma_wait3A_86] : memref<80x128xi32, #tpu.memory_space<hbm>> -> memref<16x128xi32, #tpu.memory_space<hbm>>
      tpu.wait_dma2 semaphore(%arg14 : memref<!tpu.dma_semaphore, #tpu.memory_space<semaphore_mem>>) src(%dma_wait3A_87 : memref<16x128xi32, #tpu.memory_space<hbm>>) dst(%dma_wait3A_81 : memref<16x128xi32, #tpu.memory_space<vmem>>)
      %mul3A_88 = arith.constant 16 : i32
      %mul3A_89 = arith.muli %add3A_57, %mul3A_88 : i32
      %dma_wait3A_90 = arith.constant 0 : i32
      %dma_wait3A_91 = arith.constant 0 : i32
      %dma_wait3A_92 = tpu.memref_slice %arg8[%select_n3A_66, %dma_wait3A_90, %dma_wait3A_91] : memref<2x16x128xi32, #tpu.memory_space<vmem>> -> memref<1x16x128xi32, #tpu.memory_space<vmem>>
      %dma_wait3A_93 = tpu.memref_squeeze %dma_wait3A_92 : memref<1x16x128xi32, #tpu.memory_space<vmem>> -> memref<16x128xi32, #tpu.memory_space<vmem>>
      %dma_wait3A_94 = arith.constant 0 : i32
      %dma_wait3A_95 = arith.constant 0 : i32
      %dma_wait3A_96 = tpu.memref_slice %arg4[%add3A, %dma_wait3A_94, %dma_wait3A_95] : memref<32x80x128xi32, #tpu.memory_space<hbm>> -> memref<1x80x128xi32, #tpu.memory_space<hbm>>
      %dma_wait3A_97 = tpu.memref_squeeze %dma_wait3A_96 : memref<1x80x128xi32, #tpu.memory_space<hbm>> -> memref<80x128xi32, #tpu.memory_space<hbm>>
      %dma_wait3A_98 = arith.constant 0 : i32
      %dma_wait3A_99 = tpu.memref_slice %dma_wait3A_97[%mul3A_89, %dma_wait3A_98] : memref<80x128xi32, #tpu.memory_space<hbm>> -> memref<16x128xi32, #tpu.memory_space<hbm>>
      %dma_wait3A_100 = arith.constant 0 : i32
      %dma_wait3A_101 = arith.constant 0 : i32
      %dma_wait3A_102 = tpu.memref_slice %arg8[%select_n3A_66, %dma_wait3A_100, %dma_wait3A_101] : memref<2x16x128xi32, #tpu.memory_space<vmem>> -> memref<1x16x128xi32, #tpu.memory_space<vmem>>
      %dma_wait3A_103 = tpu.memref_squeeze %dma_wait3A_102 : memref<1x16x128xi32, #tpu.memory_space<vmem>> -> memref<16x128xi32, #tpu.memory_space<vmem>>
      %dma_wait3A_104 = arith.constant 0 : i32
      %dma_wait3A_105 = arith.constant 0 : i32
      %dma_wait3A_106 = tpu.memref_slice %arg4[%add3A, %dma_wait3A_104, %dma_wait3A_105] : memref<32x80x128xi32, #tpu.memory_space<hbm>> -> memref<1x80x128xi32, #tpu.memory_space<hbm>>
      %dma_wait3A_107 = tpu.memref_squeeze %dma_wait3A_106 : memref<1x80x128xi32, #tpu.memory_space<hbm>> -> memref<80x128xi32, #tpu.memory_space<hbm>>
      %dma_wait3A_108 = arith.constant 0 : i32
      %dma_wait3A_109 = tpu.memref_slice %dma_wait3A_107[%mul3A_89, %dma_wait3A_108] : memref<80x128xi32, #tpu.memory_space<hbm>> -> memref<16x128xi32, #tpu.memory_space<hbm>>
      tpu.wait_dma2 semaphore(%arg14 : memref<!tpu.dma_semaphore, #tpu.memory_space<semaphore_mem>>) src(%dma_wait3A_109 : memref<16x128xi32, #tpu.memory_space<hbm>>) dst(%dma_wait3A_103 : memref<16x128xi32, #tpu.memory_space<vmem>>)
      %add3A_110 = arith.constant 1 : i32
      %add3A_111 = arith.addi %add3A_57, %add3A_110 : i32
      %lt3A_112 = arith.constant 5 : i32
      %lt3A_113 = arith.cmpi slt, %add3A_111, %lt3A_112 : i32
      %convert_element_type3A = arith.extui %lt3A_113 : i1 to i32
      %cond3A = arith.constant 0 : i32
      %cond3A_114 = arith.cmpi ne, %convert_element_type3A, %cond3A : i32
      scf.if %cond3A_114 {
        %add3A_134 = arith.constant 1 : i32
        %add3A_135 = arith.addi %add3A_57, %add3A_134 : i32
        %jit3A_136 = arith.constant 2 : i32
        %eq3A_137 = arith.constant 0 : i32
        %eq3A_138 = arith.cmpi eq, %jit3A_136, %eq3A_137 : i32
        %jit3A_139 = arith.constant 1 : i32
        %select_n3A_140 = arith.select %eq3A_138, %jit3A_139, %jit3A_136 : i32
        %rem3A_141 = arith.remsi %add3A_135, %select_n3A_140 : i32
        %ne3A_142 = arith.constant 0 : i32
        %ne3A_143 = arith.cmpi ne, %rem3A_141, %ne3A_142 : i32
        %lt3A_144 = arith.constant 0 : i32
        %lt3A_145 = arith.cmpi slt, %rem3A_141, %lt3A_144 : i32
        %lt3A_146 = arith.constant 0 : i32
        %lt3A_147 = arith.cmpi slt, %select_n3A_140, %lt3A_146 : i32
        %ne3A_148 = arith.xori %lt3A_145, %lt3A_147 : i1
        %and3A_149 = arith.andi %ne3A_148, %ne3A_143 : i1
        %add3A_150 = arith.addi %rem3A_141, %select_n3A_140 : i32
        %select_n3A_151 = arith.select %and3A_149, %add3A_150, %rem3A_141 : i32
        %add3A_152 = arith.constant 1 : i32
        %add3A_153 = arith.addi %add3A_57, %add3A_152 : i32
        %mul3A_154 = arith.constant 16 : i32
        %mul3A_155 = arith.muli %add3A_153, %mul3A_154 : i32
        %dma_start3A_156 = arith.constant 0 : i32
        %dma_start3A_157 = arith.constant 0 : i32
        %dma_start3A_158 = tpu.memref_slice %arg7[%select_n3A_151, %dma_start3A_156, %dma_start3A_157] : memref<2x16x128xi32, #tpu.memory_space<vmem>> -> memref<1x16x128xi32, #tpu.memory_space<vmem>>
        %dma_start3A_159 = tpu.memref_squeeze %dma_start3A_158 : memref<1x16x128xi32, #tpu.memory_space<vmem>> -> memref<16x128xi32, #tpu.memory_space<vmem>>
        %dma_start3A_160 = arith.constant 0 : i32
        %dma_start3A_161 = arith.constant 0 : i32
        %dma_start3A_162 = tpu.memref_slice %arg3[%add3A, %dma_start3A_160, %dma_start3A_161] : memref<32x80x128xi32, #tpu.memory_space<hbm>> -> memref<1x80x128xi32, #tpu.memory_space<hbm>>
        %dma_start3A_163 = tpu.memref_squeeze %dma_start3A_162 : memref<1x80x128xi32, #tpu.memory_space<hbm>> -> memref<80x128xi32, #tpu.memory_space<hbm>>
        %dma_start3A_164 = arith.constant 0 : i32
        %dma_start3A_165 = tpu.memref_slice %dma_start3A_163[%mul3A_155, %dma_start3A_164] : memref<80x128xi32, #tpu.memory_space<hbm>> -> memref<16x128xi32, #tpu.memory_space<hbm>>
        %dma_start3A_166 = arith.constant 0 : i32
        %dma_start3A_167 = arith.constant 0 : i32
        %dma_start3A_168 = tpu.memref_slice %arg7[%select_n3A_151, %dma_start3A_166, %dma_start3A_167] : memref<2x16x128xi32, #tpu.memory_space<vmem>> -> memref<1x16x128xi32, #tpu.memory_space<vmem>>
        %dma_start3A_169 = tpu.memref_squeeze %dma_start3A_168 : memref<1x16x128xi32, #tpu.memory_space<vmem>> -> memref<16x128xi32, #tpu.memory_space<vmem>>
        %dma_start3A_170 = arith.constant 0 : i32
        %dma_start3A_171 = arith.constant 0 : i32
        %dma_start3A_172 = tpu.memref_slice %arg3[%add3A, %dma_start3A_170, %dma_start3A_171] : memref<32x80x128xi32, #tpu.memory_space<hbm>> -> memref<1x80x128xi32, #tpu.memory_space<hbm>>
        %dma_start3A_173 = tpu.memref_squeeze %dma_start3A_172 : memref<1x80x128xi32, #tpu.memory_space<hbm>> -> memref<80x128xi32, #tpu.memory_space<hbm>>
        %dma_start3A_174 = arith.constant 0 : i32
        %dma_start3A_175 = tpu.memref_slice %dma_start3A_173[%mul3A_155, %dma_start3A_174] : memref<80x128xi32, #tpu.memory_space<hbm>> -> memref<16x128xi32, #tpu.memory_space<hbm>>
        tpu.enqueue_dma source(%dma_start3A_175 : memref<16x128xi32, #tpu.memory_space<hbm>>) target(%dma_start3A_169 : memref<16x128xi32, #tpu.memory_space<vmem>>) target_semaphore(%arg14 : memref<!tpu.dma_semaphore, #tpu.memory_space<semaphore_mem>>)
        %add3A_176 = arith.constant 1 : i32
        %add3A_177 = arith.addi %add3A_57, %add3A_176 : i32
        %mul3A_178 = arith.constant 16 : i32
        %mul3A_179 = arith.muli %add3A_177, %mul3A_178 : i32
        %dma_start3A_180 = arith.constant 0 : i32
        %dma_start3A_181 = arith.constant 0 : i32
        %dma_start3A_182 = tpu.memref_slice %arg8[%select_n3A_151, %dma_start3A_180, %dma_start3A_181] : memref<2x16x128xi32, #tpu.memory_space<vmem>> -> memref<1x16x128xi32, #tpu.memory_space<vmem>>
        %dma_start3A_183 = tpu.memref_squeeze %dma_start3A_182 : memref<1x16x128xi32, #tpu.memory_space<vmem>> -> memref<16x128xi32, #tpu.memory_space<vmem>>
        %dma_start3A_184 = arith.constant 0 : i32
        %dma_start3A_185 = arith.constant 0 : i32
        %dma_start3A_186 = tpu.memref_slice %arg4[%add3A, %dma_start3A_184, %dma_start3A_185] : memref<32x80x128xi32, #tpu.memory_space<hbm>> -> memref<1x80x128xi32, #tpu.memory_space<hbm>>
        %dma_start3A_187 = tpu.memref_squeeze %dma_start3A_186 : memref<1x80x128xi32, #tpu.memory_space<hbm>> -> memref<80x128xi32, #tpu.memory_space<hbm>>
        %dma_start3A_188 = arith.constant 0 : i32
        %dma_start3A_189 = tpu.memref_slice %dma_start3A_187[%mul3A_179, %dma_start3A_188] : memref<80x128xi32, #tpu.memory_space<hbm>> -> memref<16x128xi32, #tpu.memory_space<hbm>>
        %dma_start3A_190 = arith.constant 0 : i32
        %dma_start3A_191 = arith.constant 0 : i32
        %dma_start3A_192 = tpu.memref_slice %arg8[%select_n3A_151, %dma_start3A_190, %dma_start3A_191] : memref<2x16x128xi32, #tpu.memory_space<vmem>> -> memref<1x16x128xi32, #tpu.memory_space<vmem>>
        %dma_start3A_193 = tpu.memref_squeeze %dma_start3A_192 : memref<1x16x128xi32, #tpu.memory_space<vmem>> -> memref<16x128xi32, #tpu.memory_space<vmem>>
        %dma_start3A_194 = arith.constant 0 : i32
        %dma_start3A_195 = arith.constant 0 : i32
        %dma_start3A_196 = tpu.memref_slice %arg4[%add3A, %dma_start3A_194, %dma_start3A_195] : memref<32x80x128xi32, #tpu.memory_space<hbm>> -> memref<1x80x128xi32, #tpu.memory_space<hbm>>
        %dma_start3A_197 = tpu.memref_squeeze %dma_start3A_196 : memref<1x80x128xi32, #tpu.memory_space<hbm>> -> memref<80x128xi32, #tpu.memory_space<hbm>>
        %dma_start3A_198 = arith.constant 0 : i32
        %dma_start3A_199 = tpu.memref_slice %dma_start3A_197[%mul3A_179, %dma_start3A_198] : memref<80x128xi32, #tpu.memory_space<hbm>> -> memref<16x128xi32, #tpu.memory_space<hbm>>
        tpu.enqueue_dma source(%dma_start3A_199 : memref<16x128xi32, #tpu.memory_space<hbm>>) target(%dma_start3A_193 : memref<16x128xi32, #tpu.memory_space<vmem>>) target_semaphore(%arg14 : memref<!tpu.dma_semaphore, #tpu.memory_space<semaphore_mem>>)
      } else {
      }
      %dma_start3A_115 = arith.constant 0 : i32
      %dma_start3A_116 = arith.constant 0 : i32
      %dma_start3A_117 = tpu.memref_slice %arg7[%select_n3A_66, %dma_start3A_115, %dma_start3A_116] : memref<2x16x128xi32, #tpu.memory_space<vmem>> -> memref<1x1x128xi32, #tpu.memory_space<vmem>>
      %dma_start3A_118 = tpu.memref_squeeze %dma_start3A_117 : memref<1x1x128xi32, #tpu.memory_space<vmem>> -> memref<128xi32, #tpu.memory_space<vmem>>
      %dma_start3A_119 = arith.constant 0 : i32
      %dma_start3A_120 = arith.constant 0 : i32
      %dma_start3A_121 = tpu.memref_slice %arg2[%dma_start3A_119, %dma_start3A_120] : memref<10240x128xf32, #tpu.memory_space<hbm>> -> memref<10240x128xf32, #tpu.memory_space<hbm>>
      tpu.enqueue_indirect_dma source(%dma_start3A_121 : memref<10240x128xf32, #tpu.memory_space<hbm>>) target(%arg9 : memref<128x128xf32, #tpu.memory_space<vmem>>) offsets(%dma_start3A_118 : memref<128xi32, #tpu.memory_space<vmem>>) semaphore(%arg12 : memref<!tpu.dma_semaphore, #tpu.memory_space<semaphore_mem>>)
      %dma_start3A_122 = arith.constant 1 : i32
      %dma_start3A_123 = arith.constant 0 : i32
      %dma_start3A_124 = tpu.memref_slice %arg7[%select_n3A_66, %dma_start3A_122, %dma_start3A_123] : memref<2x16x128xi32, #tpu.memory_space<vmem>> -> memref<1x1x128xi32, #tpu.memory_space<vmem>>
      %dma_start3A_125 = tpu.memref_squeeze %dma_start3A_124 : memref<1x1x128xi32, #tpu.memory_space<vmem>> -> memref<128xi32, #tpu.memory_space<vmem>>
      %dma_start3A_126 = arith.constant 0 : i32
      %dma_start3A_127 = arith.constant 0 : i32
      %dma_start3A_128 = tpu.memref_slice %arg2[%dma_start3A_126, %dma_start3A_127] : memref<10240x128xf32, #tpu.memory_space<hbm>> -> memref<10240x128xf32, #tpu.memory_space<hbm>>
      tpu.enqueue_indirect_dma source(%dma_start3A_128 : memref<10240x128xf32, #tpu.memory_space<hbm>>) target(%arg10 : memref<128x128xf32, #tpu.memory_space<vmem>>) offsets(%dma_start3A_125 : memref<128xi32, #tpu.memory_space<vmem>>) semaphore(%arg13 : memref<!tpu.dma_semaphore, #tpu.memory_space<semaphore_mem>>)
      %scan3A_129 = arith.constant 0 : i32
      %scan3A_130 = arith.constant 8 : i32
      %scan3A_131 = arith.addi %scan3A_129, %scan3A_130 : i32
      %scan3A_132 = arith.constant 1 : i32
      scf.for %scan3A_134 = %scan3A_129 to %scan3A_131 step %scan3A_132  : i32 {
        %mul3A_135 = arith.constant 2 : i32
        %mul3A_136 = arith.muli %scan3A_134, %mul3A_135 : i32
        %add3A_137 = arith.constant 0 : i32
        %add3A_138 = arith.addi %add3A_137, %mul3A_136 : i32
        %dma_wait3A_139 = arith.constant 0 : i32
        %dma_wait3A_140 = tpu.memref_slice %arg7[%select_n3A_66, %add3A_138, %dma_wait3A_139] : memref<2x16x128xi32, #tpu.memory_space<vmem>> -> memref<1x1x128xi32, #tpu.memory_space<vmem>>
        %dma_wait3A_141 = tpu.memref_squeeze %dma_wait3A_140 : memref<1x1x128xi32, #tpu.memory_space<vmem>> -> memref<128xi32, #tpu.memory_space<vmem>>
        %dma_wait3A_142 = arith.constant 0 : i32
        %dma_wait3A_143 = arith.constant 0 : i32
        %dma_wait3A_144 = tpu.memref_slice %arg2[%dma_wait3A_142, %dma_wait3A_143] : memref<10240x128xf32, #tpu.memory_space<hbm>> -> memref<10240x128xf32, #tpu.memory_space<hbm>>
        tpu.wait_indirect_dma semaphore(%arg12 : memref<!tpu.dma_semaphore, #tpu.memory_space<semaphore_mem>>) src(%dma_wait3A_144 : memref<10240x128xf32, #tpu.memory_space<hbm>>) dst(%arg9 : memref<128x128xf32, #tpu.memory_space<vmem>>)
        "tpu.region"() ({
          %run_scoped3A = tpu.sem_alloc : memref<!tpu.dma_semaphore, #tpu.memory_space<semaphore_mem>>
          %dma_start3A_169 = arith.constant 0 : i32
          %dma_start3A_170 = tpu.memref_slice %arg8[%select_n3A_66, %add3A_138, %dma_start3A_169] : memref<2x16x128xi32, #tpu.memory_space<vmem>> -> memref<1x1x128xi32, #tpu.memory_space<vmem>>
          %dma_start3A_171 = tpu.memref_squeeze %dma_start3A_170 : memref<1x1x128xi32, #tpu.memory_space<vmem>> -> memref<128xi32, #tpu.memory_space<vmem>>
          %dma_start3A_172 = arith.constant 0 : i32
          %dma_start3A_173 = arith.constant 0 : i32
          %dma_start3A_174 = tpu.memref_slice %arg11[%dma_start3A_172, %dma_start3A_173] : memref<10240x128xf32, #tpu.memory_space<vmem_shared>> -> memref<10240x128xf32, #tpu.memory_space<vmem_shared>>
          tpu.enqueue_indirect_dma source(%arg9 : memref<128x128xf32, #tpu.memory_space<vmem>>) target(%dma_start3A_174 : memref<10240x128xf32, #tpu.memory_space<vmem_shared>>) offsets(%dma_start3A_171 : memref<128xi32, #tpu.memory_space<vmem>>) semaphore(%run_scoped3A : memref<!tpu.dma_semaphore, #tpu.memory_space<semaphore_mem>>) {add = true}
          %dma_wait3A_175 = arith.constant 0 : i32
          %dma_wait3A_176 = tpu.memref_slice %arg8[%select_n3A_66, %add3A_138, %dma_wait3A_175] : memref<2x16x128xi32, #tpu.memory_space<vmem>> -> memref<1x1x128xi32, #tpu.memory_space<vmem>>
          %dma_wait3A_177 = tpu.memref_squeeze %dma_wait3A_176 : memref<1x1x128xi32, #tpu.memory_space<vmem>> -> memref<128xi32, #tpu.memory_space<vmem>>
          %dma_wait3A_178 = arith.constant 0 : i32
          %dma_wait3A_179 = arith.constant 0 : i32
          %dma_wait3A_180 = tpu.memref_slice %arg11[%dma_wait3A_178, %dma_wait3A_179] : memref<10240x128xf32, #tpu.memory_space<vmem_shared>> -> memref<10240x128xf32, #tpu.memory_space<vmem_shared>>
          tpu.wait_indirect_dma semaphore(%run_scoped3A : memref<!tpu.dma_semaphore, #tpu.memory_space<semaphore_mem>>) src(%arg9 : memref<128x128xf32, #tpu.memory_space<vmem>>) dst(%dma_wait3A_180 : memref<10240x128xf32, #tpu.memory_space<vmem_shared>>)
          tpu.yield
        }) : () -> ()
        %add3A_145 = arith.constant 2 : i32
        %add3A_146 = arith.addi %add3A_138, %add3A_145 : i32
        %lt3A_147 = arith.constant 16 : i32
        %lt3A_148 = arith.cmpi slt, %add3A_146, %lt3A_147 : i32
        %convert_element_type3A_149 = arith.extui %lt3A_148 : i1 to i32
        %cond3A_150 = arith.constant 0 : i32
        %cond3A_151 = arith.cmpi ne, %convert_element_type3A_149, %cond3A_150 : i32
        scf.if %cond3A_151 {
          %add3A_169 = arith.constant 2 : i32
          %add3A_170 = arith.addi %add3A_138, %add3A_169 : i32
          %dma_start3A_171 = arith.constant 0 : i32
          %dma_start3A_172 = tpu.memref_slice %arg7[%select_n3A_66, %add3A_170, %dma_start3A_171] : memref<2x16x128xi32, #tpu.memory_space<vmem>> -> memref<1x1x128xi32, #tpu.memory_space<vmem>>
          %dma_start3A_173 = tpu.memref_squeeze %dma_start3A_172 : memref<1x1x128xi32, #tpu.memory_space<vmem>> -> memref<128xi32, #tpu.memory_space<vmem>>
          %dma_start3A_174 = arith.constant 0 : i32
          %dma_start3A_175 = arith.constant 0 : i32
          %dma_start3A_176 = tpu.memref_slice %arg2[%dma_start3A_174, %dma_start3A_175] : memref<10240x128xf32, #tpu.memory_space<hbm>> -> memref<10240x128xf32, #tpu.memory_space<hbm>>
          tpu.enqueue_indirect_dma source(%dma_start3A_176 : memref<10240x128xf32, #tpu.memory_space<hbm>>) target(%arg9 : memref<128x128xf32, #tpu.memory_space<vmem>>) offsets(%dma_start3A_173 : memref<128xi32, #tpu.memory_space<vmem>>) semaphore(%arg12 : memref<!tpu.dma_semaphore, #tpu.memory_space<semaphore_mem>>)
        } else {
        }
        %add3A_152 = arith.constant 1 : i32
        %add3A_153 = arith.addi %add3A_138, %add3A_152 : i32
        %dma_wait3A_154 = arith.constant 0 : i32
        %dma_wait3A_155 = tpu.memref_slice %arg7[%select_n3A_66, %add3A_153, %dma_wait3A_154] : memref<2x16x128xi32, #tpu.memory_space<vmem>> -> memref<1x1x128xi32, #tpu.memory_space<vmem>>
        %dma_wait3A_156 = tpu.memref_squeeze %dma_wait3A_155 : memref<1x1x128xi32, #tpu.memory_space<vmem>> -> memref<128xi32, #tpu.memory_space<vmem>>
        %dma_wait3A_157 = arith.constant 0 : i32
        %dma_wait3A_158 = arith.constant 0 : i32
        %dma_wait3A_159 = tpu.memref_slice %arg2[%dma_wait3A_157, %dma_wait3A_158] : memref<10240x128xf32, #tpu.memory_space<hbm>> -> memref<10240x128xf32, #tpu.memory_space<hbm>>
        tpu.wait_indirect_dma semaphore(%arg13 : memref<!tpu.dma_semaphore, #tpu.memory_space<semaphore_mem>>) src(%dma_wait3A_159 : memref<10240x128xf32, #tpu.memory_space<hbm>>) dst(%arg10 : memref<128x128xf32, #tpu.memory_space<vmem>>)
        %add3A_160 = arith.constant 1 : i32
        %add3A_161 = arith.addi %add3A_138, %add3A_160 : i32
        "tpu.region"() ({
          %run_scoped3A = tpu.sem_alloc : memref<!tpu.dma_semaphore, #tpu.memory_space<semaphore_mem>>
          %dma_start3A_169 = arith.constant 0 : i32
          %dma_start3A_170 = tpu.memref_slice %arg8[%select_n3A_66, %add3A_161, %dma_start3A_169] : memref<2x16x128xi32, #tpu.memory_space<vmem>> -> memref<1x1x128xi32, #tpu.memory_space<vmem>>
          %dma_start3A_171 = tpu.memref_squeeze %dma_start3A_170 : memref<1x1x128xi32, #tpu.memory_space<vmem>> -> memref<128xi32, #tpu.memory_space<vmem>>
          %dma_start3A_172 = arith.constant 0 : i32
          %dma_start3A_173 = arith.constant 0 : i32
          %dma_start3A_174 = tpu.memref_slice %arg11[%dma_start3A_172, %dma_start3A_173] : memref<10240x128xf32, #tpu.memory_space<vmem_shared>> -> memref<10240x128xf32, #tpu.memory_space<vmem_shared>>
          tpu.enqueue_indirect_dma source(%arg10 : memref<128x128xf32, #tpu.memory_space<vmem>>) target(%dma_start3A_174 : memref<10240x128xf32, #tpu.memory_space<vmem_shared>>) offsets(%dma_start3A_171 : memref<128xi32, #tpu.memory_space<vmem>>) semaphore(%run_scoped3A : memref<!tpu.dma_semaphore, #tpu.memory_space<semaphore_mem>>) {add = true}
          %dma_wait3A_175 = arith.constant 0 : i32
          %dma_wait3A_176 = tpu.memref_slice %arg8[%select_n3A_66, %add3A_161, %dma_wait3A_175] : memref<2x16x128xi32, #tpu.memory_space<vmem>> -> memref<1x1x128xi32, #tpu.memory_space<vmem>>
          %dma_wait3A_177 = tpu.memref_squeeze %dma_wait3A_176 : memref<1x1x128xi32, #tpu.memory_space<vmem>> -> memref<128xi32, #tpu.memory_space<vmem>>
          %dma_wait3A_178 = arith.constant 0 : i32
          %dma_wait3A_179 = arith.constant 0 : i32
          %dma_wait3A_180 = tpu.memref_slice %arg11[%dma_wait3A_178, %dma_wait3A_179] : memref<10240x128xf32, #tpu.memory_space<vmem_shared>> -> memref<10240x128xf32, #tpu.memory_space<vmem_shared>>
          tpu.wait_indirect_dma semaphore(%run_scoped3A : memref<!tpu.dma_semaphore, #tpu.memory_space<semaphore_mem>>) src(%arg10 : memref<128x128xf32, #tpu.memory_space<vmem>>) dst(%dma_wait3A_180 : memref<10240x128xf32, #tpu.memory_space<vmem_shared>>)
          tpu.yield
        }) : () -> ()
        %add3A_162 = arith.constant 3 : i32
        %add3A_163 = arith.addi %add3A_138, %add3A_162 : i32
        %lt3A_164 = arith.constant 16 : i32
        %lt3A_165 = arith.cmpi slt, %add3A_163, %lt3A_164 : i32
        %convert_element_type3A_166 = arith.extui %lt3A_165 : i1 to i32
        %cond3A_167 = arith.constant 0 : i32
        %cond3A_168 = arith.cmpi ne, %convert_element_type3A_166, %cond3A_167 : i32
        scf.if %cond3A_168 {
          %add3A_169 = arith.constant 3 : i32
          %add3A_170 = arith.addi %add3A_138, %add3A_169 : i32
          %dma_start3A_171 = arith.constant 0 : i32
          %dma_start3A_172 = tpu.memref_slice %arg7[%select_n3A_66, %add3A_170, %dma_start3A_171] : memref<2x16x128xi32, #tpu.memory_space<vmem>> -> memref<1x1x128xi32, #tpu.memory_space<vmem>>
          %dma_start3A_173 = tpu.memref_squeeze %dma_start3A_172 : memref<1x1x128xi32, #tpu.memory_space<vmem>> -> memref<128xi32, #tpu.memory_space<vmem>>
          %dma_start3A_174 = arith.constant 0 : i32
          %dma_start3A_175 = arith.constant 0 : i32
          %dma_start3A_176 = tpu.memref_slice %arg2[%dma_start3A_174, %dma_start3A_175] : memref<10240x128xf32, #tpu.memory_space<hbm>> -> memref<10240x128xf32, #tpu.memory_space<hbm>>
          tpu.enqueue_indirect_dma source(%dma_start3A_176 : memref<10240x128xf32, #tpu.memory_space<hbm>>) target(%arg10 : memref<128x128xf32, #tpu.memory_space<vmem>>) offsets(%dma_start3A_173 : memref<128xi32, #tpu.memory_space<vmem>>) semaphore(%arg13 : memref<!tpu.dma_semaphore, #tpu.memory_space<semaphore_mem>>)
        } else {
        }
      }
      %scan3A_133 = arith.constant 8 : i32
    }
    %scan3A_51 = arith.constant 5 : i32
    %barrier3A_52 = arith.constant 0 : index
    tpu.barrier barrier_id(%barrier3A_52)
    "tpu.region"() ({
      %run_scoped3A = tpu.sem_alloc : memref<!tpu.dma_semaphore, #tpu.memory_space<semaphore_mem>>
      %dma_start3A_53 = arith.constant 0 : i32
      %dma_start3A_54 = arith.constant 0 : i32
      %dma_start3A_55 = tpu.memref_slice %arg6[%arg0, %dma_start3A_53, %dma_start3A_54] : memref<2x10240x128xf32, #tpu.memory_space<hbm>> -> memref<1x10240x128xf32, #tpu.memory_space<hbm>>
      %dma_start3A_56 = tpu.memref_squeeze %dma_start3A_55 : memref<1x10240x128xf32, #tpu.memory_space<hbm>> -> memref<10240x128xf32, #tpu.memory_space<hbm>>
      %dma_start3A_57 = arith.constant 0 : i32
      %dma_start3A_58 = tpu.memref_slice %dma_start3A_56[%mul3A_2, %dma_start3A_57] : memref<10240x128xf32, #tpu.memory_space<hbm>> -> memref<640x128xf32, #tpu.memory_space<hbm>>
      %dma_start3A_59 = arith.constant 0 : i32
      %dma_start3A_60 = tpu.memref_slice %arg11[%mul3A_2, %dma_start3A_59] : memref<10240x128xf32, #tpu.memory_space<vmem_shared>> -> memref<640x128xf32, #tpu.memory_space<vmem_shared>>
      tpu.enqueue_dma source(%dma_start3A_60 : memref<640x128xf32, #tpu.memory_space<vmem_shared>>) target(%dma_start3A_58 : memref<640x128xf32, #tpu.memory_space<hbm>>) target_semaphore(%run_scoped3A : memref<!tpu.dma_semaphore, #tpu.memory_space<semaphore_mem>>)
      %dma_wait3A = arith.constant 0 : i32
      %dma_wait3A_61 = arith.constant 0 : i32
      %dma_wait3A_62 = tpu.memref_slice %arg6[%arg0, %dma_wait3A, %dma_wait3A_61] : memref<2x10240x128xf32, #tpu.memory_space<hbm>> -> memref<1x10240x128xf32, #tpu.memory_space<hbm>>
      %dma_wait3A_63 = tpu.memref_squeeze %dma_wait3A_62 : memref<1x10240x128xf32, #tpu.memory_space<hbm>> -> memref<10240x128xf32, #tpu.memory_space<hbm>>
      %dma_wait3A_64 = arith.constant 0 : i32
      %dma_wait3A_65 = tpu.memref_slice %dma_wait3A_63[%mul3A_2, %dma_wait3A_64] : memref<10240x128xf32, #tpu.memory_space<hbm>> -> memref<640x128xf32, #tpu.memory_space<hbm>>
      %dma_wait3A_66 = arith.constant 0 : i32
      %dma_wait3A_67 = tpu.memref_slice %arg11[%mul3A_2, %dma_wait3A_66] : memref<10240x128xf32, #tpu.memory_space<vmem_shared>> -> memref<640x128xf32, #tpu.memory_space<vmem_shared>>
      tpu.wait_dma2 semaphore(%run_scoped3A : memref<!tpu.dma_semaphore, #tpu.memory_space<semaphore_mem>>) src(%dma_wait3A_67 : memref<640x128xf32, #tpu.memory_space<vmem_shared>>) dst(%dma_wait3A_65 : memref<640x128xf32, #tpu.memory_space<hbm>>)
      tpu.yield
    }) : () -> ()
    return
  }
}

module attributes {stable_mosaic.version = 14 : i64} {
  func.func @_scale_body(%arg0: i32, %arg1: memref<1024x128xf32, #tpu.memory_space<vmem>>, %arg2: memref<1024x1xf32, #tpu.memory_space<vmem>>, %arg3: memref<1024x128xf32, #tpu.memory_space<vmem>>) attributes {dimension_semantics = [#tpu.dimension_semantics<arbitrary>], iteration_bounds = array<i64: 10>, scalar_prefetch = 0 : i64, scratch_operands = 0 : i64, tpu.core_type = #tpu.core_type<tc>, window_params = [{transform_indices = @transform_0, window_bounds = array<i64: 1024, 128>}, {transform_indices = @transform_1, window_bounds = array<i64: 1024, 1>}, {transform_indices = @transform_2, window_bounds = array<i64: 1024, 128>}]} {
    %mul3A = arith.constant 1024 : i32
    %mul3A_0 = arith.muli %arg0, %mul3A : i32
    %iota3A = tpu.iota {dimensions = array<i32: 0>} : vector<1024x128xi32>
    %add3A = vector.broadcast %mul3A_0 : i32 to vector<1024x128xi32>
    %add3A_1 = arith.addi %add3A, %iota3A : vector<1024x128xi32>
    %lt3A = arith.constant 10000 : i32
    %lt3A_2 = vector.broadcast %lt3A : i32 to vector<1024x128xi32>
    %lt3A_3 = arith.cmpi slt, %add3A_1, %lt3A_2 : vector<1024x128xi32>
    %get3A = arith.constant 0 : index
    %get3A_4 = arith.constant 0 : index
    %get3A_5 = vector.load %arg1[%get3A, %get3A_4] : memref<1024x128xf32, #tpu.memory_space<vmem>>, vector<1024x128xf32>
    %jit3A = arith.constant 0.000000e+00 : f32
    %broadcast_in_dim3A = vector.broadcast %jit3A : f32 to vector<1024x128xf32>
    %select_n3A = arith.select %lt3A_3, %get3A_5, %broadcast_in_dim3A : vector<1024x128xi1>, vector<1024x128xf32>
    %get3A_6 = arith.constant 0 : index
    %get3A_7 = arith.constant 0 : index
    %get3A_8 = vector.load %arg2[%get3A_6, %get3A_7] : memref<1024x1xf32, #tpu.memory_space<vmem>>, vector<1024x1xf32>
    %max3A = arith.constant 1.000000e+00 : f32
    %max3A_9 = vector.broadcast %max3A : f32 to vector<1024x1xf32>
    %max3A_10 = arith.maximumf %get3A_8, %max3A_9 : vector<1024x1xf32>
    %rsqrt3A = math.rsqrt %max3A_10 : vector<1024x1xf32>
    %mul3A_11 = vector.broadcast %rsqrt3A : vector<1024x1xf32> to vector<1024x128xf32>
    %mul3A_12 = arith.mulf %select_n3A, %mul3A_11 : vector<1024x128xf32>
    %swap3A = arith.constant 0 : index
    %swap3A_13 = arith.constant 0 : index
    %swap3A_14 = vector.load %arg3[%swap3A, %swap3A_13] : memref<1024x128xf32, #tpu.memory_space<vmem>>, vector<1024x128xf32>
    tpu.vector_store %arg3[%swap3A, %swap3A_13], %mul3A_12 {strides = array<i32>} : memref<1024x128xf32, #tpu.memory_space<vmem>>, vector<1024x128xf32>,
    return
  }
  func.func @transform_0(%arg0: i32) -> (i32, i32) {
    %c0_i32 = arith.constant 0 : i32
    %c0_i32_0 = arith.constant 0 : i32
    return %arg0, %c0_i32 : i32, i32
  }
  func.func @transform_1(%arg0: i32) -> (i32, i32) {
    %c0_i32 = arith.constant 0 : i32
    %c0_i32_0 = arith.constant 0 : i32
    return %arg0, %c0_i32 : i32, i32
  }
  func.func @transform_2(%arg0: i32) -> (i32, i32) {
    %c0_i32 = arith.constant 0 : i32
    %c0_i32_0 = arith.constant 0 : i32
    return %arg0, %c0_i32 : i32, i32
  }
}

module attributes {stable_mosaic.version = 14 : i64} {
  func.func @_mid_body(%arg0: i32, %arg1: memref<2x1024x128xf32, #tpu.memory_space<vmem>>, %arg2: memref<1024x1xf32, #tpu.memory_space<vmem>>, %arg3: memref<1024x1xf32, #tpu.memory_space<vmem>>, %arg4: memref<128x128xf32, #tpu.memory_space<vmem>>, %arg5: memref<1x128xf32, #tpu.memory_space<vmem>>, %arg6: memref<1024x128xf32, #tpu.memory_space<vmem>>) attributes {dimension_semantics = [#tpu.dimension_semantics<arbitrary>], iteration_bounds = array<i64: 10>, scalar_prefetch = 0 : i64, scratch_operands = 0 : i64, tpu.core_type = #tpu.core_type<tc>, window_params = [{transform_indices = @transform_0, window_bounds = array<i64: 2, 1024, 128>}, {transform_indices = @transform_1, window_bounds = array<i64: 1024, 1>}, {transform_indices = @transform_2, window_bounds = array<i64: 1024, 1>}, {pipeline_mode = #tpu.pipeline_mode<synchronous>, transform_indices = @transform_3, window_bounds = array<i64: 128, 128>}, {pipeline_mode = #tpu.pipeline_mode<synchronous>, transform_indices = @transform_4, window_bounds = array<i64: 1, 128>}, {transform_indices = @transform_5, window_bounds = array<i64: 1024, 128>}]} {
    %get3A = arith.constant 0 : index
    %get3A_0 = arith.constant 0 : index
    %get3A_1 = vector.load %arg3[%get3A, %get3A_0] : memref<1024x1xf32, #tpu.memory_space<vmem>>, vector<1024x1xf32>
    %max3A = arith.constant 1.000000e+00 : f32
    %max3A_2 = vector.broadcast %max3A : f32 to vector<1024x1xf32>
    %max3A_3 = arith.maximumf %get3A_1, %max3A_2 : vector<1024x1xf32>
    %rsqrt3A = math.rsqrt %max3A_3 : vector<1024x1xf32>
    %get3A_4 = arith.constant 0 : index
    %get3A_5 = arith.constant 0 : index
    %get3A_6 = vector.load %arg2[%get3A_4, %get3A_5] : memref<1024x1xf32, #tpu.memory_space<vmem>>, vector<1024x1xf32>
    %max3A_7 = arith.constant 1.000000e+00 : f32
    %max3A_8 = vector.broadcast %max3A_7 : f32 to vector<1024x1xf32>
    %max3A_9 = arith.maximumf %get3A_6, %max3A_8 : vector<1024x1xf32>
    %rsqrt3A_10 = math.rsqrt %max3A_9 : vector<1024x1xf32>
    %get3A_11 = arith.constant 0 : index
    %get3A_12 = arith.constant 0 : index
    %get3A_13 = arith.constant 0 : index
    %get3A_14 = vector.load %arg1[%get3A_11, %get3A_12, %get3A_13] : memref<2x1024x128xf32, #tpu.memory_space<vmem>>, vector<1x1024x128xf32>
    %get3A_15 = vector.shape_cast %get3A_14 : vector<1x1024x128xf32> to vector<1024x128xf32>
    %get3A_16 = arith.constant 1 : index
    %get3A_17 = arith.constant 0 : index
    %get3A_18 = arith.constant 0 : index
    %get3A_19 = vector.load %arg1[%get3A_16, %get3A_17, %get3A_18] : memref<2x1024x128xf32, #tpu.memory_space<vmem>>, vector<1x1024x128xf32>
    %get3A_20 = vector.shape_cast %get3A_19 : vector<1x1024x128xf32> to vector<1024x128xf32>
    %add3A = arith.addf %get3A_15, %get3A_20 : vector<1024x128xf32>
    %mul3A = vector.broadcast %rsqrt3A : vector<1024x1xf32> to vector<1024x128xf32>
    %mul3A_21 = arith.mulf %add3A, %mul3A : vector<1024x128xf32>
    %get3A_22 = arith.constant 0 : index
    %get3A_23 = arith.constant 0 : index
    %get3A_24 = vector.load %arg4[%get3A_22, %get3A_23] : memref<128x128xf32, #tpu.memory_space<vmem>>, vector<128x128xf32>
    %dot_general3A = arith.constant dense<0.000000e+00> : vector<1024x128xf32>
    %dot_general3A_25 = tpu.matmul %mul3A_21, %get3A_24, %dot_general3A {dimension_numbers = #tpu.dot_dimension_numbers<[1], [0], [0], [1], [0, 0, 1, 1], [], []>, transpose_lhs_hint = false} : vector<1024x128xf32>, vector<128x128xf32>, vector<1024x128xf32> -> vector<1024x128xf32>
    %get3A_26 = arith.constant 0 : index
    %get3A_27 = arith.constant 0 : index
    %get3A_28 = vector.load %arg5[%get3A_26, %get3A_27] : memref<1x128xf32, #tpu.memory_space<vmem>>, vector<1x128xf32>
    %add3A_29 = vector.broadcast %get3A_28 : vector<1x128xf32> to vector<1024x128xf32>
    %add3A_30 = arith.addf %dot_general3A_25, %add3A_29 : vector<1024x128xf32>
    %max3A_31 = arith.constant 0.000000e+00 : f32
    %max3A_32 = vector.broadcast %max3A_31 : f32 to vector<1024x128xf32>
    %max3A_33 = arith.maximumf %add3A_30, %max3A_32 : vector<1024x128xf32>
    %mul3A_34 = vector.broadcast %rsqrt3A_10 : vector<1024x1xf32> to vector<1024x128xf32>
    %mul3A_35 = arith.mulf %max3A_33, %mul3A_34 : vector<1024x128xf32>
    %mul3A_36 = arith.constant 1024 : i32
    %mul3A_37 = arith.muli %arg0, %mul3A_36 : i32
    %iota3A = tpu.iota {dimensions = array<i32: 0>} : vector<1024x128xi32>
    %add3A_38 = vector.broadcast %mul3A_37 : i32 to vector<1024x128xi32>
    %add3A_39 = arith.addi %add3A_38, %iota3A : vector<1024x128xi32>
    %lt3A = arith.constant 10000 : i32
    %lt3A_40 = vector.broadcast %lt3A : i32 to vector<1024x128xi32>
    %lt3A_41 = arith.cmpi slt, %add3A_39, %lt3A_40 : vector<1024x128xi32>
    %jit3A = arith.constant 0.000000e+00 : f32
    %broadcast_in_dim3A = vector.broadcast %jit3A : f32 to vector<1024x128xf32>
    %select_n3A = arith.select %lt3A_41, %mul3A_35, %broadcast_in_dim3A : vector<1024x128xi1>, vector<1024x128xf32>
    %swap3A = arith.constant 0 : index
    %swap3A_42 = arith.constant 0 : index
    %swap3A_43 = vector.load %arg6[%swap3A, %swap3A_42] : memref<1024x128xf32, #tpu.memory_space<vmem>>, vector<1024x128xf32>
    tpu.vector_store %arg6[%swap3A, %swap3A_42], %select_n3A {strides = array<i32>} : memref<1024x128xf32, #tpu.memory_space<vmem>>, vector<1024x128xf32>,
    return
  }
  func.func @transform_0(%arg0: i32) -> (i32, i32, i32) {
    %c0_i32 = arith.constant 0 : i32
    %c0_i32_0 = arith.constant 0 : i32
    %c0_i32_1 = arith.constant 0 : i32
    return %c0_i32, %arg0, %c0_i32_0 : i32, i32, i32
  }
  func.func @transform_1(%arg0: i32) -> (i32, i32) {
    %c0_i32 = arith.constant 0 : i32
    %c0_i32_0 = arith.constant 0 : i32
    return %arg0, %c0_i32 : i32, i32
  }
  func.func @transform_2(%arg0: i32) -> (i32, i32) {
    %c0_i32 = arith.constant 0 : i32
    %c0_i32_0 = arith.constant 0 : i32
    return %arg0, %c0_i32 : i32, i32
  }
  func.func @transform_3(%arg0: i32) -> (i32, i32) {
    %c0_i32 = arith.constant 0 : i32
    %c0_i32_0 = arith.constant 0 : i32
    %c0_i32_1 = arith.constant 0 : i32
    return %c0_i32, %c0_i32_0 : i32, i32
  }
  func.func @transform_4(%arg0: i32) -> (i32, i32) {
    %c0_i32 = arith.constant 0 : i32
    %c0_i32_0 = arith.constant 0 : i32
    %c0_i32_1 = arith.constant 0 : i32
    return %c0_i32, %c0_i32_0 : i32, i32
  }
  func.func @transform_5(%arg0: i32) -> (i32, i32) {
    %c0_i32 = arith.constant 0 : i32
    %c0_i32_0 = arith.constant 0 : i32
    return %arg0, %c0_i32 : i32, i32
  }
}

module attributes {stable_mosaic.version = 14 : i64} {
  func.func @_final_body(%arg0: i32, %arg1: memref<2x1024x128xf32, #tpu.memory_space<vmem>>, %arg2: memref<1024x1xf32, #tpu.memory_space<vmem>>, %arg3: memref<128x128xf32, #tpu.memory_space<vmem>>, %arg4: memref<1x128xf32, #tpu.memory_space<vmem>>, %arg5: memref<1024x128xf32, #tpu.memory_space<vmem>>) attributes {dimension_semantics = [#tpu.dimension_semantics<arbitrary>], iteration_bounds = array<i64: 10>, scalar_prefetch = 0 : i64, scratch_operands = 0 : i64, tpu.core_type = #tpu.core_type<tc>, window_params = [{transform_indices = @transform_0, window_bounds = array<i64: 2, 1024, 128>}, {transform_indices = @transform_1, window_bounds = array<i64: 1024, 1>}, {pipeline_mode = #tpu.pipeline_mode<synchronous>, transform_indices = @transform_2, window_bounds = array<i64: 128, 128>}, {pipeline_mode = #tpu.pipeline_mode<synchronous>, transform_indices = @transform_3, window_bounds = array<i64: 1, 128>}, {transform_indices = @transform_4, window_bounds = array<i64: 1024, 128>}]} {
    %get3A = arith.constant 0 : index
    %get3A_0 = arith.constant 0 : index
    %get3A_1 = arith.constant 0 : index
    %get3A_2 = vector.load %arg1[%get3A, %get3A_0, %get3A_1] : memref<2x1024x128xf32, #tpu.memory_space<vmem>>, vector<1x1024x128xf32>
    %get3A_3 = vector.shape_cast %get3A_2 : vector<1x1024x128xf32> to vector<1024x128xf32>
    %get3A_4 = arith.constant 1 : index
    %get3A_5 = arith.constant 0 : index
    %get3A_6 = arith.constant 0 : index
    %get3A_7 = vector.load %arg1[%get3A_4, %get3A_5, %get3A_6] : memref<2x1024x128xf32, #tpu.memory_space<vmem>>, vector<1x1024x128xf32>
    %get3A_8 = vector.shape_cast %get3A_7 : vector<1x1024x128xf32> to vector<1024x128xf32>
    %add3A = arith.addf %get3A_3, %get3A_8 : vector<1024x128xf32>
    %get3A_9 = arith.constant 0 : index
    %get3A_10 = arith.constant 0 : index
    %get3A_11 = vector.load %arg2[%get3A_9, %get3A_10] : memref<1024x1xf32, #tpu.memory_space<vmem>>, vector<1024x1xf32>
    %max3A = arith.constant 1.000000e+00 : f32
    %max3A_12 = vector.broadcast %max3A : f32 to vector<1024x1xf32>
    %max3A_13 = arith.maximumf %get3A_11, %max3A_12 : vector<1024x1xf32>
    %rsqrt3A = math.rsqrt %max3A_13 : vector<1024x1xf32>
    %mul3A = vector.broadcast %rsqrt3A : vector<1024x1xf32> to vector<1024x128xf32>
    %mul3A_14 = arith.mulf %add3A, %mul3A : vector<1024x128xf32>
    %get3A_15 = arith.constant 0 : index
    %get3A_16 = arith.constant 0 : index
    %get3A_17 = vector.load %arg3[%get3A_15, %get3A_16] : memref<128x128xf32, #tpu.memory_space<vmem>>, vector<128x128xf32>
    %dot_general3A = arith.constant dense<0.000000e+00> : vector<1024x128xf32>
    %dot_general3A_18 = tpu.matmul %mul3A_14, %get3A_17, %dot_general3A {dimension_numbers = #tpu.dot_dimension_numbers<[1], [0], [0], [1], [0, 0, 1, 1], [], []>, transpose_lhs_hint = false} : vector<1024x128xf32>, vector<128x128xf32>, vector<1024x128xf32> -> vector<1024x128xf32>
    %get3A_19 = arith.constant 0 : index
    %get3A_20 = arith.constant 0 : index
    %get3A_21 = vector.load %arg4[%get3A_19, %get3A_20] : memref<1x128xf32, #tpu.memory_space<vmem>>, vector<1x128xf32>
    %add3A_22 = vector.broadcast %get3A_21 : vector<1x128xf32> to vector<1024x128xf32>
    %add3A_23 = arith.addf %dot_general3A_18, %add3A_22 : vector<1024x128xf32>
    %swap3A = arith.constant 0 : index
    %swap3A_24 = arith.constant 0 : index
    %swap3A_25 = vector.load %arg5[%swap3A, %swap3A_24] : memref<1024x128xf32, #tpu.memory_space<vmem>>, vector<1024x128xf32>
    tpu.vector_store %arg5[%swap3A, %swap3A_24], %add3A_23 {strides = array<i32>} : memref<1024x128xf32, #tpu.memory_space<vmem>>, vector<1024x128xf32>,
    return
  }
  func.func @transform_0(%arg0: i32) -> (i32, i32, i32) {
    %c0_i32 = arith.constant 0 : i32
    %c0_i32_0 = arith.constant 0 : i32
    %c0_i32_1 = arith.constant 0 : i32
    return %c0_i32, %arg0, %c0_i32_0 : i32, i32, i32
  }
  func.func @transform_1(%arg0: i32) -> (i32, i32) {
    %c0_i32 = arith.constant 0 : i32
    %c0_i32_0 = arith.constant 0 : i32
    return %arg0, %c0_i32 : i32, i32
  }
  func.func @transform_2(%arg0: i32) -> (i32, i32) {
    %c0_i32 = arith.constant 0 : i32
    %c0_i32_0 = arith.constant 0 : i32
    %c0_i32_1 = arith.constant 0 : i32
    return %c0_i32, %c0_i32_0 : i32, i32
  }
  func.func @transform_3(%arg0: i32) -> (i32, i32) {
    %c0_i32 = arith.constant 0 : i32
    %c0_i32_0 = arith.constant 0 : i32
    %c0_i32_1 = arith.constant 0 : i32
    return %c0_i32, %c0_i32_0 : i32, i32
  }
  func.func @transform_4(%arg0: i32) -> (i32, i32) {
    %c0_i32 = arith.constant 0 : i32
    %c0_i32_0 = arith.constant 0 : i32
    return %arg0, %c0_i32 : i32, i32
  }
}

</mosaic_0001>

<sc_bundles>
// kernel: kernel.11.cloned.1.call-start
scs
__scs_entry_jumppad:
0x0: {  	(pc) =	sbr.rel $0x88, $3  }
0x1: {  	(tag) =	ssettag $0x0;
	lr =	simm.s32 $0x1  }
0x2: {  	[smem:$0x3F9B] =	sst lr;
	_ =	strace $0xD0000000  }
0x3: {  	_ = 	snop  }
0x4: {  	_ = 	snop  }
0x5: {  	_ = 	snop  }
0x6: {  	_ = 	snop  }
0x7: {  	_ = 	snop  }
__scs_overlays_trampoline_lowered:
0x8: {  	[smem:$0x3FAA] =	sst s0  }
0x9: {  	[smem:$0x3FAB] =	sst s1  }
0xa: {  	[smem:$0x3FAC] =	sst s2  }
0xb: {  	[smem:$0x3FAD] =	sst s3  }
0xc: {  	[smem:$0x3FAE] =	sst s4  }
0xd: {  	[smem:$0x3FAF] =	sst s5  }
0xe: {  	[smem:$0x3FB0] =	sst s6  }
0xf: {  	[smem:$0x3FB1] =	sst s7  }
0x10: {  	[smem:$0x3FB2] =	sst s8  }
0x11: {  	[smem:$0x3FB3] =	sst s9;
	s0 =	simm.s32 @!p0 $0x0  }
0x12: {  	s1 =	sld [smem:$0x3F99];
	s0 =	simm.s32 @p0 $0x1  }
0x13: {  	[smem:$0x3FB4] =	sst s0;
	s0 =	simm.s32 @!p1 $0x0  }
0x14: {  	s2 =	sld [smem:$0x3F98];
	s0 =	simm.s32 @p1 $0x1  }
0x15: {  	[smem:$0x3FB5] =	sst s0;
	s0 =	simm.s32 @!p2 $0x0  }
0x16: {  	s3 =	sld [smem:$0x3FDB];
	s0 =	simm.s32 @p2 $0x1  }
0x17: {  	s4 =	simm.s32 $0x1BF5;
	[smem:$0x3FB7] =	sst s0  }
0x18: {  	s0 =	sld [smem:$0x3F9A];
	_ =	swait.ge [sflag:s4], $0x0  }
0x19: {  	s7 =	sld [smem:$0x3F9B]  }
0x1a: {  	s8 =	sadd.s32 $0xFFFFE003, lr  }
0x1b: {  	s9 =	sadd.s32 $0xFFFFFEF7, lr;
	s5 =	simm.s32 $0xFFFFFFFF;
	p2 =	slt.u32 s8, $0xFFFFF086  }
0x1c: {  	p1 =	slt.u32 s9, $0xF7A;
	s5 =	simm.s32 @!p2 $0x0  }
0x1d: {  	s5 =	simm.s32 @p1 $0x1;
	p0 =	seq.s32 s7, s2  }
0x1e: {  	s7 =	smul.u32 @!p0 $0xF7A, s2;
	p2 =	seq.s32 @!p0 s5, $0x0  }
0x1f: {  	s9 =	smul.u32 $0xF7A, s1;
	s8 =	simm.s32 @!p0 $0x1BF5;
	p2 =	por !p2, p0  }
0x20: {  	[sflag:s8] =	ssyncset.s32 @!p0 $0xFFFFF086;
	s6 =	sadd.s32 @!p0 s3, s7;
	s7 =	simm.s32 @!p0 $0x108  }
0x21: {  	s3 =	sadd.s32 s3, s9;
	s6 =	sadd.s32 @!p0 $0x88, s6;
	s7 =	simm.s32 @p2 $0x1082  }
0x22: {  	[simem:s7], [sflag:s8] =	dma.local @!p0 [hbm:s6], $0xF7A  }
0x23: {  	s9 =	sor.u32 $0xD0000000, s2;
	s6 =	simm.s32 $0x108;
	_ =	swait.ge @!p0 [sflag:s8], $0x0  }
0x24: {  	s3 =	sadd.s32 $0x88, s3;
	s6 =	simm.s32 @!p1 $0x1082;
	[sflag:s4] =	ssyncset.s32 $0xFFFFF086  }
0x25: {  	[simem:s6], [sflag:s4] =	dma.local [hbm:s3], $0xF7A  }
0x26: {  	[smem:$0x3F9B] =	sst s1;
	(tag) =	ssettag s2;
	_ =	strace s9  }
0x27: {  	s1 =	sld [smem:$0x3FAB]  }
0x28: {  	s2 =	sld [smem:$0x3FAC]  }
0x29: {  	s4 =	sld [smem:$0x3FAE]  }
0x2a: {  	p0 =	seq.s32 s5, $0x0;
	s5 =	sld [smem:$0x3FAF]  }
0x2b: {  	s6 =	sld [smem:$0x3FB0]  }
0x2c: {  	s7 =	sld [smem:$0x3FB1]  }
0x2d: {  	s3 =	simm.s32 $0x108;
	s8 =	sld [smem:$0x3FB2]  }
0x2e: {  	s3 =	simm.s32 @!p0 $0x1082;
	s9 =	sld [smem:$0x3FB3]  }
0x2f: {  	lr =	sadd.s32 s0, s3;
	s0 =	sld [smem:$0x3FAA]  }
0x30: {  	s3 =	sld [smem:$0x3FAD]  }
0x31: {  	[smem:$0x3FB6] =	sst s10  }
0x32: {  	s10 =	sld [smem:$0x3FB4];
	_ =	sdelay $0x3  }
0x33: {  	p0 =	seq.s32 s10, $0x1;
	s10 =	sld [smem:$0x3FB6];
	_ =	sdelay $0x3  }
0x34: {  	[smem:$0x3FB6] =	sst s10  }
0x35: {  	s10 =	sld [smem:$0x3FB5];
	_ =	sdelay $0x3  }
0x36: {  	p1 =	seq.s32 s10, $0x1;
	s10 =	sld [smem:$0x3FB6];
	_ =	sdelay $0x3  }
0x37: {  	[smem:$0x3FB6] =	sst s10  }
0x38: {  	s10 =	sld [smem:$0x3FB7]  }
0x39: {  	_ = 	snop;
	(pc) =	sbr.ind lr, $3  }
0x3a: {  	_ = 	snop  }
0x3b: {  	_ = 	snop  }
0x3c: {  	p2 =	seq.s32 s10, $0x1;
	s10 =	sld [smem:$0x3FB6]  }
0x3d: {  	_ =	shalt  }
0x3e: {  	_ =	shalt  }
0x3f: {  	_ =	shalt  }
0x40: {  	_ =	shalt  }
0x41: {  	_ =	shalt  }
0x42: {  	_ =	shalt  }
0x43: {  	_ =	shalt  }
0x44: {  	_ =	shalt  }
0x45: {  	_ =	shalt  }
0x46: {  	_ =	shalt  }
0x47: {  	_ =	shalt  }
0x48: {  	_ =	shalt  }
0x49: {  	_ =	shalt  }
0x4a: {  	_ =	shalt  }
0x4b: {  	_ =	shalt  }
0x4c: {  	_ =	shalt  }
0x4d: {  	_ =	shalt  }
0x4e: {  	_ =	shalt  }
0x4f: {  	_ =	shalt  }
0x50: {  	_ =	shalt  }
0x51: {  	_ =	shalt  }
0x52: {  	_ =	shalt  }
0x53: {  	_ =	shalt  }
0x54: {  	_ =	shalt  }
0x55: {  	_ =	shalt  }
0x56: {  	_ =	shalt  }
0x57: {  	_ =	shalt  }
0x58: {  	_ =	shalt  }
0x59: {  	_ =	shalt  }
0x5a: {  	_ =	shalt  }
0x5b: {  	_ =	shalt  }
0x5c: {  	_ =	shalt  }
0x5d: {  	_ =	shalt  }
0x5e: {  	_ =	shalt  }
0x5f: {  	_ =	shalt  }
0x60: {  	_ =	shalt  }
0x61: {  	_ =	shalt  }
0x62: {  	_ =	shalt  }
0x63: {  	_ =	shalt  }
0x64: {  	_ =	shalt  }
0x65: {  	_ =	shalt  }
0x66: {  	_ =	shalt  }
0x67: {  	_ =	shalt  }
0x68: {  	_ =	shalt  }
0x69: {  	_ =	shalt  }
0x6a: {  	_ =	shalt  }
0x6b: {  	_ =	shalt  }
0x6c: {  	_ =	shalt  }
0x6d: {  	_ =	shalt  }
0x6e: {  	_ =	shalt  }
0x6f: {  	_ =	shalt  }
0x70: {  	_ =	shalt  }
0x71: {  	_ =	shalt  }
0x72: {  	_ =	shalt  }
0x73: {  	_ =	shalt  }
0x74: {  	_ =	shalt  }
0x75: {  	_ =	shalt  }
0x76: {  	_ =	shalt  }
0x77: {  	_ =	shalt  }
0x78: {  	_ =	shalt  }
0x79: {  	_ =	shalt  }
0x7a: {  	_ =	shalt  }
0x7b: {  	_ =	shalt  }
0x7c: {  	_ =	shalt  }
0x7d: {  	_ =	shalt  }
0x7e: {  	_ =	shalt  }
0x7f: {  	_ =	shalt  }
0x80: {  	_ =	shalt  }
0x81: {  	_ =	shalt  }
0x82: {  	_ =	shalt  }
0x83: {  	_ =	shalt  }
0x84: {  	_ =	shalt  }
0x85: {  	_ =	shalt  }
0x86: {  	_ =	shalt  }
0x87: {  	_ =	shalt  }
.Lfunc_end0:
.L_simem_size_0:
called_computation.1_lowered:
.L_overlay_start_0:
0x88: {  	s2 =	sld [smem:$0x3FD9]  }
0x89: {  	s3 =	sld [smem:$0x3FFE];
	_ =	sdelay $0x1  }
0x8a: {  	s1 =	srdreg.scid  }
0x8b: {  	s0 =	sand.u32 $0x1, s1  }
0x8c: {  	s16 =	sshll.u32 s0, $0xA;
	s2 =	sadd.s32 s3, s2  }
0x8d: {  	s2 =	sadd.s32 s2, s16  }
0x8e: {  	[smem:$0x3FC2] =	sst s2  }
0x8f: {  	_ = 	snop  }
0x90: {  	(tm) =	ssettm $0x1  }
0x91: {  	s17 =	sld [smem:$0x3FFB];
	_ =	sdelay $0x3  }
0x92: {  	_ =	strace s17  }
0x93: {  	s2 =	sld [smem:$0x3FFC];
	_ =	sdelay $0x3  }
0x94: {  	_ =	strace s2  }
0x95: {  	s2 =	sld [smem:$0x3FFD];
	_ =	sdelay $0x3  }
0x96: {  	_ =	strace s2  }
0x97: {  	_ =	strace $0x8FFFFFFF  }
0x98: {  	s18 =	sld [smem:$0x3FDB];
	_ =	sdelay $0x1  }
0x99: {  	s19 =	simm.s32 $_scs_section_size  }
0x9a: {  	s4 =	simm.s32 $_size__tile_overlayer_lowered;
	s5 =	simm.s32 $_tile_overlayer_lowered  }
0x9b: {  	s22 =	simm.s32 $0x1BFF;
	s21 =	sshll.u32 s5, $0x1;
	s2 =	sadd.s32 s19, s18  }
0x9c: {  	s6 =	simm.s32 $0x0;
	s20 =	sshll.u32 s4, $0x1;
	s4 =	sadd.s32 s21, s2  }
0x9d: {  	[timem:s6], [sflag:s22] =	dma.local [hbm:s4], s20  }
0x9e: {  	_ =	swait.ge [sflag:s22], s20  }
0x9f: {  	s3 =	ssub.s32 $0x0, s20;
	[sflag:s22] =	ssyncset.done $0x0  }
0xa0: {  	[sflag:s22] =	ssyncadd.s32 s3;
	_ =	sdelay $0x1  }
0xa1: {  	s23 =	simm.s32 $0x1B8B  }
0xa2: {  	_ =	swait.ge [sflag:s23], $0x1  }
0xa3: {  	[sflag:s23] =	ssyncset.done $0x0  }
0xa4: {  	s25 =	simm.s32 $0x1B8E;
	s24 =	sld [smem:$0x3FFE];
	[sflag:s23] =	ssyncadd.s32 $0xFFFFFFFF  }
0xa5: {  	s26 =	simm.s32 $execute0_lowered;
	[smem:$0x3FD2] =	sst s25  }
0xa6: {  	s4 =	sshll.u32 s26, $0x1;
	_ =	strace $0x80000049;
	[dreg:$0x1] =	wrdreg $0xFFFFFFFF  }
0xa7: {  	s28 =	simm.s32 $_size_execute0_lowered;
	s2 =	sadd.s32 s2, s4;
	[dreg:$0x0] =	wrdreg $0x0  }
0xa8: {  	s4 =	sshll.u32 s28, $0x1;
	[dreg:$0x2] =	wrdreg s2  }
0xa9: {  	[dreg:$0x3] =	wrdreg s4  }
0xaa: {  	[dreg:$0x4] =	wrdreg $0xC0  }
0xab: {  	_ =	task [dreg:s6], $0x5FFFF  }
0xac: {  	[dreg:$0x1] =	wrdreg $0xFFFFFFFF  }
0xad: {  	[dreg:$0x0] =	wrdreg $0x60  }
0xae: {  	[dreg:$0x2] =	wrdreg s24  }
0xaf: {  	[dreg:$0x3] =	wrdreg $0xA0000  }
0xb0: {  	[dreg:$0x4] =	wrdreg $0x9  }
0xb1: {  	_ =	task.clear_ibuf [dreg:s6], $0x5FFFF;
	_ =	strace $0x90000049  }
0xb2: {  	s29 =	simm.s32 $0x9;
	_ =	strace $0x8000004B  }
0xb3: {  	_ =	swait.ge [sflag:s29], $0x1  }
0xb4: {  	[sflag:s29] =	ssyncadd.s32 $0xFFFFFFFF  }
0xb5: {  	_ =	strace $0x9000004B  }
0xb6: {  	_ =	sfence  }
0xb7: {  	s30 =	sld [smem:$0x0];
	_ =	sdelay $0x2  }
0xb8: {  	s31 =	sshll.u32 s1, $0xD;
	s1 =	sshrl.u32 s1, $0x2  }
0xb9: {  	s3 =	sand.u32 $0x4000, s31;
	s1 =	sadd.s32 s1, s30  }
0xba: {  	s0 =	sor.u32 s3, s0;
	s1 =	sshll.u32 s1, $0x11  }
0xbb: {  	s0 =	sor.u32 s1, s0  }
0xbc: {  	s0 =	sadd.s32 $0x8F2B, s0  }
0xbd: {  	[sflag:s0] =	ssyncadd.remote.s32 $0x1  }
0xbe: {  	_ =	sfence.sel $0xFFFF  }
0xbf: {  	[dreg:$0x0] =	wrdreg $0xFFFFFFFF;
	(pc) =	sbr.abs _section_cstart, $3  }
0xc0: {  	[dreg:$0x1] =	wrdreg $0xFFFFFFFF  }
0xc1: {  	_ =	task.clear_ibuf [dreg:s6], $0x2FFFF;
	_ =	strace $0x9FFFFFFF  }
0xc2: {  	(tm) =	ssettm $0x7FFFFFFF  }
0xc3: {  	_ =	shalt  }
tec
execute0_lowered:
.L_overlay_start_1:
0x0: {  	(tag) =	ssettag $0x1  }
0x1: {  	s0 =	srdreg.scid;
	s6 =	rddreg [dreg:$0x0]  }
0x2: {  	s2 =	rddreg [dreg:$0x1];
	s3 =	simm.s32 $0x0;
	s15 =	simm.s32 $0x3  }
0x3: {  	s16 =	simm.s32 $0x80;
	s17 =	simm.s32 $0x2000;
	s18 =	simm.s32 $0x6000  }
0x4: {  	s19 =	simm.s32 $0x1;
	s5 =	sand.u32 $0x1, s0;
	s0 =	stileid.u32  }
0x5: {  	s20 =	simm.s32 $0x2;
	[smem:$0x7FF] =	sst s3;
	s21 =	smul.u32 $0x2800, s0  }
0x6: {  	s1 =	sshll.u32 s5, $0x4;
	s8 =	smul.u32 $0x28000, s5;
	s5 =	ssub.s32 $0x2, s5  }
0x7: {  	s9 =	smul.u32 $0x50000, s0;
	s31 =	sshll.u32 s0, $0x6;
	s4 =	sor.u32 s0, s1  }
0x8: {  	s1 =	rddreg [dreg:$0x2];
	_ =	strace $0x8000004A;
	s11 =	sshrl.u32 s5, $0x1  }
0x9: {  	s7 =	smul.u32 $0x500, s4;
	s4 =	sadd.s32 $0x48800, s6;
	s29 =	sadd.s32 s21, s6  }
0xa: {  	s12 =	sadd.s32 s8, s6;
	s11 =	ssub.s32 s5, s11;
	s30 =	sshrl.u32 s9, $0x2  }
0xb: {  	s13 =	sadd.s32 s30, s2;
	s5 =	sadd.s32 $0x20800, s29;
	s22 =	sadd.s32 $0x70800, s12  }
0xc: {  	s9 =	smax.u32 s11, $0x1;
	s11 =	simm.s32 $0x4;
	s12 =	simm.s32 $0x1000  }
0xd: {  	s10 =	sadd.s32 s7, s6;
	s6 =	sor.u32 $0x1C04, s31;
	s21 =	sadd.s32 s21, s22  }
0xe: {  	s22 =	simm.s32 $0x0;
	s7 =	sadd.s32 $0x2600, s10;
	s8 =	sadd.s32 $0xC600, s10  }
0xf: {  	s10 =	sshrl.u32 s13, $0x3;
	s13 =	sadd.s32 $0x100, s8;
	s14 =	sadd.s32 $0x100, s7  }
.LBB2_1:
0x10: {  	[spmem:s10], [sflag:s6] =	dma.local [hbm:s5], $0x2800  }
0x11: {  	_ =	swait.ge [sflag:s11], $0x2800  }
0x12: {  	[sflag:s11] =	ssyncset.done $0x0  }
0x13: {  	[sflag:s11] =	ssyncadd.s32 $0xFFFFD800  }
0x14: {  	[bflag:$0x0] =	sbarrier.arrive $0xFFFF  }
0x15: {  	[tilespmem:s3], [sflag:$0x3] =	stream.linear.gather [hbm4b:s7+s3], $0x800, $0x38;
	[tilespmem:$0x1E000] =	vst v63  }
0x16: {  	_ = 	snop  }
0x17: {  	[tilespmem:s12], [sflag:$0x3] =	stream.linear.gather [hbm4b:s8+s3], $0x800, $0x38;
	[tilespmem:$0x1E000] =	vst v63  }
0x18: {  	_ =	swait.ge [sflag:s15], $0x800  }
0x19: {  	[sflag:s15] =	ssyncset.done $0x0  }
0x1a: {  	[sflag:s15] =	ssyncadd.s32 $0xFFFFF800  }
0x1b: {  	p0 =	por $0x0, $0x0;
	_ =	swait.ge [sflag:s15], $0x800  }
0x1c: {  	s23 =	sxor.u32 @!p0 $0xFFFFFFFF, s3;
	[sflag:s15] =	ssyncset.done $0x0  }
0x1d: {  	s24 =	simm.s32 @!p0 $0x0;
	s23 =	sand.u32 @!p0 $0x800, s23;
	[sflag:s15] =	ssyncadd.s32 $0xFFFFF800  }
0x1e: {  	[tilespmem:s23], [sflag:$0x3] =	stream.linear.gather @!p0 [hbm4b:s14+s24], $0x800, $0x38;
	[tilespmem:$0x1E000] =	vst v63  }
0x1f: {  	s23 =	sor.u32 @!p0 $0x1000, s23  }
0x20: {  	[tilespmem:s23], [sflag:$0x3] =	stream.linear.gather @!p0 [hbm4b:s13+s24], $0x800, $0x38;
	[tilespmem:$0x1E000] =	vst v63  }
0x21: {  	s23 =	sand.u32 $0x800, s3  }
0x22: {  	[tilespmem:s17], [sflag:$0x1] =	stream.indirect.gather [hbm4b:s4+s16], $0x80, s23, s16, $0xb8;
	[tilespmem:$0x1E000] =	vst v63  }
0x23: {  	s25 =	sor.u32 $0x80, s23  }
0x24: {  	[tilespmem:s18], [sflag:$0x2] =	stream.indirect.gather [hbm4b:s4+s16], $0x80, s25, s16, $0xb8;
	[tilespmem:$0x1E000] =	vst v63  }
0x25: {  	_ =	swait.ge [sflag:s19], $0x4000  }
0x26: {  	[sflag:s19] =	ssyncset.done $0x0  }
0x27: {  	s26 =	sor.u32 $0x1000, s23;
	[sflag:s19] =	ssyncadd.s32 $0xFFFFC000  }
0x28: {  	[spmem:s2] =	stream.indirect.scatter.add.f32 [tilespmem:s17], [sflag:$0x4], $0x80, s26, s16, $0xb8;
	[tilespmem:$0x1E000] =	vst v63  }
0x29: {  	_ =	swait.ge [sflag:s11], $0x4000  }
0x2a: {  	[sflag:s11] =	ssyncset.done $0x0  }
0x2b: {  	s28 =	sor.u32 $0x100, s23;
	[sflag:s11] =	ssyncadd.s32 $0xFFFFC000  }
0x2c: {  	[tilespmem:s17], [sflag:$0x1] =	stream.indirect.gather [hbm4b:s4+s16], $0x80, s28, s16, $0xb8;
	[tilespmem:$0x1E000] =	vst v63  }
0x2d: {  	_ =	swait.ge [sflag:s20], $0x4000  }
0x2e: {  	[sflag:s20] =	ssyncset.done $0x0  }
0x2f: {  	s29 =	sor.u32 $0x1080, s23;
	[sflag:s20] =	ssyncadd.s32 $0xFFFFC000  }
0x30: {  	[spmem:s2] =	stream.indirect.scatter.add.f32 [tilespmem:s18], [sflag:$0x4], $0x80, s29, s16, $0xb8;
	[tilespmem:$0x1E000] =	vst v63  }
0x31: {  	_ =	swait.ge [sflag:s11], $0x4000  }
0x32: {  	[sflag:s11] =	ssyncset.done $0x0  }
0x33: {  	s30 =	sor.u32 $0x180, s23;
	[sflag:s11] =	ssyncadd.s32 $0xFFFFC000  }
0x34: {  	[tilespmem:s18], [sflag:$0x2] =	stream.indirect.gather [hbm4b:s4+s16], $0x80, s30, s16, $0xb8;
	[tilespmem:$0x1E000] =	vst v63  }
0x35: {  	_ =	swait.ge [sflag:s19], $0x4000  }
0x36: {  	[sflag:s19] =	ssyncset.done $0x0  }
0x37: {  	s31 =	sor.u32 $0x1100, s23;
	[sflag:s19] =	ssyncadd.s32 $0xFFFFC000  }
0x38: {  	[spmem:s2] =	stream.indirect.scatter.add.f32 [tilespmem:s17], [sflag:$0x4], $0x80, s31, s16, $0xb8;
	[tilespmem:$0x1E000] =	vst v63  }
0x39: {  	_ =	swait.ge [sflag:s11], $0x4000  }
0x3a: {  	[sflag:s11] =	ssyncset.done $0x0  }
0x3b: {  	s25 =	sor.u32 $0x200, s23;
	[sflag:s11] =	ssyncadd.s32 $0xFFFFC000  }
0x3c: {  	[tilespmem:s17], [sflag:$0x1] =	stream.indirect.gather [hbm4b:s4+s16], $0x80, s25, s16, $0xb8;
	[tilespmem:$0x1E000] =	vst v63  }
0x3d: {  	_ =	swait.ge [sflag:s20], $0x4000  }
0x3e: {  	[sflag:s20] =	ssyncset.done $0x0  }
0x3f: {  	s26 =	sor.u32 $0x1180, s23;
	[sflag:s20] =	ssyncadd.s32 $0xFFFFC000  }
0x40: {  	[spmem:s2] =	stream.indirect.scatter.add.f32 [tilespmem:s18], [sflag:$0x4], $0x80, s26, s16, $0xb8;
	[tilespmem:$0x1E000] =	vst v63  }
0x41: {  	_ =	swait.ge [sflag:s11], $0x4000  }
0x42: {  	[sflag:s11] =	ssyncset.done $0x0  }
0x43: {  	s28 =	sor.u32 $0x280, s23;
	[sflag:s11] =	ssyncadd.s32 $0xFFFFC000  }
0x44: {  	[tilespmem:s18], [sflag:$0x2] =	stream.indirect.gather [hbm4b:s4+s16], $0x80, s28, s16, $0xb8;
	[tilespmem:$0x1E000] =	vst v63  }
0x45: {  	_ =	swait.ge [sflag:s19], $0x4000  }
0x46: {  	[sflag:s19] =	ssyncset.done $0x0  }
0x47: {  	s29 =	sor.u32 $0x1200, s23;
	[sflag:s19] =	ssyncadd.s32 $0xFFFFC000  }
0x48: {  	[spmem:s2] =	stream.indirect.scatter.add.f32 [tilespmem:s17], [sflag:$0x4], $0x80, s29, s16, $0xb8;
	[tilespmem:$0x1E000] =	vst v63  }
0x49: {  	_ =	swait.ge [sflag:s11], $0x4000  }
0x4a: {  	[sflag:s11] =	ssyncset.done $0x0  }
0x4b: {  	s30 =	sor.u32 $0x300, s23;
	[sflag:s11] =	ssyncadd.s32 $0xFFFFC000  }
0x4c: {  	[tilespmem:s17], [sflag:$0x1] =	stream.indirect.gather [hbm4b:s4+s16], $0x80, s30, s16, $0xb8;
	[tilespmem:$0x1E000] =	vst v63  }
0x4d: {  	_ =	swait.ge [sflag:s20], $0x4000  }
0x4e: {  	[sflag:s20] =	ssyncset.done $0x0  }
0x4f: {  	s31 =	sor.u32 $0x1280, s23;
	[sflag:s20] =	ssyncadd.s32 $0xFFFFC000  }
0x50: {  	[spmem:s2] =	stream.indirect.scatter.add.f32 [tilespmem:s18], [sflag:$0x4], $0x80, s31, s16, $0xb8;
	[tilespmem:$0x1E000] =	vst v63  }
0x51: {  	_ =	swait.ge [sflag:s11], $0x4000  }
0x52: {  	[sflag:s11] =	ssyncset.done $0x0  }
0x53: {  	s25 =	sor.u32 $0x380, s23;
	[sflag:s11] =	ssyncadd.s32 $0xFFFFC000  }
0x54: {  	[tilespmem:s18], [sflag:$0x2] =	stream.indirect.gather [hbm4b:s4+s16], $0x80, s25, s16, $0xb8;
	[tilespmem:$0x1E000] =	vst v63  }
0x55: {  	_ =	swait.ge [sflag:s19], $0x4000  }
0x56: {  	[sflag:s19] =	ssyncset.done $0x0  }
0x57: {  	s26 =	sor.u32 $0x1300, s23;
	[sflag:s19] =	ssyncadd.s32 $0xFFFFC000  }
0x58: {  	[spmem:s2] =	stream.indirect.scatter.add.f32 [tilespmem:s17], [sflag:$0x4], $0x80, s26, s16, $0xb8;
	[tilespmem:$0x1E000] =	vst v63  }
0x59: {  	_ =	swait.ge [sflag:s11], $0x4000  }
0x5a: {  	[sflag:s11] =	ssyncset.done $0x0  }
0x5b: {  	s28 =	sor.u32 $0x400, s23;
	[sflag:s11] =	ssyncadd.s32 $0xFFFFC000  }
0x5c: {  	[tilespmem:s17], [sflag:$0x1] =	stream.indirect.gather [hbm4b:s4+s16], $0x80, s28, s16, $0xb8;
	[tilespmem:$0x1E000] =	vst v63  }
0x5d: {  	_ =	swait.ge [sflag:s20], $0x4000  }
0x5e: {  	[sflag:s20] =	ssyncset.done $0x0  }
0x5f: {  	s29 =	sor.u32 $0x1380, s23;
	[sflag:s20] =	ssyncadd.s32 $0xFFFFC000  }
0x60: {  	[spmem:s2] =	stream.indirect.scatter.add.f32 [tilespmem:s18], [sflag:$0x4], $0x80, s29, s16, $0xb8;
	[tilespmem:$0x1E000] =	vst v63  }
0x61: {  	_ =	swait.ge [sflag:s11], $0x4000  }
0x62: {  	[sflag:s11] =	ssyncset.done $0x0  }
0x63: {  	s30 =	sor.u32 $0x480, s23;
	[sflag:s11] =	ssyncadd.s32 $0xFFFFC000  }
0x64: {  	[tilespmem:s18], [sflag:$0x2] =	stream.indirect.gather [hbm4b:s4+s16], $0x80, s30, s16, $0xb8;
	[tilespmem:$0x1E000] =	vst v63  }
0x65: {  	_ =	swait.ge [sflag:s19], $0x4000  }
0x66: {  	[sflag:s19] =	ssyncset.done $0x0  }
0x67: {  	s31 =	sor.u32 $0x1400, s23;
	[sflag:s19] =	ssyncadd.s32 $0xFFFFC000  }
0x68: {  	[spmem:s2] =	stream.indirect.scatter.add.f32 [tilespmem:s17], [sflag:$0x4], $0x80, s31, s16, $0xb8;
	[tilespmem:$0x1E000] =	vst v63  }
0x69: {  	_ =	swait.ge [sflag:s11], $0x4000  }
0x6a: {  	[sflag:s11] =	ssyncset.done $0x0  }
0x6b: {  	s25 =	sor.u32 $0x500, s23;
	[sflag:s11] =	ssyncadd.s32 $0xFFFFC000  }
0x6c: {  	[tilespmem:s17], [sflag:$0x1] =	stream.indirect.gather [hbm4b:s4+s16], $0x80, s25, s16, $0xb8;
	[tilespmem:$0x1E000] =	vst v63  }
0x6d: {  	_ =	swait.ge [sflag:s20], $0x4000  }
0x6e: {  	[sflag:s20] =	ssyncset.done $0x0  }
0x6f: {  	s26 =	sor.u32 $0x1480, s23;
	[sflag:s20] =	ssyncadd.s32 $0xFFFFC000  }
0x70: {  	[spmem:s2] =	stream.indirect.scatter.add.f32 [tilespmem:s18], [sflag:$0x4], $0x80, s26, s16, $0xb8;
	[tilespmem:$0x1E000] =	vst v63  }
0x71: {  	_ =	swait.ge [sflag:s11], $0x4000  }
0x72: {  	[sflag:s11] =	ssyncset.done $0x0  }
0x73: {  	s28 =	sor.u32 $0x580, s23;
	[sflag:s11] =	ssyncadd.s32 $0xFFFFC000  }
0x74: {  	[tilespmem:s18], [sflag:$0x2] =	stream.indirect.gather [hbm4b:s4+s16], $0x80, s28, s16, $0xb8;
	[tilespmem:$0x1E000] =	vst v63  }
0x75: {  	_ =	swait.ge [sflag:s19], $0x4000  }
0x76: {  	[sflag:s19] =	ssyncset.done $0x0  }
0x77: {  	s29 =	sor.u32 $0x1500, s23;
	[sflag:s19] =	ssyncadd.s32 $0xFFFFC000  }
0x78: {  	[spmem:s2] =	stream.indirect.scatter.add.f32 [tilespmem:s17], [sflag:$0x4], $0x80, s29, s16, $0xb8;
	[tilespmem:$0x1E000] =	vst v63  }
0x79: {  	_ =	swait.ge [sflag:s11], $0x4000  }
0x7a: {  	[sflag:s11] =	ssyncset.done $0x0  }
0x7b: {  	s30 =	sor.u32 $0x600, s23;
	[sflag:s11] =	ssyncadd.s32 $0xFFFFC000  }
0x7c: {  	[tilespmem:s17], [sflag:$0x1] =	stream.indirect.gather [hbm4b:s4+s16], $0x80, s30, s16, $0xb8;
	[tilespmem:$0x1E000] =	vst v63  }
0x7d: {  	_ =	swait.ge [sflag:s20], $0x4000  }
0x7e: {  	[sflag:s20] =	ssyncset.done $0x0  }
0x7f: {  	s31 =	sor.u32 $0x1580, s23;
	[sflag:s20] =	ssyncadd.s32 $0xFFFFC000  }
0x80: {  	[spmem:s2] =	stream.indirect.scatter.add.f32 [tilespmem:s18], [sflag:$0x4], $0x80, s31, s16, $0xb8;
	[tilespmem:$0x1E000] =	vst v63  }
0x81: {  	_ =	swait.ge [sflag:s11], $0x4000  }
0x82: {  	[sflag:s11] =	ssyncset.done $0x0  }
0x83: {  	s25 =	sor.u32 $0x680, s23;
	[sflag:s11] =	ssyncadd.s32 $0xFFFFC000  }
0x84: {  	[tilespmem:s18], [sflag:$0x2] =	stream.indirect.gather [hbm4b:s4+s16], $0x80, s25, s16, $0xb8;
	[tilespmem:$0x1E000] =	vst v63  }
0x85: {  	_ =	swait.ge [sflag:s19], $0x4000  }
0x86: {  	[sflag:s19] =	ssyncset.done $0x0  }
0x87: {  	s26 =	sor.u32 $0x1600, s23;
	[sflag:s19] =	ssyncadd.s32 $0xFFFFC000  }
0x88: {  	[spmem:s2] =	stream.indirect.scatter.add.f32 [tilespmem:s17], [sflag:$0x4], $0x80, s26, s16, $0xb8;
	[tilespmem:$0x1E000] =	vst v63  }
0x89: {  	_ =	swait.ge [sflag:s11], $0x4000  }
0x8a: {  	[sflag:s11] =	ssyncset.done $0x0  }
0x8b: {  	s28 =	sor.u32 $0x700, s23;
	[sflag:s11] =	ssyncadd.s32 $0xFFFFC000  }
0x8c: {  	[tilespmem:s17], [sflag:$0x1] =	stream.indirect.gather [hbm4b:s4+s16], $0x80, s28, s16, $0xb8;
	[tilespmem:$0x1E000] =	vst v63  }
0x8d: {  	_ =	swait.ge [sflag:s20], $0x4000  }
0x8e: {  	[sflag:s20] =	ssyncset.done $0x0  }
0x8f: {  	s29 =	sor.u32 $0x1680, s23;
	[sflag:s20] =	ssyncadd.s32 $0xFFFFC000  }
0x90: {  	[spmem:s2] =	stream.indirect.scatter.add.f32 [tilespmem:s18], [sflag:$0x4], $0x80, s29, s16, $0xb8;
	[tilespmem:$0x1E000] =	vst v63  }
0x91: {  	_ =	swait.ge [sflag:s11], $0x4000  }
0x92: {  	[sflag:s11] =	ssyncset.done $0x0  }
0x93: {  	s30 =	sor.u32 $0x780, s23;
	[sflag:s11] =	ssyncadd.s32 $0xFFFFC000  }
0x94: {  	[tilespmem:s18], [sflag:$0x2] =	stream.indirect.gather [hbm4b:s4+s16], $0x80, s30, s16, $0xb8;
	[tilespmem:$0x1E000] =	vst v63  }
0x95: {  	_ =	swait.ge [sflag:s19], $0x4000  }
0x96: {  	[sflag:s19] =	ssyncset.done $0x0  }
0x97: {  	s31 =	sor.u32 $0x1700, s23;
	[sflag:s19] =	ssyncadd.s32 $0xFFFFC000  }
0x98: {  	[spmem:s2] =	stream.indirect.scatter.add.f32 [tilespmem:s17], [sflag:$0x4], $0x80, s31, s16, $0xb8;
	[tilespmem:$0x1E000] =	vst v63  }
0x99: {  	_ =	swait.ge [sflag:s11], $0x4000  }
0x9a: {  	[sflag:s11] =	ssyncset.done $0x0  }
0x9b: {  	[sflag:s11] =	ssyncadd.s32 $0xFFFFC000  }
0x9c: {  	_ =	swait.ge [sflag:s20], $0x4000  }
0x9d: {  	[sflag:s20] =	ssyncset.done $0x0  }
0x9e: {  	s23 =	sor.u32 $0x1780, s23;
	[sflag:s20] =	ssyncadd.s32 $0xFFFFC000  }
0x9f: {  	[spmem:s2] =	stream.indirect.scatter.add.f32 [tilespmem:s18], [sflag:$0x4], $0x80, s23, s16, $0xb8;
	[tilespmem:$0x1E000] =	vst v63  }
0xa0: {  	s24 =	sadd.s32 $0x100, s14;
	_ =	swait.ge [sflag:s11], $0x4000  }
0xa1: {  	s25 =	smov.u32 s13;
	s23 =	simm.s32 $0x800;
	[sflag:s11] =	ssyncset.done $0x0  }
.LBB2_2:
0xa2: {  	[sflag:s11] =	ssyncadd.s32 $0xFFFFC000  }
0xa3: {  	s25 =	sadd.s32 $0x100, s25;
	s26 =	smov.u32 s23;
	s23 =	sadd.s32 $0x800, s23  }
0xa4: {  	_ =	swait.ge [sflag:s15], $0x800;
	p0 =	sne.s32 s23, $0x2800  }
0xa5: {  	[sflag:s15] =	ssyncset.done $0x0  }
0xa6: {  	[sflag:s15] =	ssyncadd.s32 $0xFFFFF800  }
0xa7: {  	p1 =	seq.s32 s26, $0x2000;
	_ =	swait.ge [sflag:s15], $0x800  }
0xa8: {  	s28 =	sxor.u32 @!p1 $0xFFFFFFFF, s26;
	[sflag:s15] =	ssyncset.done $0x0  }
0xa9: {  	s29 =	simm.s32 @!p1 $0x0;
	s28 =	sand.u32 @!p1 $0x800, s28;
	[sflag:s15] =	ssyncadd.s32 $0xFFFFF800  }
0xaa: {  	[tilespmem:s28], [sflag:$0x3] =	stream.linear.gather @!p1 [hbm4b:s24+s29], $0x800, $0x38;
	[tilespmem:$0x1E000] =	vst v63  }
0xab: {  	s28 =	sor.u32 @!p1 $0x1000, s28  }
0xac: {  	[tilespmem:s28], [sflag:$0x3] =	stream.linear.gather @!p1 [hbm4b:s25+s29], $0x800, $0x38;
	[tilespmem:$0x1E000] =	vst v63  }
0xad: {  	s26 =	sand.u32 $0x800, s26  }
0xae: {  	[tilespmem:s17], [sflag:$0x1] =	stream.indirect.gather [hbm4b:s4+s16], $0x80, s26, s16, $0xb8;
	[tilespmem:$0x1E000] =	vst v63  }
0xaf: {  	s28 =	sor.u32 $0x80, s26  }
0xb0: {  	[tilespmem:s18], [sflag:$0x2] =	stream.indirect.gather [hbm4b:s4+s16], $0x80, s28, s16, $0xb8;
	[tilespmem:$0x1E000] =	vst v63  }
0xb1: {  	_ =	swait.ge [sflag:s19], $0x4000  }
0xb2: {  	[sflag:s19] =	ssyncset.done $0x0  }
0xb3: {  	s28 =	sor.u32 $0x1000, s26;
	[sflag:s19] =	ssyncadd.s32 $0xFFFFC000  }
0xb4: {  	[spmem:s2] =	stream.indirect.scatter.add.f32 [tilespmem:s17], [sflag:$0x4], $0x80, s28, s16, $0xb8;
	[tilespmem:$0x1E000] =	vst v63  }
0xb5: {  	_ =	swait.ge [sflag:s11], $0x4000  }
0xb6: {  	[sflag:s11] =	ssyncset.done $0x0  }
0xb7: {  	s28 =	sor.u32 $0x100, s26;
	[sflag:s11] =	ssyncadd.s32 $0xFFFFC000  }
0xb8: {  	[tilespmem:s17], [sflag:$0x1] =	stream.indirect.gather [hbm4b:s4+s16], $0x80, s28, s16, $0xb8;
	[tilespmem:$0x1E000] =	vst v63  }
0xb9: {  	_ =	swait.ge [sflag:s20], $0x4000  }
0xba: {  	[sflag:s20] =	ssyncset.done $0x0  }
0xbb: {  	s28 =	sor.u32 $0x1080, s26;
	[sflag:s20] =	ssyncadd.s32 $0xFFFFC000  }
0xbc: {  	[spmem:s2] =	stream.indirect.scatter.add.f32 [tilespmem:s18], [sflag:$0x4], $0x80, s28, s16, $0xb8;
	[tilespmem:$0x1E000] =	vst v63  }
0xbd: {  	_ =	swait.ge [sflag:s11], $0x4000  }
0xbe: {  	[sflag:s11] =	ssyncset.done $0x0  }
0xbf: {  	s28 =	sor.u32 $0x180, s26;
	[sflag:s11] =	ssyncadd.s32 $0xFFFFC000  }
0xc0: {  	[tilespmem:s18], [sflag:$0x2] =	stream.indirect.gather [hbm4b:s4+s16], $0x80, s28, s16, $0xb8;
	[tilespmem:$0x1E000] =	vst v63  }
0xc1: {  	_ =	swait.ge [sflag:s19], $0x4000  }
0xc2: {  	[sflag:s19] =	ssyncset.done $0x0  }
0xc3: {  	s28 =	sor.u32 $0x1100, s26;
	[sflag:s19] =	ssyncadd.s32 $0xFFFFC000  }
0xc4: {  	[spmem:s2] =	stream.indirect.scatter.add.f32 [tilespmem:s17], [sflag:$0x4], $0x80, s28, s16, $0xb8;
	[tilespmem:$0x1E000] =	vst v63  }
0xc5: {  	_ =	swait.ge [sflag:s11], $0x4000  }
0xc6: {  	[sflag:s11] =	ssyncset.done $0x0  }
0xc7: {  	s28 =	sor.u32 $0x200, s26;
	[sflag:s11] =	ssyncadd.s32 $0xFFFFC000  }
0xc8: {  	[tilespmem:s17], [sflag:$0x1] =	stream.indirect.gather [hbm4b:s4+s16], $0x80, s28, s16, $0xb8;
	[tilespmem:$0x1E000] =	vst v63  }
0xc9: {  	_ =	swait.ge [sflag:s20], $0x4000  }
0xca: {  	[sflag:s20] =	ssyncset.done $0x0  }
0xcb: {  	s28 =	sor.u32 $0x1180, s26;
	[sflag:s20] =	ssyncadd.s32 $0xFFFFC000  }
0xcc: {  	[spmem:s2] =	stream.indirect.scatter.add.f32 [tilespmem:s18], [sflag:$0x4], $0x80, s28, s16, $0xb8;
	[tilespmem:$0x1E000] =	vst v63  }
0xcd: {  	_ =	swait.ge [sflag:s11], $0x4000  }
0xce: {  	[sflag:s11] =	ssyncset.done $0x0  }
0xcf: {  	s28 =	sor.u32 $0x280, s26;
	[sflag:s11] =	ssyncadd.s32 $0xFFFFC000  }
0xd0: {  	[tilespmem:s18], [sflag:$0x2] =	stream.indirect.gather [hbm4b:s4+s16], $0x80, s28, s16, $0xb8;
	[tilespmem:$0x1E000] =	vst v63  }
0xd1: {  	_ =	swait.ge [sflag:s19], $0x4000  }
0xd2: {  	[sflag:s19] =	ssyncset.done $0x0  }
0xd3: {  	s28 =	sor.u32 $0x1200, s26;
	[sflag:s19] =	ssyncadd.s32 $0xFFFFC000  }
0xd4: {  	[spmem:s2] =	stream.indirect.scatter.add.f32 [tilespmem:s17], [sflag:$0x4], $0x80, s28, s16, $0xb8;
	[tilespmem:$0x1E000] =	vst v63  }
0xd5: {  	_ =	swait.ge [sflag:s11], $0x4000  }
0xd6: {  	[sflag:s11] =	ssyncset.done $0x0  }
0xd7: {  	s28 =	sor.u32 $0x300, s26;
	[sflag:s11] =	ssyncadd.s32 $0xFFFFC000  }
0xd8: {  	[tilespmem:s17], [sflag:$0x1] =	stream.indirect.gather [hbm4b:s4+s16], $0x80, s28, s16, $0xb8;
	[tilespmem:$0x1E000] =	vst v63  }
0xd9: {  	_ =	swait.ge [sflag:s20], $0x4000  }
0xda: {  	[sflag:s20] =	ssyncset.done $0x0  }
0xdb: {  	s28 =	sor.u32 $0x1280, s26;
	[sflag:s20] =	ssyncadd.s32 $0xFFFFC000  }
0xdc: {  	[spmem:s2] =	stream.indirect.scatter.add.f32 [tilespmem:s18], [sflag:$0x4], $0x80, s28, s16, $0xb8;
	[tilespmem:$0x1E000] =	vst v63  }
0xdd: {  	_ =	swait.ge [sflag:s11], $0x4000  }
0xde: {  	[sflag:s11] =	ssyncset.done $0x0  }
0xdf: {  	s28 =	sor.u32 $0x380, s26;
	[sflag:s11] =	ssyncadd.s32 $0xFFFFC000  }
0xe0: {  	[tilespmem:s18], [sflag:$0x2] =	stream.indirect.gather [hbm4b:s4+s16], $0x80, s28, s16, $0xb8;
	[tilespmem:$0x1E000] =	vst v63  }
0xe1: {  	_ =	swait.ge [sflag:s19], $0x4000  }
0xe2: {  	[sflag:s19] =	ssyncset.done $0x0  }
0xe3: {  	s28 =	sor.u32 $0x1300, s26;
	[sflag:s19] =	ssyncadd.s32 $0xFFFFC000  }
0xe4: {  	[spmem:s2] =	stream.indirect.scatter.add.f32 [tilespmem:s17], [sflag:$0x4], $0x80, s28, s16, $0xb8;
	[tilespmem:$0x1E000] =	vst v63  }
0xe5: {  	_ =	swait.ge [sflag:s11], $0x4000  }
0xe6: {  	[sflag:s11] =	ssyncset.done $0x0  }
0xe7: {  	s28 =	sor.u32 $0x400, s26;
	[sflag:s11] =	ssyncadd.s32 $0xFFFFC000  }
0xe8: {  	[tilespmem:s17], [sflag:$0x1] =	stream.indirect.gather [hbm4b:s4+s16], $0x80, s28, s16, $0xb8;
	[tilespmem:$0x1E000] =	vst v63  }
0xe9: {  	_ =	swait.ge [sflag:s20], $0x4000  }
0xea: {  	[sflag:s20] =	ssyncset.done $0x0  }
0xeb: {  	s28 =	sor.u32 $0x1380, s26;
	[sflag:s20] =	ssyncadd.s32 $0xFFFFC000  }
0xec: {  	[spmem:s2] =	stream.indirect.scatter.add.f32 [tilespmem:s18], [sflag:$0x4], $0x80, s28, s16, $0xb8;
	[tilespmem:$0x1E000] =	vst v63  }
0xed: {  	_ =	swait.ge [sflag:s11], $0x4000  }
0xee: {  	[sflag:s11] =	ssyncset.done $0x0  }
0xef: {  	s28 =	sor.u32 $0x480, s26;
	[sflag:s11] =	ssyncadd.s32 $0xFFFFC000  }
0xf0: {  	[tilespmem:s18], [sflag:$0x2] =	stream.indirect.gather [hbm4b:s4+s16], $0x80, s28, s16, $0xb8;
	[tilespmem:$0x1E000] =	vst v63  }
0xf1: {  	_ =	swait.ge [sflag:s19], $0x4000  }
0xf2: {  	[sflag:s19] =	ssyncset.done $0x0  }
0xf3: {  	s28 =	sor.u32 $0x1400, s26;
	[sflag:s19] =	ssyncadd.s32 $0xFFFFC000  }
0xf4: {  	[spmem:s2] =	stream.indirect.scatter.add.f32 [tilespmem:s17], [sflag:$0x4], $0x80, s28, s16, $0xb8;
	[tilespmem:$0x1E000] =	vst v63  }
0xf5: {  	_ =	swait.ge [sflag:s11], $0x4000  }
0xf6: {  	[sflag:s11] =	ssyncset.done $0x0  }
0xf7: {  	s28 =	sor.u32 $0x500, s26;
	[sflag:s11] =	ssyncadd.s32 $0xFFFFC000  }
0xf8: {  	[tilespmem:s17], [sflag:$0x1] =	stream.indirect.gather [hbm4b:s4+s16], $0x80, s28, s16, $0xb8;
	[tilespmem:$0x1E000] =	vst v63  }
0xf9: {  	_ =	swait.ge [sflag:s20], $0x4000  }
0xfa: {  	[sflag:s20] =	ssyncset.done $0x0  }
0xfb: {  	s28 =	sor.u32 $0x1480, s26;
	[sflag:s20] =	ssyncadd.s32 $0xFFFFC000  }
0xfc: {  	[spmem:s2] =	stream.indirect.scatter.add.f32 [tilespmem:s18], [sflag:$0x4], $0x80, s28, s16, $0xb8;
	[tilespmem:$0x1E000] =	vst v63  }
0xfd: {  	_ =	swait.ge [sflag:s11], $0x4000  }
0xfe: {  	[sflag:s11] =	ssyncset.done $0x0  }
0xff: {  	s28 =	sor.u32 $0x580, s26;
	[sflag:s11] =	ssyncadd.s32 $0xFFFFC000  }
0x100: {  	[tilespmem:s18], [sflag:$0x2] =	stream.indirect.gather [hbm4b:s4+s16], $0x80, s28, s16, $0xb8;
	[tilespmem:$0x1E000] =	vst v63  }
0x101: {  	_ =	swait.ge [sflag:s19], $0x4000  }
0x102: {  	[sflag:s19] =	ssyncset.done $0x0  }
0x103: {  	s28 =	sor.u32 $0x1500, s26;
	[sflag:s19] =	ssyncadd.s32 $0xFFFFC000  }
0x104: {  	[spmem:s2] =	stream.indirect.scatter.add.f32 [tilespmem:s17], [sflag:$0x4], $0x80, s28, s16, $0xb8;
	[tilespmem:$0x1E000] =	vst v63  }
0x105: {  	_ =	swait.ge [sflag:s11], $0x4000  }
0x106: {  	[sflag:s11] =	ssyncset.done $0x0  }
0x107: {  	s28 =	sor.u32 $0x600, s26;
	[sflag:s11] =	ssyncadd.s32 $0xFFFFC000  }
0x108: {  	[tilespmem:s17], [sflag:$0x1] =	stream.indirect.gather [hbm4b:s4+s16], $0x80, s28, s16, $0xb8;
	[tilespmem:$0x1E000] =	vst v63  }
0x109: {  	_ =	swait.ge [sflag:s20], $0x4000  }
0x10a: {  	[sflag:s20] =	ssyncset.done $0x0  }
0x10b: {  	s28 =	sor.u32 $0x1580, s26;
	[sflag:s20] =	ssyncadd.s32 $0xFFFFC000  }
0x10c: {  	[spmem:s2] =	stream.indirect.scatter.add.f32 [tilespmem:s18], [sflag:$0x4], $0x80, s28, s16, $0xb8;
	[tilespmem:$0x1E000] =	vst v63  }
0x10d: {  	_ =	swait.ge [sflag:s11], $0x4000  }
0x10e: {  	[sflag:s11] =	ssyncset.done $0x0  }
0x10f: {  	s28 =	sor.u32 $0x680, s26;
	[sflag:s11] =	ssyncadd.s32 $0xFFFFC000  }
0x110: {  	[tilespmem:s18], [sflag:$0x2] =	stream.indirect.gather [hbm4b:s4+s16], $0x80, s28, s16, $0xb8;
	[tilespmem:$0x1E000] =	vst v63  }
0x111: {  	_ =	swait.ge [sflag:s19], $0x4000  }
0x112: {  	[sflag:s19] =	ssyncset.done $0x0  }
0x113: {  	s28 =	sor.u32 $0x1600, s26;
	[sflag:s19] =	ssyncadd.s32 $0xFFFFC000  }
0x114: {  	[spmem:s2] =	stream.indirect.scatter.add.f32 [tilespmem:s17], [sflag:$0x4], $0x80, s28, s16, $0xb8;
	[tilespmem:$0x1E000] =	vst v63  }
0x115: {  	_ =	swait.ge [sflag:s11], $0x4000  }
0x116: {  	[sflag:s11] =	ssyncset.done $0x0  }
0x117: {  	s28 =	sor.u32 $0x700, s26;
	[sflag:s11] =	ssyncadd.s32 $0xFFFFC000  }
0x118: {  	[tilespmem:s17], [sflag:$0x1] =	stream.indirect.gather [hbm4b:s4+s16], $0x80, s28, s16, $0xb8;
	[tilespmem:$0x1E000] =	vst v63  }
0x119: {  	_ =	swait.ge [sflag:s20], $0x4000  }
0x11a: {  	[sflag:s20] =	ssyncset.done $0x0  }
0x11b: {  	s28 =	sor.u32 $0x1680, s26;
	[sflag:s20] =	ssyncadd.s32 $0xFFFFC000  }
0x11c: {  	[spmem:s2] =	stream.indirect.scatter.add.f32 [tilespmem:s18], [sflag:$0x4], $0x80, s28, s16, $0xb8;
	[tilespmem:$0x1E000] =	vst v63  }
0x11d: {  	_ =	swait.ge [sflag:s11], $0x4000  }
0x11e: {  	[sflag:s11] =	ssyncset.done $0x0  }
0x11f: {  	s28 =	sor.u32 $0x780, s26;
	[sflag:s11] =	ssyncadd.s32 $0xFFFFC000  }
0x120: {  	[tilespmem:s18], [sflag:$0x2] =	stream.indirect.gather [hbm4b:s4+s16], $0x80, s28, s16, $0xb8;
	[tilespmem:$0x1E000] =	vst v63  }
0x121: {  	_ =	swait.ge [sflag:s19], $0x4000  }
0x122: {  	[sflag:s19] =	ssyncset.done $0x0  }
0x123: {  	s28 =	sor.u32 $0x1700, s26;
	[sflag:s19] =	ssyncadd.s32 $0xFFFFC000  }
0x124: {  	[spmem:s2] =	stream.indirect.scatter.add.f32 [tilespmem:s17], [sflag:$0x4], $0x80, s28, s16, $0xb8;
	[tilespmem:$0x1E000] =	vst v63  }
0x125: {  	_ =	swait.ge [sflag:s11], $0x4000  }
0x126: {  	[sflag:s11] =	ssyncset.done $0x0  }
0x127: {  	[sflag:s11] =	ssyncadd.s32 $0xFFFFC000  }
0x128: {  	_ =	swait.ge [sflag:s20], $0x4000  }
.Ltmp0:
0x129: {  	[sflag:s20] =	ssyncset.done $0x0;
	(pc) =	sbr.rel @p0 .LBB2_2-.Ltmp0, $4  }
0x12a: {  	s26 =	sor.u32 $0x1780, s26;
	[sflag:s20] =	ssyncadd.s32 $0xFFFFC000  }
0x12b: {  	[spmem:s2] =	stream.indirect.scatter.add.f32 [tilespmem:s18], [sflag:$0x4], $0x80, s26, s16, $0xb8;
	[tilespmem:$0x1E000] =	vst v63  }
0x12c: {  	_ =	swait.ge [sflag:s11], $0x4000  }
0x12d: {  	s24 =	sadd.s32 $0x100, s24;
	[sflag:s11] =	ssyncset.done $0x0  }
0x12e: {  	s22 =	sadd.s32 $0x1, s22  }
0x12f: {  	[sflag:s11] =	ssyncadd.s32 $0xFFFFC000;
	p0 =	sne.s32 s22, s9  }
.Ltmp1:
0x130: {  	[bflag:$0x0] =	sbarrier.arrive $0xFFFF;
	(pc) =	sbr.rel @p0 .LBB2_1-.Ltmp1, $4  }
0x131: {  	[hbm:s21], [sflag:s6] =	dma.local [spmem:s10], $0x2800  }
0x132: {  	_ =	swait.ge [sflag:s11], $0x2800  }
0x133: {  	[sflag:s11] =	ssyncset.done $0x0  }
0x134: {  	[sflag:s11] =	ssyncadd.s32 $0xFFFFD800  }
0x135: {  	_ =	sfence.sel $0x180000  }
0x136: {  	[bflag:$0x0] =	sbarrier.arrive $0xFFFF  }
0x137: {  	p0 =	sne.s32 s0, $0x0;
	_ =	strace $0x9000004A  }
0x138: {  	s0 =	sadd.s32 @!p0 $0x100000, s1;
	[bflag:$0x2] =	sbarrier.arrive $0xFFFF  }
0x139: {  	[sflag:s0] =	ssyncadd.tile.s32 @!p0 $0x1;
	_ =	shalt  }
.Lfunc_end2:
_tile_overlayer_lowered:
.L_overlay_start_2:
0x13a: {  	(tag) =	ssettag $0x2  }
0x13b: {  	s0 =	rddreg [dreg:$0x0];
	s2 =	stileid.u32  }
0x13c: {  	s1 =	rddreg [dreg:$0x1];
	p0 =	sne.s32 s2, $0x0  }
0x13d: {  	s3 =	rddreg [dreg:$0x2];
	[bflag:$0x3] =	sbarrier.arrive $0xFFFF;
	s2 =	simm.s32 @!p0 $0x1C04  }
0x13e: {  	[timem:s3], [sflag:s2] =	dma.local @!p0 [hbm:s0], s1  }
0x13f: {  	s0 =	simm.s32 @!p0 $0x4  }
0x140: {  	_ =	swait.ge @!p0 [sflag:s0], s1  }
0x141: {  	s1 =	ssub.s32 @!p0 $0x0, s1;
	[sflag:s0] =	ssyncset.done @!p0 $0x0  }
0x142: {  	[sflag:s0] =	ssyncadd.s32 @!p0 s1  }
0x143: {  	[bflag:$0x3] =	sbarrier.arrive $0xFFFF  }
0x144: {  	_ =	shalt  }

// kernel: kernel.14.cloned.1.call-start
scs
__scs_entry_jumppad:
0x0: {  	(pc) =	sbr.rel $0x88, $3  }
0x1: {  	(tag) =	ssettag $0x0;
	lr =	simm.s32 $0x1  }
0x2: {  	[smem:$0x3F9B] =	sst lr;
	_ =	strace $0xD0000000  }
0x3: {  	_ = 	snop  }
0x4: {  	_ = 	snop  }
0x5: {  	_ = 	snop  }
0x6: {  	_ = 	snop  }
0x7: {  	_ = 	snop  }
__scs_overlays_trampoline_lowered:
0x8: {  	[smem:$0x3FAA] =	sst s0  }
0x9: {  	[smem:$0x3FAB] =	sst s1  }
0xa: {  	[smem:$0x3FAC] =	sst s2  }
0xb: {  	[smem:$0x3FAD] =	sst s3  }
0xc: {  	[smem:$0x3FAE] =	sst s4  }
0xd: {  	[smem:$0x3FAF] =	sst s5  }
0xe: {  	[smem:$0x3FB0] =	sst s6  }
0xf: {  	[smem:$0x3FB1] =	sst s7  }
0x10: {  	[smem:$0x3FB2] =	sst s8  }
0x11: {  	[smem:$0x3FB3] =	sst s9;
	s0 =	simm.s32 @!p0 $0x0  }
0x12: {  	s1 =	sld [smem:$0x3F99];
	s0 =	simm.s32 @p0 $0x1  }
0x13: {  	[smem:$0x3FB4] =	sst s0;
	s0 =	simm.s32 @!p1 $0x0  }
0x14: {  	s2 =	sld [smem:$0x3F98];
	s0 =	simm.s32 @p1 $0x1  }
0x15: {  	[smem:$0x3FB5] =	sst s0;
	s0 =	simm.s32 @!p2 $0x0  }
0x16: {  	s3 =	sld [smem:$0x3FDB];
	s0 =	simm.s32 @p2 $0x1  }
0x17: {  	s4 =	simm.s32 $0x1BF5;
	[smem:$0x3FB7] =	sst s0  }
0x18: {  	s0 =	sld [smem:$0x3F9A];
	_ =	swait.ge [sflag:s4], $0x0  }
0x19: {  	s7 =	sld [smem:$0x3F9B]  }
0x1a: {  	s8 =	sadd.s32 $0xFFFFE003, lr  }
0x1b: {  	s9 =	sadd.s32 $0xFFFFFEF7, lr;
	s5 =	simm.s32 $0xFFFFFFFF;
	p2 =	slt.u32 s8, $0xFFFFF086  }
0x1c: {  	p1 =	slt.u32 s9, $0xF7A;
	s5 =	simm.s32 @!p2 $0x0  }
0x1d: {  	s5 =	simm.s32 @p1 $0x1;
	p0 =	seq.s32 s7, s2  }
0x1e: {  	s7 =	smul.u32 @!p0 $0xF7A, s2;
	p2 =	seq.s32 @!p0 s5, $0x0  }
0x1f: {  	s9 =	smul.u32 $0xF7A, s1;
	s8 =	simm.s32 @!p0 $0x1BF5;
	p2 =	por !p2, p0  }
0x20: {  	[sflag:s8] =	ssyncset.s32 @!p0 $0xFFFFF086;
	s6 =	sadd.s32 @!p0 s3, s7;
	s7 =	simm.s32 @!p0 $0x108  }
0x21: {  	s3 =	sadd.s32 s3, s9;
	s6 =	sadd.s32 @!p0 $0x88, s6;
	s7 =	simm.s32 @p2 $0x1082  }
0x22: {  	[simem:s7], [sflag:s8] =	dma.local @!p0 [hbm:s6], $0xF7A  }
0x23: {  	s9 =	sor.u32 $0xD0000000, s2;
	s6 =	simm.s32 $0x108;
	_ =	swait.ge @!p0 [sflag:s8], $0x0  }
0x24: {  	s3 =	sadd.s32 $0x88, s3;
	s6 =	simm.s32 @!p1 $0x1082;
	[sflag:s4] =	ssyncset.s32 $0xFFFFF086  }
0x25: {  	[simem:s6], [sflag:s4] =	dma.local [hbm:s3], $0xF7A  }
0x26: {  	[smem:$0x3F9B] =	sst s1;
	(tag) =	ssettag s2;
	_ =	strace s9  }
0x27: {  	s1 =	sld [smem:$0x3FAB]  }
0x28: {  	s2 =	sld [smem:$0x3FAC]  }
0x29: {  	s4 =	sld [smem:$0x3FAE]  }
0x2a: {  	p0 =	seq.s32 s5, $0x0;
	s5 =	sld [smem:$0x3FAF]  }
0x2b: {  	s6 =	sld [smem:$0x3FB0]  }
0x2c: {  	s7 =	sld [smem:$0x3FB1]  }
0x2d: {  	s3 =	simm.s32 $0x108;
	s8 =	sld [smem:$0x3FB2]  }
0x2e: {  	s3 =	simm.s32 @!p0 $0x1082;
	s9 =	sld [smem:$0x3FB3]  }
0x2f: {  	lr =	sadd.s32 s0, s3;
	s0 =	sld [smem:$0x3FAA]  }
0x30: {  	s3 =	sld [smem:$0x3FAD]  }
0x31: {  	[smem:$0x3FB6] =	sst s10  }
0x32: {  	s10 =	sld [smem:$0x3FB4];
	_ =	sdelay $0x3  }
0x33: {  	p0 =	seq.s32 s10, $0x1;
	s10 =	sld [smem:$0x3FB6];
	_ =	sdelay $0x3  }
0x34: {  	[smem:$0x3FB6] =	sst s10  }
0x35: {  	s10 =	sld [smem:$0x3FB5];
	_ =	sdelay $0x3  }
0x36: {  	p1 =	seq.s32 s10, $0x1;
	s10 =	sld [smem:$0x3FB6];
	_ =	sdelay $0x3  }
0x37: {  	[smem:$0x3FB6] =	sst s10  }
0x38: {  	s10 =	sld [smem:$0x3FB7]  }
0x39: {  	_ = 	snop;
	(pc) =	sbr.ind lr, $3  }
0x3a: {  	_ = 	snop  }
0x3b: {  	_ = 	snop  }
0x3c: {  	p2 =	seq.s32 s10, $0x1;
	s10 =	sld [smem:$0x3FB6]  }
0x3d: {  	_ =	shalt  }
0x3e: {  	_ =	shalt  }
0x3f: {  	_ =	shalt  }
0x40: {  	_ =	shalt  }
0x41: {  	_ =	shalt  }
0x42: {  	_ =	shalt  }
0x43: {  	_ =	shalt  }
0x44: {  	_ =	shalt  }
0x45: {  	_ =	shalt  }
0x46: {  	_ =	shalt  }
0x47: {  	_ =	shalt  }
0x48: {  	_ =	shalt  }
0x49: {  	_ =	shalt  }
0x4a: {  	_ =	shalt  }
0x4b: {  	_ =	shalt  }
0x4c: {  	_ =	shalt  }
0x4d: {  	_ =	shalt  }
0x4e: {  	_ =	shalt  }
0x4f: {  	_ =	shalt  }
0x50: {  	_ =	shalt  }
0x51: {  	_ =	shalt  }
0x52: {  	_ =	shalt  }
0x53: {  	_ =	shalt  }
0x54: {  	_ =	shalt  }
0x55: {  	_ =	shalt  }
0x56: {  	_ =	shalt  }
0x57: {  	_ =	shalt  }
0x58: {  	_ =	shalt  }
0x59: {  	_ =	shalt  }
0x5a: {  	_ =	shalt  }
0x5b: {  	_ =	shalt  }
0x5c: {  	_ =	shalt  }
0x5d: {  	_ =	shalt  }
0x5e: {  	_ =	shalt  }
0x5f: {  	_ =	shalt  }
0x60: {  	_ =	shalt  }
0x61: {  	_ =	shalt  }
0x62: {  	_ =	shalt  }
0x63: {  	_ =	shalt  }
0x64: {  	_ =	shalt  }
0x65: {  	_ =	shalt  }
0x66: {  	_ =	shalt  }
0x67: {  	_ =	shalt  }
0x68: {  	_ =	shalt  }
0x69: {  	_ =	shalt  }
0x6a: {  	_ =	shalt  }
0x6b: {  	_ =	shalt  }
0x6c: {  	_ =	shalt  }
0x6d: {  	_ =	shalt  }
0x6e: {  	_ =	shalt  }
0x6f: {  	_ =	shalt  }
0x70: {  	_ =	shalt  }
0x71: {  	_ =	shalt  }
0x72: {  	_ =	shalt  }
0x73: {  	_ =	shalt  }
0x74: {  	_ =	shalt  }
0x75: {  	_ =	shalt  }
0x76: {  	_ =	shalt  }
0x77: {  	_ =	shalt  }
0x78: {  	_ =	shalt  }
0x79: {  	_ =	shalt  }
0x7a: {  	_ =	shalt  }
0x7b: {  	_ =	shalt  }
0x7c: {  	_ =	shalt  }
0x7d: {  	_ =	shalt  }
0x7e: {  	_ =	shalt  }
0x7f: {  	_ =	shalt  }
0x80: {  	_ =	shalt  }
0x81: {  	_ =	shalt  }
0x82: {  	_ =	shalt  }
0x83: {  	_ =	shalt  }
0x84: {  	_ =	shalt  }
0x85: {  	_ =	shalt  }
0x86: {  	_ =	shalt  }
0x87: {  	_ =	shalt  }
.Lfunc_end0:
.L_simem_size_0:
called_computation.2_lowered:
.L_overlay_start_0:
0x88: {  	s2 =	sld [smem:$0x3FD9]  }
0x89: {  	s3 =	sld [smem:$0x3FFE];
	_ =	sdelay $0x1  }
0x8a: {  	s1 =	srdreg.scid  }
0x8b: {  	s0 =	sand.u32 $0x1, s1  }
0x8c: {  	s16 =	sshll.u32 s0, $0xA;
	s2 =	sadd.s32 s3, s2  }
0x8d: {  	s2 =	sadd.s32 s2, s16  }
0x8e: {  	[smem:$0x3FC2] =	sst s2  }
0x8f: {  	_ = 	snop  }
0x90: {  	(tm) =	ssettm $0x1  }
0x91: {  	s17 =	sld [smem:$0x3FFB];
	_ =	sdelay $0x3  }
0x92: {  	_ =	strace s17  }
0x93: {  	s2 =	sld [smem:$0x3FFC];
	_ =	sdelay $0x3  }
0x94: {  	_ =	strace s2  }
0x95: {  	s2 =	sld [smem:$0x3FFD];
	_ =	sdelay $0x3  }
0x96: {  	_ =	strace s2  }
0x97: {  	_ =	strace $0x8FFFFFFF  }
0x98: {  	s18 =	sld [smem:$0x3FDB];
	_ =	sdelay $0x1  }
0x99: {  	s19 =	simm.s32 $_scs_section_size  }
0x9a: {  	s4 =	simm.s32 $_size__tile_overlayer_lowered;
	s5 =	simm.s32 $_tile_overlayer_lowered  }
0x9b: {  	s22 =	simm.s32 $0x1BFF;
	s21 =	sshll.u32 s5, $0x1;
	s2 =	sadd.s32 s19, s18  }
0x9c: {  	s6 =	simm.s32 $0x0;
	s20 =	sshll.u32 s4, $0x1;
	s4 =	sadd.s32 s21, s2  }
0x9d: {  	[timem:s6], [sflag:s22] =	dma.local [hbm:s4], s20  }
0x9e: {  	_ =	swait.ge [sflag:s22], s20  }
0x9f: {  	s3 =	ssub.s32 $0x0, s20;
	[sflag:s22] =	ssyncset.done $0x0  }
0xa0: {  	[sflag:s22] =	ssyncadd.s32 s3;
	_ =	sdelay $0x1  }
0xa1: {  	s23 =	simm.s32 $0x1B8B  }
0xa2: {  	_ =	swait.ge [sflag:s23], $0x1  }
0xa3: {  	[sflag:s23] =	ssyncset.done $0x0  }
0xa4: {  	s25 =	simm.s32 $0x1B8E;
	s24 =	sld [smem:$0x3FFE];
	[sflag:s23] =	ssyncadd.s32 $0xFFFFFFFF  }
0xa5: {  	s26 =	simm.s32 $execute0_lowered;
	[smem:$0x3FD2] =	sst s25  }
0xa6: {  	s4 =	sshll.u32 s26, $0x1;
	_ =	strace $0x8000004C;
	[dreg:$0x1] =	wrdreg $0xFFFFFFFF  }
0xa7: {  	s28 =	simm.s32 $_size_execute0_lowered;
	s2 =	sadd.s32 s2, s4;
	[dreg:$0x0] =	wrdreg $0x0  }
0xa8: {  	s4 =	sshll.u32 s28, $0x1;
	[dreg:$0x2] =	wrdreg s2  }
0xa9: {  	[dreg:$0x3] =	wrdreg s4  }
0xaa: {  	[dreg:$0x4] =	wrdreg $0xC0  }
0xab: {  	_ =	task [dreg:s6], $0x5FFFF  }
0xac: {  	[dreg:$0x1] =	wrdreg $0xFFFFFFFF  }
0xad: {  	[dreg:$0x0] =	wrdreg $0x60  }
0xae: {  	[dreg:$0x2] =	wrdreg s24  }
0xaf: {  	[dreg:$0x3] =	wrdreg $0xA0000  }
0xb0: {  	[dreg:$0x4] =	wrdreg $0x9  }
0xb1: {  	_ =	task.clear_ibuf [dreg:s6], $0x5FFFF;
	_ =	strace $0x9000004C  }
0xb2: {  	s29 =	simm.s32 $0x9;
	_ =	strace $0x8000004E  }
0xb3: {  	_ =	swait.ge [sflag:s29], $0x1  }
0xb4: {  	[sflag:s29] =	ssyncadd.s32 $0xFFFFFFFF  }
0xb5: {  	_ =	strace $0x9000004E  }
0xb6: {  	_ =	sfence  }
0xb7: {  	s30 =	sld [smem:$0x0];
	_ =	sdelay $0x2  }
0xb8: {  	s31 =	sshll.u32 s1, $0xD;
	s1 =	sshrl.u32 s1, $0x2  }
0xb9: {  	s3 =	sand.u32 $0x4000, s31;
	s1 =	sadd.s32 s1, s30  }
0xba: {  	s0 =	sor.u32 s3, s0;
	s1 =	sshll.u32 s1, $0x11  }
0xbb: {  	s0 =	sor.u32 s1, s0  }
0xbc: {  	s0 =	sadd.s32 $0x8F2B, s0  }
0xbd: {  	[sflag:s0] =	ssyncadd.remote.s32 $0x1  }
0xbe: {  	_ =	sfence.sel $0xFFFF  }
0xbf: {  	[dreg:$0x0] =	wrdreg $0xFFFFFFFF;
	(pc) =	sbr.abs _section_cstart, $3  }
0xc0: {  	[dreg:$0x1] =	wrdreg $0xFFFFFFFF  }
0xc1: {  	_ =	task.clear_ibuf [dreg:s6], $0x2FFFF;
	_ =	strace $0x9FFFFFFF  }
0xc2: {  	(tm) =	ssettm $0x7FFFFFFF  }
0xc3: {  	_ =	shalt  }
tec
execute0_lowered:
.L_overlay_start_1:
0x0: {  	(tag) =	ssettag $0x1  }
0x1: {  	s0 =	srdreg.scid;
	s6 =	rddreg [dreg:$0x0]  }
0x2: {  	s2 =	rddreg [dreg:$0x1];
	s3 =	simm.s32 $0x0;
	s15 =	simm.s32 $0x3  }
0x3: {  	s16 =	simm.s32 $0x80;
	s17 =	simm.s32 $0x2000;
	s18 =	simm.s32 $0x6000  }
0x4: {  	s19 =	simm.s32 $0x1;
	s5 =	sand.u32 $0x1, s0;
	s0 =	stileid.u32  }
0x5: {  	s20 =	simm.s32 $0x2;
	[smem:$0x7FF] =	sst s3;
	s21 =	smul.u32 $0x2800, s0  }
0x6: {  	s1 =	sshll.u32 s5, $0x4;
	s8 =	smul.u32 $0x28000, s5;
	s5 =	ssub.s32 $0x2, s5  }
0x7: {  	s9 =	smul.u32 $0x50000, s0;
	s31 =	sshll.u32 s0, $0x6;
	s4 =	sor.u32 s0, s1  }
0x8: {  	s1 =	rddreg [dreg:$0x2];
	_ =	strace $0x8000004D;
	s11 =	sshrl.u32 s5, $0x1  }
0x9: {  	s7 =	smul.u32 $0x500, s4;
	s4 =	sadd.s32 $0x48800, s6;
	s29 =	sadd.s32 s21, s6  }
0xa: {  	s12 =	sadd.s32 s8, s6;
	s11 =	ssub.s32 s5, s11;
	s30 =	sshrl.u32 s9, $0x2  }
0xb: {  	s13 =	sadd.s32 s30, s2;
	s5 =	sadd.s32 $0x20800, s29;
	s22 =	sadd.s32 $0x70800, s12  }
0xc: {  	s9 =	smax.u32 s11, $0x1;
	s11 =	simm.s32 $0x4;
	s12 =	simm.s32 $0x1000  }
0xd: {  	s10 =	sadd.s32 s7, s6;
	s6 =	sor.u32 $0x1C04, s31;
	s21 =	sadd.s32 s21, s22  }
0xe: {  	s22 =	simm.s32 $0x0;
	s7 =	sadd.s32 $0x2600, s10;
	s8 =	sadd.s32 $0xC600, s10  }
0xf: {  	s10 =	sshrl.u32 s13, $0x3;
	s13 =	sadd.s32 $0x100, s8;
	s14 =	sadd.s32 $0x100, s7  }
.LBB2_1:
0x10: {  	[spmem:s10], [sflag:s6] =	dma.local [hbm:s5], $0x2800  }
0x11: {  	_ =	swait.ge [sflag:s11], $0x2800  }
0x12: {  	[sflag:s11] =	ssyncset.done $0x0  }
0x13: {  	[sflag:s11] =	ssyncadd.s32 $0xFFFFD800  }
0x14: {  	[bflag:$0x0] =	sbarrier.arrive $0xFFFF  }
0x15: {  	[tilespmem:s3], [sflag:$0x3] =	stream.linear.gather [hbm4b:s7+s3], $0x800, $0x38;
	[tilespmem:$0x1E000] =	vst v63  }
0x16: {  	_ = 	snop  }
0x17: {  	[tilespmem:s12], [sflag:$0x3] =	stream.linear.gather [hbm4b:s8+s3], $0x800, $0x38;
	[tilespmem:$0x1E000] =	vst v63  }
0x18: {  	_ =	swait.ge [sflag:s15], $0x800  }
0x19: {  	[sflag:s15] =	ssyncset.done $0x0  }
0x1a: {  	[sflag:s15] =	ssyncadd.s32 $0xFFFFF800  }
0x1b: {  	p0 =	por $0x0, $0x0;
	_ =	swait.ge [sflag:s15], $0x800  }
0x1c: {  	s23 =	sxor.u32 @!p0 $0xFFFFFFFF, s3;
	[sflag:s15] =	ssyncset.done $0x0  }
0x1d: {  	s24 =	simm.s32 @!p0 $0x0;
	s23 =	sand.u32 @!p0 $0x800, s23;
	[sflag:s15] =	ssyncadd.s32 $0xFFFFF800  }
0x1e: {  	[tilespmem:s23], [sflag:$0x3] =	stream.linear.gather @!p0 [hbm4b:s14+s24], $0x800, $0x38;
	[tilespmem:$0x1E000] =	vst v63  }
0x1f: {  	s23 =	sor.u32 @!p0 $0x1000, s23  }
0x20: {  	[tilespmem:s23], [sflag:$0x3] =	stream.linear.gather @!p0 [hbm4b:s13+s24], $0x800, $0x38;
	[tilespmem:$0x1E000] =	vst v63  }
0x21: {  	s23 =	sand.u32 $0x800, s3  }
0x22: {  	[tilespmem:s17], [sflag:$0x1] =	stream.indirect.gather [hbm4b:s4+s16], $0x80, s23, s16, $0xb8;
	[tilespmem:$0x1E000] =	vst v63  }
0x23: {  	s25 =	sor.u32 $0x80, s23  }
0x24: {  	[tilespmem:s18], [sflag:$0x2] =	stream.indirect.gather [hbm4b:s4+s16], $0x80, s25, s16, $0xb8;
	[tilespmem:$0x1E000] =	vst v63  }
0x25: {  	_ =	swait.ge [sflag:s19], $0x4000  }
0x26: {  	[sflag:s19] =	ssyncset.done $0x0  }
0x27: {  	s26 =	sor.u32 $0x1000, s23;
	[sflag:s19] =	ssyncadd.s32 $0xFFFFC000  }
0x28: {  	[spmem:s2] =	stream.indirect.scatter.add.f32 [tilespmem:s17], [sflag:$0x4], $0x80, s26, s16, $0xb8;
	[tilespmem:$0x1E000] =	vst v63  }
0x29: {  	_ =	swait.ge [sflag:s11], $0x4000  }
0x2a: {  	[sflag:s11] =	ssyncset.done $0x0  }
0x2b: {  	s28 =	sor.u32 $0x100, s23;
	[sflag:s11] =	ssyncadd.s32 $0xFFFFC000  }
0x2c: {  	[tilespmem:s17], [sflag:$0x1] =	stream.indirect.gather [hbm4b:s4+s16], $0x80, s28, s16, $0xb8;
	[tilespmem:$0x1E000] =	vst v63  }
0x2d: {  	_ =	swait.ge [sflag:s20], $0x4000  }
0x2e: {  	[sflag:s20] =	ssyncset.done $0x0  }
0x2f: {  	s29 =	sor.u32 $0x1080, s23;
	[sflag:s20] =	ssyncadd.s32 $0xFFFFC000  }
0x30: {  	[spmem:s2] =	stream.indirect.scatter.add.f32 [tilespmem:s18], [sflag:$0x4], $0x80, s29, s16, $0xb8;
	[tilespmem:$0x1E000] =	vst v63  }
0x31: {  	_ =	swait.ge [sflag:s11], $0x4000  }
0x32: {  	[sflag:s11] =	ssyncset.done $0x0  }
0x33: {  	s30 =	sor.u32 $0x180, s23;
	[sflag:s11] =	ssyncadd.s32 $0xFFFFC000  }
0x34: {  	[tilespmem:s18], [sflag:$0x2] =	stream.indirect.gather [hbm4b:s4+s16], $0x80, s30, s16, $0xb8;
	[tilespmem:$0x1E000] =	vst v63  }
0x35: {  	_ =	swait.ge [sflag:s19], $0x4000  }
0x36: {  	[sflag:s19] =	ssyncset.done $0x0  }
0x37: {  	s31 =	sor.u32 $0x1100, s23;
	[sflag:s19] =	ssyncadd.s32 $0xFFFFC000  }
0x38: {  	[spmem:s2] =	stream.indirect.scatter.add.f32 [tilespmem:s17], [sflag:$0x4], $0x80, s31, s16, $0xb8;
	[tilespmem:$0x1E000] =	vst v63  }
0x39: {  	_ =	swait.ge [sflag:s11], $0x4000  }
0x3a: {  	[sflag:s11] =	ssyncset.done $0x0  }
0x3b: {  	s25 =	sor.u32 $0x200, s23;
	[sflag:s11] =	ssyncadd.s32 $0xFFFFC000  }
0x3c: {  	[tilespmem:s17], [sflag:$0x1] =	stream.indirect.gather [hbm4b:s4+s16], $0x80, s25, s16, $0xb8;
	[tilespmem:$0x1E000] =	vst v63  }
0x3d: {  	_ =	swait.ge [sflag:s20], $0x4000  }
0x3e: {  	[sflag:s20] =	ssyncset.done $0x0  }
0x3f: {  	s26 =	sor.u32 $0x1180, s23;
	[sflag:s20] =	ssyncadd.s32 $0xFFFFC000  }
0x40: {  	[spmem:s2] =	stream.indirect.scatter.add.f32 [tilespmem:s18], [sflag:$0x4], $0x80, s26, s16, $0xb8;
	[tilespmem:$0x1E000] =	vst v63  }
0x41: {  	_ =	swait.ge [sflag:s11], $0x4000  }
0x42: {  	[sflag:s11] =	ssyncset.done $0x0  }
0x43: {  	s28 =	sor.u32 $0x280, s23;
	[sflag:s11] =	ssyncadd.s32 $0xFFFFC000  }
0x44: {  	[tilespmem:s18], [sflag:$0x2] =	stream.indirect.gather [hbm4b:s4+s16], $0x80, s28, s16, $0xb8;
	[tilespmem:$0x1E000] =	vst v63  }
0x45: {  	_ =	swait.ge [sflag:s19], $0x4000  }
0x46: {  	[sflag:s19] =	ssyncset.done $0x0  }
0x47: {  	s29 =	sor.u32 $0x1200, s23;
	[sflag:s19] =	ssyncadd.s32 $0xFFFFC000  }
0x48: {  	[spmem:s2] =	stream.indirect.scatter.add.f32 [tilespmem:s17], [sflag:$0x4], $0x80, s29, s16, $0xb8;
	[tilespmem:$0x1E000] =	vst v63  }
0x49: {  	_ =	swait.ge [sflag:s11], $0x4000  }
0x4a: {  	[sflag:s11] =	ssyncset.done $0x0  }
0x4b: {  	s30 =	sor.u32 $0x300, s23;
	[sflag:s11] =	ssyncadd.s32 $0xFFFFC000  }
0x4c: {  	[tilespmem:s17], [sflag:$0x1] =	stream.indirect.gather [hbm4b:s4+s16], $0x80, s30, s16, $0xb8;
	[tilespmem:$0x1E000] =	vst v63  }
0x4d: {  	_ =	swait.ge [sflag:s20], $0x4000  }
0x4e: {  	[sflag:s20] =	ssyncset.done $0x0  }
0x4f: {  	s31 =	sor.u32 $0x1280, s23;
	[sflag:s20] =	ssyncadd.s32 $0xFFFFC000  }
0x50: {  	[spmem:s2] =	stream.indirect.scatter.add.f32 [tilespmem:s18], [sflag:$0x4], $0x80, s31, s16, $0xb8;
	[tilespmem:$0x1E000] =	vst v63  }
0x51: {  	_ =	swait.ge [sflag:s11], $0x4000  }
0x52: {  	[sflag:s11] =	ssyncset.done $0x0  }
0x53: {  	s25 =	sor.u32 $0x380, s23;
	[sflag:s11] =	ssyncadd.s32 $0xFFFFC000  }
0x54: {  	[tilespmem:s18], [sflag:$0x2] =	stream.indirect.gather [hbm4b:s4+s16], $0x80, s25, s16, $0xb8;
	[tilespmem:$0x1E000] =	vst v63  }
0x55: {  	_ =	swait.ge [sflag:s19], $0x4000  }
0x56: {  	[sflag:s19] =	ssyncset.done $0x0  }
0x57: {  	s26 =	sor.u32 $0x1300, s23;
	[sflag:s19] =	ssyncadd.s32 $0xFFFFC000  }
0x58: {  	[spmem:s2] =	stream.indirect.scatter.add.f32 [tilespmem:s17], [sflag:$0x4], $0x80, s26, s16, $0xb8;
	[tilespmem:$0x1E000] =	vst v63  }
0x59: {  	_ =	swait.ge [sflag:s11], $0x4000  }
0x5a: {  	[sflag:s11] =	ssyncset.done $0x0  }
0x5b: {  	s28 =	sor.u32 $0x400, s23;
	[sflag:s11] =	ssyncadd.s32 $0xFFFFC000  }
0x5c: {  	[tilespmem:s17], [sflag:$0x1] =	stream.indirect.gather [hbm4b:s4+s16], $0x80, s28, s16, $0xb8;
	[tilespmem:$0x1E000] =	vst v63  }
0x5d: {  	_ =	swait.ge [sflag:s20], $0x4000  }
0x5e: {  	[sflag:s20] =	ssyncset.done $0x0  }
0x5f: {  	s29 =	sor.u32 $0x1380, s23;
	[sflag:s20] =	ssyncadd.s32 $0xFFFFC000  }
0x60: {  	[spmem:s2] =	stream.indirect.scatter.add.f32 [tilespmem:s18], [sflag:$0x4], $0x80, s29, s16, $0xb8;
	[tilespmem:$0x1E000] =	vst v63  }
0x61: {  	_ =	swait.ge [sflag:s11], $0x4000  }
0x62: {  	[sflag:s11] =	ssyncset.done $0x0  }
0x63: {  	s30 =	sor.u32 $0x480, s23;
	[sflag:s11] =	ssyncadd.s32 $0xFFFFC000  }
0x64: {  	[tilespmem:s18], [sflag:$0x2] =	stream.indirect.gather [hbm4b:s4+s16], $0x80, s30, s16, $0xb8;
	[tilespmem:$0x1E000] =	vst v63  }
0x65: {  	_ =	swait.ge [sflag:s19], $0x4000  }
0x66: {  	[sflag:s19] =	ssyncset.done $0x0  }
0x67: {  	s31 =	sor.u32 $0x1400, s23;
	[sflag:s19] =	ssyncadd.s32 $0xFFFFC000  }
0x68: {  	[spmem:s2] =	stream.indirect.scatter.add.f32 [tilespmem:s17], [sflag:$0x4], $0x80, s31, s16, $0xb8;
	[tilespmem:$0x1E000] =	vst v63  }
0x69: {  	_ =	swait.ge [sflag:s11], $0x4000  }
0x6a: {  	[sflag:s11] =	ssyncset.done $0x0  }
0x6b: {  	s25 =	sor.u32 $0x500, s23;
	[sflag:s11] =	ssyncadd.s32 $0xFFFFC000  }
0x6c: {  	[tilespmem:s17], [sflag:$0x1] =	stream.indirect.gather [hbm4b:s4+s16], $0x80, s25, s16, $0xb8;
	[tilespmem:$0x1E000] =	vst v63  }
0x6d: {  	_ =	swait.ge [sflag:s20], $0x4000  }
0x6e: {  	[sflag:s20] =	ssyncset.done $0x0  }
0x6f: {  	s26 =	sor.u32 $0x1480, s23;
	[sflag:s20] =	ssyncadd.s32 $0xFFFFC000  }
0x70: {  	[spmem:s2] =	stream.indirect.scatter.add.f32 [tilespmem:s18], [sflag:$0x4], $0x80, s26, s16, $0xb8;
	[tilespmem:$0x1E000] =	vst v63  }
0x71: {  	_ =	swait.ge [sflag:s11], $0x4000  }
0x72: {  	[sflag:s11] =	ssyncset.done $0x0  }
0x73: {  	s28 =	sor.u32 $0x580, s23;
	[sflag:s11] =	ssyncadd.s32 $0xFFFFC000  }
0x74: {  	[tilespmem:s18], [sflag:$0x2] =	stream.indirect.gather [hbm4b:s4+s16], $0x80, s28, s16, $0xb8;
	[tilespmem:$0x1E000] =	vst v63  }
0x75: {  	_ =	swait.ge [sflag:s19], $0x4000  }
0x76: {  	[sflag:s19] =	ssyncset.done $0x0  }
0x77: {  	s29 =	sor.u32 $0x1500, s23;
	[sflag:s19] =	ssyncadd.s32 $0xFFFFC000  }
0x78: {  	[spmem:s2] =	stream.indirect.scatter.add.f32 [tilespmem:s17], [sflag:$0x4], $0x80, s29, s16, $0xb8;
	[tilespmem:$0x1E000] =	vst v63  }
0x79: {  	_ =	swait.ge [sflag:s11], $0x4000  }
0x7a: {  	[sflag:s11] =	ssyncset.done $0x0  }
0x7b: {  	s30 =	sor.u32 $0x600, s23;
	[sflag:s11] =	ssyncadd.s32 $0xFFFFC000  }
0x7c: {  	[tilespmem:s17], [sflag:$0x1] =	stream.indirect.gather [hbm4b:s4+s16], $0x80, s30, s16, $0xb8;
	[tilespmem:$0x1E000] =	vst v63  }
0x7d: {  	_ =	swait.ge [sflag:s20], $0x4000  }
0x7e: {  	[sflag:s20] =	ssyncset.done $0x0  }
0x7f: {  	s31 =	sor.u32 $0x1580, s23;
	[sflag:s20] =	ssyncadd.s32 $0xFFFFC000  }
0x80: {  	[spmem:s2] =	stream.indirect.scatter.add.f32 [tilespmem:s18], [sflag:$0x4], $0x80, s31, s16, $0xb8;
	[tilespmem:$0x1E000] =	vst v63  }
0x81: {  	_ =	swait.ge [sflag:s11], $0x4000  }
0x82: {  	[sflag:s11] =	ssyncset.done $0x0  }
0x83: {  	s25 =	sor.u32 $0x680, s23;
	[sflag:s11] =	ssyncadd.s32 $0xFFFFC000  }
0x84: {  	[tilespmem:s18], [sflag:$0x2] =	stream.indirect.gather [hbm4b:s4+s16], $0x80, s25, s16, $0xb8;
	[tilespmem:$0x1E000] =	vst v63  }
0x85: {  	_ =	swait.ge [sflag:s19], $0x4000  }
0x86: {  	[sflag:s19] =	ssyncset.done $0x0  }
0x87: {  	s26 =	sor.u32 $0x1600, s23;
	[sflag:s19] =	ssyncadd.s32 $0xFFFFC000  }
0x88: {  	[spmem:s2] =	stream.indirect.scatter.add.f32 [tilespmem:s17], [sflag:$0x4], $0x80, s26, s16, $0xb8;
	[tilespmem:$0x1E000] =	vst v63  }
0x89: {  	_ =	swait.ge [sflag:s11], $0x4000  }
0x8a: {  	[sflag:s11] =	ssyncset.done $0x0  }
0x8b: {  	s28 =	sor.u32 $0x700, s23;
	[sflag:s11] =	ssyncadd.s32 $0xFFFFC000  }
0x8c: {  	[tilespmem:s17], [sflag:$0x1] =	stream.indirect.gather [hbm4b:s4+s16], $0x80, s28, s16, $0xb8;
	[tilespmem:$0x1E000] =	vst v63  }
0x8d: {  	_ =	swait.ge [sflag:s20], $0x4000  }
0x8e: {  	[sflag:s20] =	ssyncset.done $0x0  }
0x8f: {  	s29 =	sor.u32 $0x1680, s23;
	[sflag:s20] =	ssyncadd.s32 $0xFFFFC000  }
0x90: {  	[spmem:s2] =	stream.indirect.scatter.add.f32 [tilespmem:s18], [sflag:$0x4], $0x80, s29, s16, $0xb8;
	[tilespmem:$0x1E000] =	vst v63  }
0x91: {  	_ =	swait.ge [sflag:s11], $0x4000  }
0x92: {  	[sflag:s11] =	ssyncset.done $0x0  }
0x93: {  	s30 =	sor.u32 $0x780, s23;
	[sflag:s11] =	ssyncadd.s32 $0xFFFFC000  }
0x94: {  	[tilespmem:s18], [sflag:$0x2] =	stream.indirect.gather [hbm4b:s4+s16], $0x80, s30, s16, $0xb8;
	[tilespmem:$0x1E000] =	vst v63  }
0x95: {  	_ =	swait.ge [sflag:s19], $0x4000  }
0x96: {  	[sflag:s19] =	ssyncset.done $0x0  }
0x97: {  	s31 =	sor.u32 $0x1700, s23;
	[sflag:s19] =	ssyncadd.s32 $0xFFFFC000  }
0x98: {  	[spmem:s2] =	stream.indirect.scatter.add.f32 [tilespmem:s17], [sflag:$0x4], $0x80, s31, s16, $0xb8;
	[tilespmem:$0x1E000] =	vst v63  }
0x99: {  	_ =	swait.ge [sflag:s11], $0x4000  }
0x9a: {  	[sflag:s11] =	ssyncset.done $0x0  }
0x9b: {  	[sflag:s11] =	ssyncadd.s32 $0xFFFFC000  }
0x9c: {  	_ =	swait.ge [sflag:s20], $0x4000  }
0x9d: {  	[sflag:s20] =	ssyncset.done $0x0  }
0x9e: {  	s23 =	sor.u32 $0x1780, s23;
	[sflag:s20] =	ssyncadd.s32 $0xFFFFC000  }
0x9f: {  	[spmem:s2] =	stream.indirect.scatter.add.f32 [tilespmem:s18], [sflag:$0x4], $0x80, s23, s16, $0xb8;
	[tilespmem:$0x1E000] =	vst v63  }
0xa0: {  	s24 =	sadd.s32 $0x100, s14;
	_ =	swait.ge [sflag:s11], $0x4000  }
0xa1: {  	s25 =	smov.u32 s13;
	s23 =	simm.s32 $0x800;
	[sflag:s11] =	ssyncset.done $0x0  }
.LBB2_2:
0xa2: {  	[sflag:s11] =	ssyncadd.s32 $0xFFFFC000  }
0xa3: {  	s25 =	sadd.s32 $0x100, s25;
	s26 =	smov.u32 s23;
	s23 =	sadd.s32 $0x800, s23  }
0xa4: {  	_ =	swait.ge [sflag:s15], $0x800;
	p0 =	sne.s32 s23, $0x2800  }
0xa5: {  	[sflag:s15] =	ssyncset.done $0x0  }
0xa6: {  	[sflag:s15] =	ssyncadd.s32 $0xFFFFF800  }
0xa7: {  	p1 =	seq.s32 s26, $0x2000;
	_ =	swait.ge [sflag:s15], $0x800  }
0xa8: {  	s28 =	sxor.u32 @!p1 $0xFFFFFFFF, s26;
	[sflag:s15] =	ssyncset.done $0x0  }
0xa9: {  	s29 =	simm.s32 @!p1 $0x0;
	s28 =	sand.u32 @!p1 $0x800, s28;
	[sflag:s15] =	ssyncadd.s32 $0xFFFFF800  }
0xaa: {  	[tilespmem:s28], [sflag:$0x3] =	stream.linear.gather @!p1 [hbm4b:s24+s29], $0x800, $0x38;
	[tilespmem:$0x1E000] =	vst v63  }
0xab: {  	s28 =	sor.u32 @!p1 $0x1000, s28  }
0xac: {  	[tilespmem:s28], [sflag:$0x3] =	stream.linear.gather @!p1 [hbm4b:s25+s29], $0x800, $0x38;
	[tilespmem:$0x1E000] =	vst v63  }
0xad: {  	s26 =	sand.u32 $0x800, s26  }
0xae: {  	[tilespmem:s17], [sflag:$0x1] =	stream.indirect.gather [hbm4b:s4+s16], $0x80, s26, s16, $0xb8;
	[tilespmem:$0x1E000] =	vst v63  }
0xaf: {  	s28 =	sor.u32 $0x80, s26  }
0xb0: {  	[tilespmem:s18], [sflag:$0x2] =	stream.indirect.gather [hbm4b:s4+s16], $0x80, s28, s16, $0xb8;
	[tilespmem:$0x1E000] =	vst v63  }
0xb1: {  	_ =	swait.ge [sflag:s19], $0x4000  }
0xb2: {  	[sflag:s19] =	ssyncset.done $0x0  }
0xb3: {  	s28 =	sor.u32 $0x1000, s26;
	[sflag:s19] =	ssyncadd.s32 $0xFFFFC000  }
0xb4: {  	[spmem:s2] =	stream.indirect.scatter.add.f32 [tilespmem:s17], [sflag:$0x4], $0x80, s28, s16, $0xb8;
	[tilespmem:$0x1E000] =	vst v63  }
0xb5: {  	_ =	swait.ge [sflag:s11], $0x4000  }
0xb6: {  	[sflag:s11] =	ssyncset.done $0x0  }
0xb7: {  	s28 =	sor.u32 $0x100, s26;
	[sflag:s11] =	ssyncadd.s32 $0xFFFFC000  }
0xb8: {  	[tilespmem:s17], [sflag:$0x1] =	stream.indirect.gather [hbm4b:s4+s16], $0x80, s28, s16, $0xb8;
	[tilespmem:$0x1E000] =	vst v63  }
0xb9: {  	_ =	swait.ge [sflag:s20], $0x4000  }
0xba: {  	[sflag:s20] =	ssyncset.done $0x0  }
0xbb: {  	s28 =	sor.u32 $0x1080, s26;
	[sflag:s20] =	ssyncadd.s32 $0xFFFFC000  }
0xbc: {  	[spmem:s2] =	stream.indirect.scatter.add.f32 [tilespmem:s18], [sflag:$0x4], $0x80, s28, s16, $0xb8;
	[tilespmem:$0x1E000] =	vst v63  }
0xbd: {  	_ =	swait.ge [sflag:s11], $0x4000  }
0xbe: {  	[sflag:s11] =	ssyncset.done $0x0  }
0xbf: {  	s28 =	sor.u32 $0x180, s26;
	[sflag:s11] =	ssyncadd.s32 $0xFFFFC000  }
0xc0: {  	[tilespmem:s18], [sflag:$0x2] =	stream.indirect.gather [hbm4b:s4+s16], $0x80, s28, s16, $0xb8;
	[tilespmem:$0x1E000] =	vst v63  }
0xc1: {  	_ =	swait.ge [sflag:s19], $0x4000  }
0xc2: {  	[sflag:s19] =	ssyncset.done $0x0  }
0xc3: {  	s28 =	sor.u32 $0x1100, s26;
	[sflag:s19] =	ssyncadd.s32 $0xFFFFC000  }
0xc4: {  	[spmem:s2] =	stream.indirect.scatter.add.f32 [tilespmem:s17], [sflag:$0x4], $0x80, s28, s16, $0xb8;
	[tilespmem:$0x1E000] =	vst v63  }
0xc5: {  	_ =	swait.ge [sflag:s11], $0x4000  }
0xc6: {  	[sflag:s11] =	ssyncset.done $0x0  }
0xc7: {  	s28 =	sor.u32 $0x200, s26;
	[sflag:s11] =	ssyncadd.s32 $0xFFFFC000  }
0xc8: {  	[tilespmem:s17], [sflag:$0x1] =	stream.indirect.gather [hbm4b:s4+s16], $0x80, s28, s16, $0xb8;
	[tilespmem:$0x1E000] =	vst v63  }
0xc9: {  	_ =	swait.ge [sflag:s20], $0x4000  }
0xca: {  	[sflag:s20] =	ssyncset.done $0x0  }
0xcb: {  	s28 =	sor.u32 $0x1180, s26;
	[sflag:s20] =	ssyncadd.s32 $0xFFFFC000  }
0xcc: {  	[spmem:s2] =	stream.indirect.scatter.add.f32 [tilespmem:s18], [sflag:$0x4], $0x80, s28, s16, $0xb8;
	[tilespmem:$0x1E000] =	vst v63  }
0xcd: {  	_ =	swait.ge [sflag:s11], $0x4000  }
0xce: {  	[sflag:s11] =	ssyncset.done $0x0  }
0xcf: {  	s28 =	sor.u32 $0x280, s26;
	[sflag:s11] =	ssyncadd.s32 $0xFFFFC000  }
0xd0: {  	[tilespmem:s18], [sflag:$0x2] =	stream.indirect.gather [hbm4b:s4+s16], $0x80, s28, s16, $0xb8;
	[tilespmem:$0x1E000] =	vst v63  }
0xd1: {  	_ =	swait.ge [sflag:s19], $0x4000  }
0xd2: {  	[sflag:s19] =	ssyncset.done $0x0  }
0xd3: {  	s28 =	sor.u32 $0x1200, s26;
	[sflag:s19] =	ssyncadd.s32 $0xFFFFC000  }
0xd4: {  	[spmem:s2] =	stream.indirect.scatter.add.f32 [tilespmem:s17], [sflag:$0x4], $0x80, s28, s16, $0xb8;
	[tilespmem:$0x1E000] =	vst v63  }
0xd5: {  	_ =	swait.ge [sflag:s11], $0x4000  }
0xd6: {  	[sflag:s11] =	ssyncset.done $0x0  }
0xd7: {  	s28 =	sor.u32 $0x300, s26;
	[sflag:s11] =	ssyncadd.s32 $0xFFFFC000  }
0xd8: {  	[tilespmem:s17], [sflag:$0x1] =	stream.indirect.gather [hbm4b:s4+s16], $0x80, s28, s16, $0xb8;
	[tilespmem:$0x1E000] =	vst v63  }
0xd9: {  	_ =	swait.ge [sflag:s20], $0x4000  }
0xda: {  	[sflag:s20] =	ssyncset.done $0x0  }
0xdb: {  	s28 =	sor.u32 $0x1280, s26;
	[sflag:s20] =	ssyncadd.s32 $0xFFFFC000  }
0xdc: {  	[spmem:s2] =	stream.indirect.scatter.add.f32 [tilespmem:s18], [sflag:$0x4], $0x80, s28, s16, $0xb8;
	[tilespmem:$0x1E000] =	vst v63  }
0xdd: {  	_ =	swait.ge [sflag:s11], $0x4000  }
0xde: {  	[sflag:s11] =	ssyncset.done $0x0  }
0xdf: {  	s28 =	sor.u32 $0x380, s26;
	[sflag:s11] =	ssyncadd.s32 $0xFFFFC000  }
0xe0: {  	[tilespmem:s18], [sflag:$0x2] =	stream.indirect.gather [hbm4b:s4+s16], $0x80, s28, s16, $0xb8;
	[tilespmem:$0x1E000] =	vst v63  }
0xe1: {  	_ =	swait.ge [sflag:s19], $0x4000  }
0xe2: {  	[sflag:s19] =	ssyncset.done $0x0  }
0xe3: {  	s28 =	sor.u32 $0x1300, s26;
	[sflag:s19] =	ssyncadd.s32 $0xFFFFC000  }
0xe4: {  	[spmem:s2] =	stream.indirect.scatter.add.f32 [tilespmem:s17], [sflag:$0x4], $0x80, s28, s16, $0xb8;
	[tilespmem:$0x1E000] =	vst v63  }
0xe5: {  	_ =	swait.ge [sflag:s11], $0x4000  }
0xe6: {  	[sflag:s11] =	ssyncset.done $0x0  }
0xe7: {  	s28 =	sor.u32 $0x400, s26;
	[sflag:s11] =	ssyncadd.s32 $0xFFFFC000  }
0xe8: {  	[tilespmem:s17], [sflag:$0x1] =	stream.indirect.gather [hbm4b:s4+s16], $0x80, s28, s16, $0xb8;
	[tilespmem:$0x1E000] =	vst v63  }
0xe9: {  	_ =	swait.ge [sflag:s20], $0x4000  }
0xea: {  	[sflag:s20] =	ssyncset.done $0x0  }
0xeb: {  	s28 =	sor.u32 $0x1380, s26;
	[sflag:s20] =	ssyncadd.s32 $0xFFFFC000  }
0xec: {  	[spmem:s2] =	stream.indirect.scatter.add.f32 [tilespmem:s18], [sflag:$0x4], $0x80, s28, s16, $0xb8;
	[tilespmem:$0x1E000] =	vst v63  }
0xed: {  	_ =	swait.ge [sflag:s11], $0x4000  }
0xee: {  	[sflag:s11] =	ssyncset.done $0x0  }
0xef: {  	s28 =	sor.u32 $0x480, s26;
	[sflag:s11] =	ssyncadd.s32 $0xFFFFC000  }
0xf0: {  	[tilespmem:s18], [sflag:$0x2] =	stream.indirect.gather [hbm4b:s4+s16], $0x80, s28, s16, $0xb8;
	[tilespmem:$0x1E000] =	vst v63  }
0xf1: {  	_ =	swait.ge [sflag:s19], $0x4000  }
0xf2: {  	[sflag:s19] =	ssyncset.done $0x0  }
0xf3: {  	s28 =	sor.u32 $0x1400, s26;
	[sflag:s19] =	ssyncadd.s32 $0xFFFFC000  }
0xf4: {  	[spmem:s2] =	stream.indirect.scatter.add.f32 [tilespmem:s17], [sflag:$0x4], $0x80, s28, s16, $0xb8;
	[tilespmem:$0x1E000] =	vst v63  }
0xf5: {  	_ =	swait.ge [sflag:s11], $0x4000  }
0xf6: {  	[sflag:s11] =	ssyncset.done $0x0  }
0xf7: {  	s28 =	sor.u32 $0x500, s26;
	[sflag:s11] =	ssyncadd.s32 $0xFFFFC000  }
0xf8: {  	[tilespmem:s17], [sflag:$0x1] =	stream.indirect.gather [hbm4b:s4+s16], $0x80, s28, s16, $0xb8;
	[tilespmem:$0x1E000] =	vst v63  }
0xf9: {  	_ =	swait.ge [sflag:s20], $0x4000  }
0xfa: {  	[sflag:s20] =	ssyncset.done $0x0  }
0xfb: {  	s28 =	sor.u32 $0x1480, s26;
	[sflag:s20] =	ssyncadd.s32 $0xFFFFC000  }
0xfc: {  	[spmem:s2] =	stream.indirect.scatter.add.f32 [tilespmem:s18], [sflag:$0x4], $0x80, s28, s16, $0xb8;
	[tilespmem:$0x1E000] =	vst v63  }
0xfd: {  	_ =	swait.ge [sflag:s11], $0x4000  }
0xfe: {  	[sflag:s11] =	ssyncset.done $0x0  }
0xff: {  	s28 =	sor.u32 $0x580, s26;
	[sflag:s11] =	ssyncadd.s32 $0xFFFFC000  }
0x100: {  	[tilespmem:s18], [sflag:$0x2] =	stream.indirect.gather [hbm4b:s4+s16], $0x80, s28, s16, $0xb8;
	[tilespmem:$0x1E000] =	vst v63  }
0x101: {  	_ =	swait.ge [sflag:s19], $0x4000  }
0x102: {  	[sflag:s19] =	ssyncset.done $0x0  }
0x103: {  	s28 =	sor.u32 $0x1500, s26;
	[sflag:s19] =	ssyncadd.s32 $0xFFFFC000  }
0x104: {  	[spmem:s2] =	stream.indirect.scatter.add.f32 [tilespmem:s17], [sflag:$0x4], $0x80, s28, s16, $0xb8;
	[tilespmem:$0x1E000] =	vst v63  }
0x105: {  	_ =	swait.ge [sflag:s11], $0x4000  }
0x106: {  	[sflag:s11] =	ssyncset.done $0x0  }
0x107: {  	s28 =	sor.u32 $0x600, s26;
	[sflag:s11] =	ssyncadd.s32 $0xFFFFC000  }
0x108: {  	[tilespmem:s17], [sflag:$0x1] =	stream.indirect.gather [hbm4b:s4+s16], $0x80, s28, s16, $0xb8;
	[tilespmem:$0x1E000] =	vst v63  }
0x109: {  	_ =	swait.ge [sflag:s20], $0x4000  }
0x10a: {  	[sflag:s20] =	ssyncset.done $0x0  }
0x10b: {  	s28 =	sor.u32 $0x1580, s26;
	[sflag:s20] =	ssyncadd.s32 $0xFFFFC000  }
0x10c: {  	[spmem:s2] =	stream.indirect.scatter.add.f32 [tilespmem:s18], [sflag:$0x4], $0x80, s28, s16, $0xb8;
	[tilespmem:$0x1E000] =	vst v63  }
0x10d: {  	_ =	swait.ge [sflag:s11], $0x4000  }
0x10e: {  	[sflag:s11] =	ssyncset.done $0x0  }
0x10f: {  	s28 =	sor.u32 $0x680, s26;
	[sflag:s11] =	ssyncadd.s32 $0xFFFFC000  }
0x110: {  	[tilespmem:s18], [sflag:$0x2] =	stream.indirect.gather [hbm4b:s4+s16], $0x80, s28, s16, $0xb8;
	[tilespmem:$0x1E000] =	vst v63  }
0x111: {  	_ =	swait.ge [sflag:s19], $0x4000  }
0x112: {  	[sflag:s19] =	ssyncset.done $0x0  }
0x113: {  	s28 =	sor.u32 $0x1600, s26;
	[sflag:s19] =	ssyncadd.s32 $0xFFFFC000  }
0x114: {  	[spmem:s2] =	stream.indirect.scatter.add.f32 [tilespmem:s17], [sflag:$0x4], $0x80, s28, s16, $0xb8;
	[tilespmem:$0x1E000] =	vst v63  }
0x115: {  	_ =	swait.ge [sflag:s11], $0x4000  }
0x116: {  	[sflag:s11] =	ssyncset.done $0x0  }
0x117: {  	s28 =	sor.u32 $0x700, s26;
	[sflag:s11] =	ssyncadd.s32 $0xFFFFC000  }
0x118: {  	[tilespmem:s17], [sflag:$0x1] =	stream.indirect.gather [hbm4b:s4+s16], $0x80, s28, s16, $0xb8;
	[tilespmem:$0x1E000] =	vst v63  }
0x119: {  	_ =	swait.ge [sflag:s20], $0x4000  }
0x11a: {  	[sflag:s20] =	ssyncset.done $0x0  }
0x11b: {  	s28 =	sor.u32 $0x1680, s26;
	[sflag:s20] =	ssyncadd.s32 $0xFFFFC000  }
0x11c: {  	[spmem:s2] =	stream.indirect.scatter.add.f32 [tilespmem:s18], [sflag:$0x4], $0x80, s28, s16, $0xb8;
	[tilespmem:$0x1E000] =	vst v63  }
0x11d: {  	_ =	swait.ge [sflag:s11], $0x4000  }
0x11e: {  	[sflag:s11] =	ssyncset.done $0x0  }
0x11f: {  	s28 =	sor.u32 $0x780, s26;
	[sflag:s11] =	ssyncadd.s32 $0xFFFFC000  }
0x120: {  	[tilespmem:s18], [sflag:$0x2] =	stream.indirect.gather [hbm4b:s4+s16], $0x80, s28, s16, $0xb8;
	[tilespmem:$0x1E000] =	vst v63  }
0x121: {  	_ =	swait.ge [sflag:s19], $0x4000  }
0x122: {  	[sflag:s19] =	ssyncset.done $0x0  }
0x123: {  	s28 =	sor.u32 $0x1700, s26;
	[sflag:s19] =	ssyncadd.s32 $0xFFFFC000  }
0x124: {  	[spmem:s2] =	stream.indirect.scatter.add.f32 [tilespmem:s17], [sflag:$0x4], $0x80, s28, s16, $0xb8;
	[tilespmem:$0x1E000] =	vst v63  }
0x125: {  	_ =	swait.ge [sflag:s11], $0x4000  }
0x126: {  	[sflag:s11] =	ssyncset.done $0x0  }
0x127: {  	[sflag:s11] =	ssyncadd.s32 $0xFFFFC000  }
0x128: {  	_ =	swait.ge [sflag:s20], $0x4000  }
.Ltmp0:
0x129: {  	[sflag:s20] =	ssyncset.done $0x0;
	(pc) =	sbr.rel @p0 .LBB2_2-.Ltmp0, $4  }
0x12a: {  	s26 =	sor.u32 $0x1780, s26;
	[sflag:s20] =	ssyncadd.s32 $0xFFFFC000  }
0x12b: {  	[spmem:s2] =	stream.indirect.scatter.add.f32 [tilespmem:s18], [sflag:$0x4], $0x80, s26, s16, $0xb8;
	[tilespmem:$0x1E000] =	vst v63  }
0x12c: {  	_ =	swait.ge [sflag:s11], $0x4000  }
0x12d: {  	s24 =	sadd.s32 $0x100, s24;
	[sflag:s11] =	ssyncset.done $0x0  }
0x12e: {  	s22 =	sadd.s32 $0x1, s22  }
0x12f: {  	[sflag:s11] =	ssyncadd.s32 $0xFFFFC000;
	p0 =	sne.s32 s22, s9  }
.Ltmp1:
0x130: {  	[bflag:$0x0] =	sbarrier.arrive $0xFFFF;
	(pc) =	sbr.rel @p0 .LBB2_1-.Ltmp1, $4  }
0x131: {  	[hbm:s21], [sflag:s6] =	dma.local [spmem:s10], $0x2800  }
0x132: {  	_ =	swait.ge [sflag:s11], $0x2800  }
0x133: {  	[sflag:s11] =	ssyncset.done $0x0  }
0x134: {  	[sflag:s11] =	ssyncadd.s32 $0xFFFFD800  }
0x135: {  	_ =	sfence.sel $0x180000  }
0x136: {  	[bflag:$0x0] =	sbarrier.arrive $0xFFFF  }
0x137: {  	p0 =	sne.s32 s0, $0x0;
	_ =	strace $0x9000004D  }
0x138: {  	s0 =	sadd.s32 @!p0 $0x100000, s1;
	[bflag:$0x2] =	sbarrier.arrive $0xFFFF  }
0x139: {  	[sflag:s0] =	ssyncadd.tile.s32 @!p0 $0x1;
	_ =	shalt  }
.Lfunc_end2:
_tile_overlayer_lowered:
.L_overlay_start_2:
0x13a: {  	(tag) =	ssettag $0x2  }
0x13b: {  	s0 =	rddreg [dreg:$0x0];
	s2 =	stileid.u32  }
0x13c: {  	s1 =	rddreg [dreg:$0x1];
	p0 =	sne.s32 s2, $0x0  }
0x13d: {  	s3 =	rddreg [dreg:$0x2];
	[bflag:$0x3] =	sbarrier.arrive $0xFFFF;
	s2 =	simm.s32 @!p0 $0x1C04  }
0x13e: {  	[timem:s3], [sflag:s2] =	dma.local @!p0 [hbm:s0], s1  }
0x13f: {  	s0 =	simm.s32 @!p0 $0x4  }
0x140: {  	_ =	swait.ge @!p0 [sflag:s0], s1  }
0x141: {  	s1 =	ssub.s32 @!p0 $0x0, s1;
	[sflag:s0] =	ssyncset.done @!p0 $0x0  }
0x142: {  	[sflag:s0] =	ssyncadd.s32 @!p0 s1  }
0x143: {  	[bflag:$0x3] =	sbarrier.arrive $0xFFFF  }
0x144: {  	_ =	shalt  }

// kernel: kernel.8.cloned.1.call-start
scs
__scs_entry_jumppad:
0x0: {  	(pc) =	sbr.rel $0x88, $3  }
0x1: {  	(tag) =	ssettag $0x0;
	lr =	simm.s32 $0x1  }
0x2: {  	[smem:$0x3F9B] =	sst lr;
	_ =	strace $0xD0000000  }
0x3: {  	_ = 	snop  }
0x4: {  	_ = 	snop  }
0x5: {  	_ = 	snop  }
0x6: {  	_ = 	snop  }
0x7: {  	_ = 	snop  }
__scs_overlays_trampoline_lowered:
0x8: {  	[smem:$0x3FAA] =	sst s0  }
0x9: {  	[smem:$0x3FAB] =	sst s1  }
0xa: {  	[smem:$0x3FAC] =	sst s2  }
0xb: {  	[smem:$0x3FAD] =	sst s3  }
0xc: {  	[smem:$0x3FAE] =	sst s4  }
0xd: {  	[smem:$0x3FAF] =	sst s5  }
0xe: {  	[smem:$0x3FB0] =	sst s6  }
0xf: {  	[smem:$0x3FB1] =	sst s7  }
0x10: {  	[smem:$0x3FB2] =	sst s8  }
0x11: {  	[smem:$0x3FB3] =	sst s9;
	s0 =	simm.s32 @!p0 $0x0  }
0x12: {  	s1 =	sld [smem:$0x3F99];
	s0 =	simm.s32 @p0 $0x1  }
0x13: {  	[smem:$0x3FB4] =	sst s0;
	s0 =	simm.s32 @!p1 $0x0  }
0x14: {  	s2 =	sld [smem:$0x3F98];
	s0 =	simm.s32 @p1 $0x1  }
0x15: {  	[smem:$0x3FB5] =	sst s0;
	s0 =	simm.s32 @!p2 $0x0  }
0x16: {  	s3 =	sld [smem:$0x3FDB];
	s0 =	simm.s32 @p2 $0x1  }
0x17: {  	s4 =	simm.s32 $0x1BF5;
	[smem:$0x3FB7] =	sst s0  }
0x18: {  	s0 =	sld [smem:$0x3F9A];
	_ =	swait.ge [sflag:s4], $0x0  }
0x19: {  	s7 =	sld [smem:$0x3F9B]  }
0x1a: {  	s8 =	sadd.s32 $0xFFFFE003, lr  }
0x1b: {  	s9 =	sadd.s32 $0xFFFFFEF7, lr;
	s5 =	simm.s32 $0xFFFFFFFF;
	p2 =	slt.u32 s8, $0xFFFFF086  }
0x1c: {  	p1 =	slt.u32 s9, $0xF7A;
	s5 =	simm.s32 @!p2 $0x0  }
0x1d: {  	s5 =	simm.s32 @p1 $0x1;
	p0 =	seq.s32 s7, s2  }
0x1e: {  	s7 =	smul.u32 @!p0 $0xF7A, s2;
	p2 =	seq.s32 @!p0 s5, $0x0  }
0x1f: {  	s9 =	smul.u32 $0xF7A, s1;
	s8 =	simm.s32 @!p0 $0x1BF5;
	p2 =	por !p2, p0  }
0x20: {  	[sflag:s8] =	ssyncset.s32 @!p0 $0xFFFFF086;
	s6 =	sadd.s32 @!p0 s3, s7;
	s7 =	simm.s32 @!p0 $0x108  }
0x21: {  	s3 =	sadd.s32 s3, s9;
	s6 =	sadd.s32 @!p0 $0x88, s6;
	s7 =	simm.s32 @p2 $0x1082  }
0x22: {  	[simem:s7], [sflag:s8] =	dma.local @!p0 [hbm:s6], $0xF7A  }
0x23: {  	s9 =	sor.u32 $0xD0000000, s2;
	s6 =	simm.s32 $0x108;
	_ =	swait.ge @!p0 [sflag:s8], $0x0  }
0x24: {  	s3 =	sadd.s32 $0x88, s3;
	s6 =	simm.s32 @!p1 $0x1082;
	[sflag:s4] =	ssyncset.s32 $0xFFFFF086  }
0x25: {  	[simem:s6], [sflag:s4] =	dma.local [hbm:s3], $0xF7A  }
0x26: {  	[smem:$0x3F9B] =	sst s1;
	(tag) =	ssettag s2;
	_ =	strace s9  }
0x27: {  	s1 =	sld [smem:$0x3FAB]  }
0x28: {  	s2 =	sld [smem:$0x3FAC]  }
0x29: {  	s4 =	sld [smem:$0x3FAE]  }
0x2a: {  	p0 =	seq.s32 s5, $0x0;
	s5 =	sld [smem:$0x3FAF]  }
0x2b: {  	s6 =	sld [smem:$0x3FB0]  }
0x2c: {  	s7 =	sld [smem:$0x3FB1]  }
0x2d: {  	s3 =	simm.s32 $0x108;
	s8 =	sld [smem:$0x3FB2]  }
0x2e: {  	s3 =	simm.s32 @!p0 $0x1082;
	s9 =	sld [smem:$0x3FB3]  }
0x2f: {  	lr =	sadd.s32 s0, s3;
	s0 =	sld [smem:$0x3FAA]  }
0x30: {  	s3 =	sld [smem:$0x3FAD]  }
0x31: {  	[smem:$0x3FB6] =	sst s10  }
0x32: {  	s10 =	sld [smem:$0x3FB4];
	_ =	sdelay $0x3  }
0x33: {  	p0 =	seq.s32 s10, $0x1;
	s10 =	sld [smem:$0x3FB6];
	_ =	sdelay $0x3  }
0x34: {  	[smem:$0x3FB6] =	sst s10  }
0x35: {  	s10 =	sld [smem:$0x3FB5];
	_ =	sdelay $0x3  }
0x36: {  	p1 =	seq.s32 s10, $0x1;
	s10 =	sld [smem:$0x3FB6];
	_ =	sdelay $0x3  }
0x37: {  	[smem:$0x3FB6] =	sst s10  }
0x38: {  	s10 =	sld [smem:$0x3FB7]  }
0x39: {  	_ = 	snop;
	(pc) =	sbr.ind lr, $3  }
0x3a: {  	_ = 	snop  }
0x3b: {  	_ = 	snop  }
0x3c: {  	p2 =	seq.s32 s10, $0x1;
	s10 =	sld [smem:$0x3FB6]  }
0x3d: {  	_ =	shalt  }
0x3e: {  	_ =	shalt  }
0x3f: {  	_ =	shalt  }
0x40: {  	_ =	shalt  }
0x41: {  	_ =	shalt  }
0x42: {  	_ =	shalt  }
0x43: {  	_ =	shalt  }
0x44: {  	_ =	shalt  }
0x45: {  	_ =	shalt  }
0x46: {  	_ =	shalt  }
0x47: {  	_ =	shalt  }
0x48: {  	_ =	shalt  }
0x49: {  	_ =	shalt  }
0x4a: {  	_ =	shalt  }
0x4b: {  	_ =	shalt  }
0x4c: {  	_ =	shalt  }
0x4d: {  	_ =	shalt  }
0x4e: {  	_ =	shalt  }
0x4f: {  	_ =	shalt  }
0x50: {  	_ =	shalt  }
0x51: {  	_ =	shalt  }
0x52: {  	_ =	shalt  }
0x53: {  	_ =	shalt  }
0x54: {  	_ =	shalt  }
0x55: {  	_ =	shalt  }
0x56: {  	_ =	shalt  }
0x57: {  	_ =	shalt  }
0x58: {  	_ =	shalt  }
0x59: {  	_ =	shalt  }
0x5a: {  	_ =	shalt  }
0x5b: {  	_ =	shalt  }
0x5c: {  	_ =	shalt  }
0x5d: {  	_ =	shalt  }
0x5e: {  	_ =	shalt  }
0x5f: {  	_ =	shalt  }
0x60: {  	_ =	shalt  }
0x61: {  	_ =	shalt  }
0x62: {  	_ =	shalt  }
0x63: {  	_ =	shalt  }
0x64: {  	_ =	shalt  }
0x65: {  	_ =	shalt  }
0x66: {  	_ =	shalt  }
0x67: {  	_ =	shalt  }
0x68: {  	_ =	shalt  }
0x69: {  	_ =	shalt  }
0x6a: {  	_ =	shalt  }
0x6b: {  	_ =	shalt  }
0x6c: {  	_ =	shalt  }
0x6d: {  	_ =	shalt  }
0x6e: {  	_ =	shalt  }
0x6f: {  	_ =	shalt  }
0x70: {  	_ =	shalt  }
0x71: {  	_ =	shalt  }
0x72: {  	_ =	shalt  }
0x73: {  	_ =	shalt  }
0x74: {  	_ =	shalt  }
0x75: {  	_ =	shalt  }
0x76: {  	_ =	shalt  }
0x77: {  	_ =	shalt  }
0x78: {  	_ =	shalt  }
0x79: {  	_ =	shalt  }
0x7a: {  	_ =	shalt  }
0x7b: {  	_ =	shalt  }
0x7c: {  	_ =	shalt  }
0x7d: {  	_ =	shalt  }
0x7e: {  	_ =	shalt  }
0x7f: {  	_ =	shalt  }
0x80: {  	_ =	shalt  }
0x81: {  	_ =	shalt  }
0x82: {  	_ =	shalt  }
0x83: {  	_ =	shalt  }
0x84: {  	_ =	shalt  }
0x85: {  	_ =	shalt  }
0x86: {  	_ =	shalt  }
0x87: {  	_ =	shalt  }
.Lfunc_end0:
.L_simem_size_0:
called_computation_lowered:
.L_overlay_start_0:
0x88: {  	s2 =	sld [smem:$0x3FD9]  }
0x89: {  	s3 =	sld [smem:$0x3FFE];
	_ =	sdelay $0x1  }
0x8a: {  	s1 =	srdreg.scid  }
0x8b: {  	s0 =	sand.u32 $0x1, s1  }
0x8c: {  	s17 =	sshll.u32 s0, $0xA;
	s2 =	sadd.s32 s3, s2  }
0x8d: {  	s2 =	sadd.s32 s2, s17  }
0x8e: {  	[smem:$0x3FC2] =	sst s2  }
0x8f: {  	_ = 	snop  }
0x90: {  	s2 =	sld [smem:$0x3FD0];
	(tm) =	ssettm $0x1  }
0x91: {  	s18 =	sld [smem:$0x3FFB];
	_ =	sdelay $0x3  }
0x92: {  	_ =	strace s18  }
0x93: {  	s3 =	sld [smem:$0x3FFC];
	_ =	sdelay $0x3  }
0x94: {  	_ =	strace s3  }
0x95: {  	s3 =	sld [smem:$0x3FFD];
	_ =	sdelay $0x3  }
0x96: {  	_ =	strace s3  }
0x97: {  	_ =	strace $0x8FFFFFFF  }
0x98: {  	s19 =	sld [smem:$0x3FDB];
	_ =	sdelay $0x1  }
0x99: {  	s4 =	simm.s32 $_scs_section_size  }
0x9a: {  	s5 =	simm.s32 $_size__tile_overlayer_lowered;
	s6 =	simm.s32 $_tile_overlayer_lowered  }
0x9b: {  	s22 =	simm.s32 $0x1BFF;
	s21 =	sshll.u32 s6, $0x1;
	s3 =	sadd.s32 s4, s19  }
0x9c: {  	s7 =	simm.s32 $0x0;
	s20 =	sshll.u32 s5, $0x1;
	s5 =	sadd.s32 s21, s3  }
0x9d: {  	[timem:s7], [sflag:s22] =	dma.local [hbm:s5], s20  }
0x9e: {  	_ =	swait.ge [sflag:s22], s20  }
0x9f: {  	s4 =	ssub.s32 $0x0, s20;
	[sflag:s22] =	ssyncset.done $0x0  }
0xa0: {  	[sflag:s22] =	ssyncadd.s32 s4;
	_ =	sdelay $0x1  }
0xa1: {  	s23 =	simm.s32 $0x1B8B  }
0xa2: {  	_ =	swait.ge [sflag:s23], $0x1  }
0xa3: {  	[sflag:s23] =	ssyncset.done $0x0  }
0xa4: {  	s25 =	simm.s32 $0x1B8E;
	s24 =	sld [smem:$0x3FFE];
	[sflag:s23] =	ssyncadd.s32 $0xFFFFFFFF  }
0xa5: {  	s26 =	simm.s32 $execute0_lowered;
	[smem:$0x3FD2] =	sst s25  }
0xa6: {  	s5 =	sshll.u32 s26, $0x1;
	_ =	strace $0x80000046;
	[dreg:$0x1] =	wrdreg $0xFFFFFFFF  }
0xa7: {  	s28 =	simm.s32 $_size_execute0_lowered;
	s3 =	sadd.s32 s3, s5;
	[dreg:$0x0] =	wrdreg $0x0  }
0xa8: {  	s5 =	sshll.u32 s28, $0x1;
	[dreg:$0x2] =	wrdreg s3  }
0xa9: {  	[dreg:$0x3] =	wrdreg s5  }
0xaa: {  	[dreg:$0x4] =	wrdreg $0xC0  }
0xab: {  	_ =	task [dreg:s7], $0x5FFFF  }
0xac: {  	[dreg:$0x1] =	wrdreg $0xFFFFFFFF  }
0xad: {  	[dreg:$0x0] =	wrdreg $0x60  }
0xae: {  	[dreg:$0x2] =	wrdreg s2  }
0xaf: {  	[dreg:$0x3] =	wrdreg s24  }
0xb0: {  	[dreg:$0x4] =	wrdreg $0xD0800  }
0xb1: {  	[dreg:$0x5] =	wrdreg $0xD4800  }
0xb2: {  	[dreg:$0x6] =	wrdreg $0x9  }
0xb3: {  	_ =	task.clear_ibuf [dreg:s7], $0x7FFFF;
	_ =	strace $0x90000046  }
0xb4: {  	s29 =	simm.s32 $0x9;
	_ =	strace $0x80000048  }
0xb5: {  	_ =	swait.ge [sflag:s29], $0x1  }
0xb6: {  	[sflag:s29] =	ssyncadd.s32 $0xFFFFFFFF  }
0xb7: {  	_ =	strace $0x90000048  }
0xb8: {  	_ =	sfence  }
0xb9: {  	s30 =	sld [smem:$0x0];
	_ =	sdelay $0x2  }
0xba: {  	s31 =	sshll.u32 s1, $0xD;
	s1 =	sshrl.u32 s1, $0x2  }
0xbb: {  	s3 =	sand.u32 $0x4000, s31;
	s1 =	sadd.s32 s1, s30  }
0xbc: {  	s0 =	sor.u32 s3, s0;
	s1 =	sshll.u32 s1, $0x11  }
0xbd: {  	s0 =	sor.u32 s1, s0  }
0xbe: {  	s0 =	sadd.s32 $0x8F2B, s0  }
0xbf: {  	[sflag:s0] =	ssyncadd.remote.s32 $0x1  }
0xc0: {  	_ =	sfence.sel $0xFFFF  }
0xc1: {  	[dreg:$0x0] =	wrdreg $0xFFFFFFFF;
	(pc) =	sbr.abs _section_cstart, $3  }
0xc2: {  	[dreg:$0x1] =	wrdreg $0xFFFFFFFF  }
0xc3: {  	_ =	task.clear_ibuf [dreg:s7], $0x2FFFF;
	_ =	strace $0x9FFFFFFF  }
0xc4: {  	(tm) =	ssettm $0x7FFFFFFF  }
0xc5: {  	_ =	shalt  }
tec
execute0_lowered:
.L_overlay_start_1:
0x0: {  	(tag) =	ssettag $0x1  }
0x1: {  	s8 =	rddreg [dreg:$0x0]  }
0x2: {  	s9 =	rddreg [dreg:$0x1]  }
0x3: {  	s2 =	rddreg [dreg:$0x2]  }
0x4: {  	s0 =	srdreg.scid;
	s3 =	rddreg [dreg:$0x3]  }
0x5: {  	s4 =	simm.s32 $0x0;
	s18 =	simm.s32 $0x80;
	s19 =	simm.s32 $0x400  }
0x6: {  	s20 =	simm.s32 $0x2800;
	s7 =	sand.u32 $0x1, s0;
	s0 =	stileid.u32  }
0x7: {  	[smem:$0x7FF] =	sst s4;
	s1 =	sshll.u32 s7, $0x4;
	s22 =	sshll.u32 s0, $0x7  }
0x8: {  	s12 =	ssub.s32 $0x2, s7;
	s7 =	sshll.u32 s7, $0xB;
	s14 =	sshll.u32 s0, $0xA  }
0x9: {  	s31 =	sshll.u32 s0, $0x6;
	s1 =	sor.u32 s0, s1;
	s6 =	sand.u32 $0x380, s22  }
0xa: {  	s13 =	sshrl.u32 s12, $0x1;
	s15 =	sadd.s32 s7, s9;
	s16 =	sadd.s32 s14, s2  }
0xb: {  	s17 =	sadd.s32 s14, s3;
	s14 =	sor.u32 $0x1C01, s31;
	s1 =	sshrl.u32 s1, $0x3  }
0xc: {  	s12 =	ssub.s32 s12, s13;
	s21 =	sadd.s32 $0x48800, s15;
	s23 =	sadd.s32 $0x49800, s15  }
0xd: {  	s13 =	simm.s32 $0x9000;
	s15 =	sshrl.u32 s16, $0x3;
	s5 =	smul.u32 $0x14000, s1  }
0xe: {  	s16 =	sshrl.u32 s17, $0x3;
	s17 =	simm.s32 $0xD000;
	s1 =	rddreg [dreg:$0x4]  }
0xf: {  	_ =	strace $0x80000047;
	s21 =	sadd.s32 s22, s21;
	s5 =	sor.u32 s6, s5  }
0x10: {  	s6 =	sadd.s32 $0x20800, s9;
	s10 =	sshrl.u32 s5, $0x3;
	s5 =	sadd.s32 $0x20600, s9  }
0x11: {  	s7 =	sadd.s32 s6, s22;
	s22 =	sadd.s32 s22, s23;
	s23 =	simm.s32 $0x0  }
0x12: {  	s11 =	sadd.s32 s10, s9;
	s8 =	sadd.s32 s8, s10;
	s10 =	smax.u32 s12, $0x1  }
0x13: {  	v0 =	vimm.f32 $1.000000000e+00;
	s12 =	simm.s32 $0x1;
	s9 =	sadd.s32 $0x16600, s11;
	s11 =	simm.s32 $0x5000  }
.LBB2_1:
0x14: {  	[tilespmem:s11], [sflag:$0x1] =	stream.linear.gather [hbm4b:s6+s4], $0x4000, $0x38;
	[tilespmem:$0xD880] =	vst v63  }
0x15: {  	_ =	swait.ge [sflag:s12], $0x4000  }
0x16: {  	[sflag:s12] =	ssyncset.done $0x0  }
0x17: {  	[sflag:s12] =	ssyncadd.s32 $0xFFFFC000  }
0x18: {  	[tilespmem:s13], [sflag:$0x1] =	stream.linear.gather [hbm4b:s6+s4], $0x4000, $0x38;
	[tilespmem:$0xD880] =	vst v63  }
0x19: {  	_ =	swait.ge [sflag:s12], $0x4000  }
0x1a: {  	[sflag:s12] =	ssyncset.done $0x0  }
0x1b: {  	[sflag:s12] =	ssyncadd.s32 $0xFFFFC000  }
0x1c: {  	[spmem:s15], [sflag:s14] =	dma.local [hbm:s7], $0x80  }
0x1d: {  	_ =	swait.ge [sflag:s12], $0x80  }
0x1e: {  	[sflag:s12] =	ssyncset.done $0x0  }
0x1f: {  	[sflag:s12] =	ssyncadd.s32 $0xFFFFFF80  }
0x20: {  	[spmem:s16], [sflag:s14] =	dma.local [hbm:s7], $0x80  }
0x21: {  	_ =	swait.ge [sflag:s12], $0x80  }
0x22: {  	[sflag:s12] =	ssyncset.done $0x0  }
0x23: {  	[sflag:s12] =	ssyncadd.s32 $0xFFFFFF80  }
0x24: {  	[tilespmem:s17], [sflag:$0x1] =	stream.linear.gather [hbm4b:s5+s4], $0x80, $0x38;
	[tilespmem:$0xD880] =	vst v63  }
0x25: {  	_ =	swait.ge [sflag:s12], $0x80  }
0x26: {  	[sflag:s12] =	ssyncset.done $0x0  }
0x27: {  	[sflag:s12] =	ssyncadd.s32 $0xFFFFFF80  }
0x28: {  	[tilespmem:s4], [sflag:$0x1] =	stream.strided.gather [hbm4b:s8+s18], $0x2800, s19, s18, $0x38;
	[tilespmem:$0xD880] =	vst v63  }
0x29: {  	_ =	swait.ge [sflag:s12], $0x2800  }
0x2a: {  	[sflag:s12] =	ssyncset.done $0x0  }
0x2b: {  	[sflag:s12] =	ssyncadd.s32 $0xFFFFD800  }
0x2c: {  	[tilespmem:s20], [sflag:$0x1] =	stream.strided.gather [hbm4b:s9+s18], $0x2800, s19, s18, $0x38;
	[tilespmem:$0xD880] =	vst v63  }
0x2d: {  	_ =	swait.ge [sflag:s12], $0x2800  }
0x2e: {  	[sflag:s12] =	ssyncset.done $0x0  }
0x2f: {  	s25 =	simm.s32 $0x0;
	s24 =	simm.s32 $0x40;
	[sflag:s12] =	ssyncadd.s32 $0xFFFFD800  }
.LBB2_2:
0x30: {  	p0 =	sne.s32 s24, $0x9FC0;
	v1 =	vld [tilespmem:s25+$0x0];
	_ =	sdelay $0x7  }
0x31: {  	[tilespmem:v1+s11+$0x0] =	vst.idx.add.f32.msk $0xffff, v0  }
0x32: {  	v1 =	vld [tilespmem:s25+$0x2800];
	_ =	sdelay $0x3  }
.Ltmp0:
0x33: {  	(pc) =	sbr.rel @p0 .LBB2_2-.Ltmp0, $2  }
0x34: {  	_ =	sdelay $0x2  }
0x35: {  	s25 =	sshra.s32 s24, $0x2;
	s24 =	sadd.s32 $0x40, s24;
	[tilespmem:v1+s13+$0x0] =	vst.idx.add.f32.msk $0xffff, v0  }
0x36: {  	v1 =	vld [tilespmem:s25+$0x0];
	_ =	sdelay $0x7  }
0x37: {  	[tilespmem:v1+s11+$0x0] =	vst.idx.add.f32.msk $0xffff, v0  }
0x38: {  	v1 =	vld [tilespmem:s25+$0x2800];
	_ =	sdelay $0x7  }
0x39: {  	[tilespmem:v1+s13+$0x0] =	vst.idx.add.f32.msk $0xffff, v0  }
0x3a: {  	[bflag:$0x0] =	sbarrier.arrive $0xFFFF  }
0x3b: {  	[spmem:s2] =	stream.indirect.scatter.add.f32 [tilespmem:s11], [sflag:$0x1], $0x80, s17, s18, $0xb8;
	[tilespmem:$0xD880] =	vst v63  }
0x3c: {  	_ =	swait.ge [sflag:s12], $0x4000  }
0x3d: {  	[sflag:s12] =	ssyncset.done $0x0  }
0x3e: {  	[sflag:s12] =	ssyncadd.s32 $0xFFFFC000  }
0x3f: {  	[spmem:s3] =	stream.indirect.scatter.add.f32 [tilespmem:s13], [sflag:$0x1], $0x80, s17, s18, $0xb8;
	[tilespmem:$0xD880] =	vst v63  }
0x40: {  	_ =	swait.ge [sflag:s12], $0x4000  }
0x41: {  	[sflag:s12] =	ssyncset.done $0x0  }
0x42: {  	[sflag:s12] =	ssyncadd.s32 $0xFFFFC000  }
0x43: {  	[bflag:$0x0] =	sbarrier.arrive $0xFFFF  }
0x44: {  	[hbm:s21], [sflag:s14] =	dma.local [spmem:s15], $0x80  }
0x45: {  	s23 =	sadd.s32 $0x1, s23;
	_ =	swait.ge [sflag:s12], $0x80  }
0x46: {  	p0 =	sne.s32 s23, s10;
	[sflag:s12] =	ssyncset.done $0x0  }
.Ltmp1:
0x47: {  	[sflag:s12] =	ssyncadd.s32 $0xFFFFFF80;
	(pc) =	sbr.rel @p0 .LBB2_1-.Ltmp1, $4  }
0x48: {  	[hbm:s22], [sflag:s14] =	dma.local [spmem:s16], $0x80  }
0x49: {  	_ =	swait.ge [sflag:s12], $0x80  }
0x4a: {  	[sflag:s12] =	ssyncset.done $0x0  }
0x4b: {  	[sflag:s12] =	ssyncadd.s32 $0xFFFFFF80  }
0x4c: {  	_ =	sfence.sel $0x180000  }
0x4d: {  	[bflag:$0x0] =	sbarrier.arrive $0xFFFF  }
0x4e: {  	p0 =	sne.s32 s0, $0x0;
	_ =	strace $0x90000047  }
0x4f: {  	s0 =	sadd.s32 @!p0 $0x100000, s1;
	[bflag:$0x2] =	sbarrier.arrive $0xFFFF  }
0x50: {  	[sflag:s0] =	ssyncadd.tile.s32 @!p0 $0x1;
	_ =	shalt  }
.Lfunc_end2:
_tile_overlayer_lowered:
.L_overlay_start_2:
0x51: {  	(tag) =	ssettag $0x2  }
0x52: {  	s0 =	rddreg [dreg:$0x0];
	s2 =	stileid.u32  }
0x53: {  	s1 =	rddreg [dreg:$0x1];
	p0 =	sne.s32 s2, $0x0  }
0x54: {  	s3 =	rddreg [dreg:$0x2];
	[bflag:$0x3] =	sbarrier.arrive $0xFFFF;
	s2 =	simm.s32 @!p0 $0x1C01  }
0x55: {  	[timem:s3], [sflag:s2] =	dma.local @!p0 [hbm:s0], s1  }
0x56: {  	s0 =	simm.s32 @!p0 $0x1  }
0x57: {  	_ =	swait.ge @!p0 [sflag:s0], s1  }
0x58: {  	s1 =	ssub.s32 @!p0 $0x0, s1;
	[sflag:s0] =	ssyncset.done @!p0 $0x0  }
0x59: {  	[sflag:s0] =	ssyncadd.s32 @!p0 s1  }
0x5a: {  	[bflag:$0x3] =	sbarrier.arrive $0xFFFF  }
0x5b: {  	_ =	shalt  }

</sc_bundles>
